<compile_context>
chip_gen: v7x
topology: tpu7x:2x2x1
jax: 0.10.2.dev20260603
libtpu: 0.0.44.dev20260713+nightly
codegen_flags: <defaults>
</compile_context>

<pallas_src>
import functools

import jax
import jax.numpy as jnp
from jax import lax
from jax.experimental import pallas as pl
from jax.experimental.pallas import tpu as pltpu
from jax.experimental.pallas import tpu_sc as plsc

_N = 100000
_E = 1600000
_PE = 16
_H = 64

_W = 128
_WB = 5
_EP = 1638400
_NBLK = _EP // (_W * _WB)
_NWORK = 32
_BPT = _NBLK // _NWORK
_CH = _WB * _W

_NS = 100096
_NC = 100352
_SST = _NS // 16
_CST = _NC // 16
_TQ = 368

_R = 2048


def _sc_segsum(glpe, row3d, col3d, zs, zc, ones):
    mesh = plsc.VectorSubcoreMesh(core_axis_name="c", subcore_axis_name="s")

    @functools.partial(
        pl.kernel,
        out_type=[
            jax.ShapeDtypeStruct((2, _PE, _NS), jnp.float32),
            jax.ShapeDtypeStruct((2, 16, _CST), jnp.float32),
        ],
        mesh=mesh,
        compiler_params=pltpu.CompilerParams(use_tc_tiling_on_sc=False,
                                             needs_layout_passes=False),
        scratch_types=[
            pltpu.VMEM((1, _WB, _W), jnp.int32),
            pltpu.VMEM((1, _WB, _W), jnp.int32),
            pltpu.VMEM((_CH, _PE), jnp.float32),
            pltpu.VMEM((_W,), jnp.float32),
            pltpu.VMEM((2, _PE, _TQ), jnp.float32),
            pltpu.VMEM_SHARED((_NS, _PE), jnp.float32),
            pltpu.VMEM_SHARED((_NC,), jnp.float32),
            pltpu.SemaphoreType.DMA,
            pltpu.SemaphoreType.DMA,
            pltpu.SemaphoreType.DMA,
        ],
    )
    def k(glpe_hbm, row_hbm, col_hbm, zs_hbm, zc_hbm, ones_hbm,
          s_out, c_out, row_v, col_v, rows_v, ones_v, t_v, s_sh, c_sh,
          gsem, ssem, csem):
        c = lax.axis_index("c")
        s = lax.axis_index("s")
        w = c * 16 + s
        pltpu.sync_copy(zs_hbm, s_sh.at[pl.ds(s * _SST, _SST)])
        pltpu.sync_copy(zc_hbm, c_sh.at[pl.ds(s * _CST, _CST)])
        pltpu.sync_copy(ones_hbm, ones_v)
        plsc.subcore_barrier()

        @pl.loop(0, _BPT)
        def _(sc):
            base = w * _BPT + sc
            pltpu.sync_copy(row_hbm.at[pl.ds(base, 1)], row_v)
            pltpu.sync_copy(col_hbm.at[pl.ds(base, 1)], col_v)

            @pl.loop(0, _WB)
            def _(j):
                pltpu.async_copy(glpe_hbm.at[row_v.at[0, j]],
                                 rows_v.at[pl.ds(j * _W, _W)], gsem)

            pltpu.make_async_copy(glpe_hbm.at[pl.ds(0, _CH)],
                                  rows_v, gsem).wait()

            @pl.loop(0, _WB)
            def _(j):
                src = rows_v.at[pl.ds(j * _W, _W)]
                pltpu.async_copy(src, s_sh.at[col_v.at[0, j]],
                                 ssem, add=True)
                pltpu.async_copy(ones_v, c_sh.at[col_v.at[0, j]],
                                 csem, add=True)

            pltpu.make_async_copy(rows_v, s_sh.at[pl.ds(0, _CH)],
                                  ssem).wait()
            pltpu.make_async_copy(zc_hbm.at[pl.ds(0, _CH)],
                                  c_sh.at[pl.ds(0, _CH)], csem).wait()

        plsc.subcore_barrier()
        lanes = lax.iota(jnp.int32, 16)

        def drain_chunk(j):
            roff = s * _SST + j * _TQ
            for k in range(16):
                pltpu.make_async_copy(
                    t_v.at[j % 2, k],
                    s_out.at[c, k, pl.ds(roff, _TQ)], gsem).wait()

        @pl.loop(0, 17)
        def _(q):
            @pl.when(q >= 2)
            def _():
                drain_chunk(q - 2)

            roff = s * _SST + q * _TQ
            pltpu.sync_copy(s_sh.at[pl.ds(roff, _TQ)],
                            rows_v.at[pl.ds(0, _TQ)])

            @pl.loop(0, _TQ)
            def _(r):
                plsc.store_scatter(t_v.at[q % 2],
                                   [lanes, jnp.full((16,), r, jnp.int32)],
                                   rows_v[r])

            for k in range(16):
                pltpu.async_copy(t_v.at[q % 2, k],
                                 s_out.at[c, k, pl.ds(roff, _TQ)], gsem)

        drain_chunk(15)
        drain_chunk(16)
        pltpu.sync_copy(c_sh.at[pl.ds(s * _CST, _CST)], c_out.at[c, s])

    return k(glpe, row3d, col3d, zs, zc, ones)


def _tc_combine(x_clique, deg2d, tree_lpe, seg, cnt, demb_pad,
                w1, b1, w2, b2, tw, tb, lw_aug):
    def body(x_ref, d_ref, t_ref, s_ref, c_ref, de_ref, w1_ref, b1_ref,
             w2_ref, b2_ref, tw_ref, tb_ref, lwa_ref, o_ref):
        t3 = jax.nn.relu(
            jnp.dot(de_ref[...], w1_ref[...],
                    preferred_element_type=jnp.float32) + b1_ref[...])
        t4 = jnp.dot(t3, w2_ref[...], preferred_element_type=jnp.float32)
        iota = lax.broadcasted_iota(jnp.int32, (128, _R), 0)
        onehot_t = (d_ref[...] == iota).astype(jnp.float32)
        deg_part = lax.dot_general(onehot_t, t4, (((0,), (0,)), ((), ())),
                                   preferred_element_type=jnp.float32)
        base = (jnp.dot(x_ref[...], w2_ref[...],
                        preferred_element_type=jnp.float32)
                + deg_part + b2_ref[...])
        t = t_ref[...]
        t = jnp.where(t == t, t, 0.0)
        tree_pe = jnp.dot(t, tw_ref[...],
                          preferred_element_type=jnp.float32) + tb_ref[...]
        cn = c_ref[0] + c_ref[1]
        recip = 1.0 / jnp.maximum(cn, 1.0)
        mn = jnp.minimum(cn, 1.0)
        ssum = s_ref[0] + s_ref[1]
        aug = jnp.concatenate([ssum * recip, mn], axis=0)
        pe = lax.dot_general(aug, lwa_ref[...],
                             (((0,), (0,)), ((), ())),
                             preferred_element_type=jnp.float32)
        o_ref[...] = base + jnp.concatenate([pe, tree_pe], axis=1)

    full = lambda shape: pl.BlockSpec(shape, lambda i: (0,) * len(shape))
    return pl.pallas_call(
        body,
        grid=(49,),
        in_specs=[
            pl.BlockSpec((_R, _H), lambda i: (i, 0)),
            pl.BlockSpec((1, _R), lambda i: (0, i)),
            pl.BlockSpec((_R, _PE), lambda i: (i, 0)),
            pl.BlockSpec((2, _PE, _R), lambda i: (0, 0, i)),
            pl.BlockSpec((2, 1, _R), lambda i: (0, 0, i)),
            full((128, _H)),
            full((_H, _H)),
            full((1, _H)),
            full((_H, _H)),
            full((1, _H)),
            full((_PE, _H // 2)),
            full((1, _H // 2)),
            full((_PE + 1, _H // 2)),
        ],
        out_specs=pl.BlockSpec((_R, _H), lambda i: (i, 0)),
        out_shape=jax.ShapeDtypeStruct((_N, _H), jnp.float32),
    )(x_clique, deg2d, tree_lpe, seg, cnt, demb_pad,
      w1, b1, w2, b2, tw, tb, lw_aug)


def kernel(x_clique, tree_degree, tree_lpe, graph_lpe, atom2clique_index,
           deg_emb, deg_lin_w, deg_lin_b, deg_merge_w, deg_merge_b,
           tree_lpe_w, tree_lpe_b, lpe_w, lpe_b):
    padi = jnp.arange(_EP - _E, dtype=jnp.int32)
    padc = _N + padi % (_NS - _N)
    pad = jnp.stack([padi * 997 % _N, padc])
    a2cp = jnp.concatenate([atom2clique_index, pad], axis=1)
    row3d = a2cp[0].reshape(_NBLK, _WB, _W)
    col3d = a2cp[1].reshape(_NBLK, _WB, _W)
    zs = jnp.zeros((_SST, _PE), jnp.float32)
    zc = jnp.zeros((_CST,), jnp.float32)
    ones = jnp.ones((_W,), jnp.float32)
    seg, cnt = _sc_segsum(graph_lpe, row3d, col3d, zs, zc, ones)
    cnt = cnt.reshape(2, 1, _NC)

    deg2d = tree_degree.reshape(1, _N)
    demb_pad = jnp.zeros((128, _H), jnp.float32).at[:100].set(deg_emb)
    lw_aug = jnp.concatenate([lpe_w, lpe_b.reshape(1, _H // 2)], axis=0)
    return _tc_combine(
        x_clique, deg2d, tree_lpe, seg, cnt, demb_pad,
        deg_lin_w, deg_lin_b.reshape(1, _H),
        deg_merge_w, deg_merge_b.reshape(1, _H),
        tree_lpe_w, tree_lpe_b.reshape(1, _H // 2), lw_aug)

# --- scband reference (transcript-rebuilt; emitter-appended) ---
"""Pipeline reference for scband-positional-encoding-9320079032502 (READ-ONLY COPY).

The authoritative reference and input builder live on the scoring server;
editing this copy changes nothing except your own understanding.
"""

import jax, jax.numpy as jnp
import numpy as np

N_ATOM = 100000
N_CLIQUE = 100000
E = 1600000
PE = 16
H = 64


def setup_inputs(seed: int = 0) -> dict:
    key = jax.random.key(seed)
    ks = jax.random.split(key, 16)
    inp = {}
    inp["x_clique"] = jax.random.normal(ks[0], (N_CLIQUE, H), dtype=jnp.float32)
    inp["tree_degree"] = jax.random.randint(ks[1], (N_CLIQUE,), 0, 100, dtype=jnp.int32)
    inp["tree_lpe"] = jax.random.normal(ks[2], (N_CLIQUE, PE), dtype=jnp.float32)
    inp["graph_lpe"] = jax.random.normal(ks[3], (N_ATOM, PE), dtype=jnp.float32)
    inp["atom2clique_index"] = jax.random.randint(ks[4], (2, E), 0, N_CLIQUE, dtype=jnp.int32)
    # learned parameters (torch Linear uses y = x @ W.T + b; here W stored as [in, out])
    inp["deg_emb"] = jax.random.normal(ks[5], (100, H), dtype=jnp.float32) * 0.02
    inp["deg_lin_w"] = jax.random.normal(ks[6], (H, H), dtype=jnp.float32) / np.sqrt(H)
    inp["deg_lin_b"] = jnp.zeros((H,), dtype=jnp.float32)
    inp["deg_merge_w"] = jax.random.normal(ks[7], (H, H), dtype=jnp.float32) / np.sqrt(H)
    inp["deg_merge_b"] = jnp.zeros((H,), dtype=jnp.float32)
    inp["tree_lpe_w"] = jax.random.normal(ks[8], (PE, H // 2), dtype=jnp.float32) / np.sqrt(PE)
    inp["tree_lpe_b"] = jnp.zeros((H // 2,), dtype=jnp.float32)
    inp["lpe_w"] = jax.random.normal(ks[9], (PE, H // 2), dtype=jnp.float32) / np.sqrt(PE)
    inp["lpe_b"] = jnp.zeros((H // 2,), dtype=jnp.float32)
    return inp


def reference(x_clique, tree_degree, tree_lpe, graph_lpe, atom2clique_index,
              deg_emb, deg_lin_w, deg_lin_b, deg_merge_w, deg_merge_b,
              tree_lpe_w, tree_lpe_b, lpe_w, lpe_b):
    # degree embedding branch
    deg = jnp.take(deg_emb, tree_degree, axis=0)
    deg = jax.nn.relu(deg @ deg_lin_w + deg_lin_b)
    x = x_clique + deg
    x = x @ deg_merge_w + deg_merge_b
    # NaN masking on LPEs
    tree_pe = jnp.where(jnp.isnan(tree_lpe), 0.0, tree_lpe).astype(jnp.float32)
    pe = jnp.where(jnp.isnan(graph_lpe), 0.0, graph_lpe).astype(jnp.float32)
    # pe_source == 'both', signet=False, bypass=False
    tree_pe = tree_pe @ tree_lpe_w + tree_lpe_b
    pe = pe @ lpe_w + lpe_b
    # scatter-mean of atom PEs onto cliques
    row = atom2clique_index[0]
    col = atom2clique_index[1]
    gathered = jnp.take(pe, row, axis=0)
    seg_sum = jax.ops.segment_sum(gathered, col, num_segments=N_CLIQUE)
    cnt = jax.ops.segment_sum(jnp.ones((E,), dtype=jnp.float32), col, num_segments=N_CLIQUE)
    pe_mean = seg_sum / jnp.clip(cnt, 1.0, None)[:, None]
    # concat_pe=False -> add
    x = x + jnp.concatenate([pe_mean, tree_pe], axis=-1)
    return x

if __name__ == "__main__":
    import jax
    _d = setup_inputs()
    print(jax.jit(kernel)(*tuple(_d.values())))

</pallas_src>

<mosaic_0001>
#map = affine_map<(d0, d1) -> (0, 0)>
#map1 = affine_map<(d0, d1) -> (0, 0, 0)>
#map2 = affine_map<(d0, d1) -> (0)>
module attributes {stable_mosaic.version = 14 : i64} {
  func.func @k(%arg0: i32, %arg1: i32, %arg2: memref<100000x16xf32, #tpu.memory_space<hbm>>, %arg3: memref<2560x5x128xi32, #tpu.memory_space<hbm>>, %arg4: memref<2560x5x128xi32, #tpu.memory_space<hbm>>, %arg5: memref<6256x16xf32, #tpu.memory_space<hbm>>, %arg6: memref<6272xf32, #tpu.memory_space<hbm>>, %arg7: memref<128xf32, #tpu.memory_space<hbm>>, %arg8: memref<2x16x100096xf32, #tpu.memory_space<hbm>>, %arg9: memref<2x16x6272xf32, #tpu.memory_space<hbm>>, %arg10: memref<1x5x128xi32, #tpu.memory_space<vmem>>, %arg11: memref<1x5x128xi32, #tpu.memory_space<vmem>>, %arg12: memref<640x16xf32, #tpu.memory_space<vmem>>, %arg13: memref<128xf32, #tpu.memory_space<vmem>>, %arg14: memref<2x16x368xf32, #tpu.memory_space<vmem>>, %arg15: memref<100096x16xf32, #tpu.memory_space<vmem_shared>>, %arg16: memref<100352xf32, #tpu.memory_space<vmem_shared>>, %arg17: memref<!tpu.dma_semaphore, #tpu.memory_space<semaphore_mem>>, %arg18: memref<!tpu.dma_semaphore, #tpu.memory_space<semaphore_mem>>, %arg19: memref<!tpu.dma_semaphore, #tpu.memory_space<semaphore_mem>>) attributes {dimension_semantics = [#tpu.dimension_semantics<core_parallel>, #tpu.dimension_semantics<subcore_parallel>], iteration_bounds = array<i64: 2, 16>, scalar_prefetch = 0 : i64, scratch_operands = 10 : i64, tpu.core_type = #tpu.core_type<sc_vector_subcore>, window_params = [{transform_indices = #map}, {transform_indices = #map1}, {transform_indices = #map1}, {transform_indices = #map}, {transform_indices = #map2}, {transform_indices = #map2}, {transform_indices = #map1}, {transform_indices = #map1}]} {
    %mul3A = arith.constant 16 : i32
    %mul3A_0 = arith.muli %arg0, %mul3A : i32
    %add3A = arith.addi %mul3A_0, %arg1 : i32
    %mul3A_1 = arith.constant 6256 : i32
    %mul3A_2 = arith.muli %arg1, %mul3A_1 : i32
    "tpu.region"() ({
      %run_scoped3A = tpu.sem_alloc : memref<!tpu.dma_semaphore, #tpu.memory_space<semaphore_mem>>
      %dma_start3A = arith.constant 0 : i32
      %dma_start3A_440 = tpu.memref_slice %arg15[%mul3A_2, %dma_start3A] : memref<100096x16xf32, #tpu.memory_space<vmem_shared>> -> memref<6256x16xf32, #tpu.memory_space<vmem_shared>>
      tpu.enqueue_dma source(%arg5 : memref<6256x16xf32, #tpu.memory_space<hbm>>) target(%dma_start3A_440 : memref<6256x16xf32, #tpu.memory_space<vmem_shared>>) target_semaphore(%run_scoped3A : memref<!tpu.dma_semaphore, #tpu.memory_space<semaphore_mem>>)
      %dma_wait3A_441 = arith.constant 0 : i32
      %dma_wait3A_442 = tpu.memref_slice %arg15[%mul3A_2, %dma_wait3A_441] : memref<100096x16xf32, #tpu.memory_space<vmem_shared>> -> memref<6256x16xf32, #tpu.memory_space<vmem_shared>>
      tpu.wait_dma2 semaphore(%run_scoped3A : memref<!tpu.dma_semaphore, #tpu.memory_space<semaphore_mem>>) src(%arg5 : memref<6256x16xf32, #tpu.memory_space<hbm>>) dst(%dma_wait3A_442 : memref<6256x16xf32, #tpu.memory_space<vmem_shared>>)
      tpu.yield
    }) : () -> ()
    %mul3A_3 = arith.constant 6272 : i32
    %mul3A_4 = arith.muli %arg1, %mul3A_3 : i32
    "tpu.region"() ({
      %run_scoped3A = tpu.sem_alloc : memref<!tpu.dma_semaphore, #tpu.memory_space<semaphore_mem>>
      %dma_start3A = tpu.memref_slice %arg16[%mul3A_4] : memref<100352xf32, #tpu.memory_space<vmem_shared>> -> memref<6272xf32, #tpu.memory_space<vmem_shared>>
      tpu.enqueue_dma source(%arg6 : memref<6272xf32, #tpu.memory_space<hbm>>) target(%dma_start3A : memref<6272xf32, #tpu.memory_space<vmem_shared>>) target_semaphore(%run_scoped3A : memref<!tpu.dma_semaphore, #tpu.memory_space<semaphore_mem>>)
      %dma_wait3A_440 = tpu.memref_slice %arg16[%mul3A_4] : memref<100352xf32, #tpu.memory_space<vmem_shared>> -> memref<6272xf32, #tpu.memory_space<vmem_shared>>
      tpu.wait_dma2 semaphore(%run_scoped3A : memref<!tpu.dma_semaphore, #tpu.memory_space<semaphore_mem>>) src(%arg6 : memref<6272xf32, #tpu.memory_space<hbm>>) dst(%dma_wait3A_440 : memref<6272xf32, #tpu.memory_space<vmem_shared>>)
      tpu.yield
    }) : () -> ()
    "tpu.region"() ({
      %run_scoped3A = tpu.sem_alloc : memref<!tpu.dma_semaphore, #tpu.memory_space<semaphore_mem>>
      tpu.enqueue_dma source(%arg7 : memref<128xf32, #tpu.memory_space<hbm>>) target(%arg13 : memref<128xf32, #tpu.memory_space<vmem>>) target_semaphore(%run_scoped3A : memref<!tpu.dma_semaphore, #tpu.memory_space<semaphore_mem>>)
      tpu.wait_dma2 semaphore(%run_scoped3A : memref<!tpu.dma_semaphore, #tpu.memory_space<semaphore_mem>>) src(%arg7 : memref<128xf32, #tpu.memory_space<hbm>>) dst(%arg13 : memref<128xf32, #tpu.memory_space<vmem>>)
      tpu.yield
    }) : () -> ()
    %barrier3A = arith.constant 0 : index
    tpu.barrier barrier_id(%barrier3A)
    %scan3A = arith.constant 0 : i32
    %scan3A_5 = arith.constant 80 : i32
    %scan3A_6 = arith.addi %scan3A, %scan3A_5 : i32
    %scan3A_7 = arith.constant 1 : i32
    scf.for %scan3A_440 = %scan3A to %scan3A_6 step %scan3A_7  : i32 {
      %mul3A_441 = arith.constant 1 : i32
      %mul3A_442 = arith.muli %scan3A_440, %mul3A_441 : i32
      %add3A_443 = arith.constant 0 : i32
      %add3A_444 = arith.addi %add3A_443, %mul3A_442 : i32
      %mul3A_445 = arith.constant 80 : i32
      %mul3A_446 = arith.muli %add3A, %mul3A_445 : i32
      %add3A_447 = arith.addi %mul3A_446, %add3A_444 : i32
      "tpu.region"() ({
        %run_scoped3A = tpu.sem_alloc : memref<!tpu.dma_semaphore, #tpu.memory_space<semaphore_mem>>
        %dma_start3A = arith.constant 0 : i32
        %dma_start3A_474 = arith.constant 0 : i32
        %dma_start3A_475 = tpu.memref_slice %arg3[%add3A_447, %dma_start3A, %dma_start3A_474] : memref<2560x5x128xi32, #tpu.memory_space<hbm>> -> memref<1x5x128xi32, #tpu.memory_space<hbm>>
        %dma_start3A_476 = arith.constant 0 : i32
        %dma_start3A_477 = arith.constant 0 : i32
        %dma_start3A_478 = tpu.memref_slice %arg3[%add3A_447, %dma_start3A_476, %dma_start3A_477] : memref<2560x5x128xi32, #tpu.memory_space<hbm>> -> memref<1x5x128xi32, #tpu.memory_space<hbm>>
        tpu.enqueue_dma source(%dma_start3A_478 : memref<1x5x128xi32, #tpu.memory_space<hbm>>) target(%arg10 : memref<1x5x128xi32, #tpu.memory_space<vmem>>) target_semaphore(%run_scoped3A : memref<!tpu.dma_semaphore, #tpu.memory_space<semaphore_mem>>)
        %dma_wait3A_479 = arith.constant 0 : i32
        %dma_wait3A_480 = arith.constant 0 : i32
        %dma_wait3A_481 = tpu.memref_slice %arg3[%add3A_447, %dma_wait3A_479, %dma_wait3A_480] : memref<2560x5x128xi32, #tpu.memory_space<hbm>> -> memref<1x5x128xi32, #tpu.memory_space<hbm>>
        %dma_wait3A_482 = arith.constant 0 : i32
        %dma_wait3A_483 = arith.constant 0 : i32
        %dma_wait3A_484 = tpu.memref_slice %arg3[%add3A_447, %dma_wait3A_482, %dma_wait3A_483] : memref<2560x5x128xi32, #tpu.memory_space<hbm>> -> memref<1x5x128xi32, #tpu.memory_space<hbm>>
        tpu.wait_dma2 semaphore(%run_scoped3A : memref<!tpu.dma_semaphore, #tpu.memory_space<semaphore_mem>>) src(%dma_wait3A_484 : memref<1x5x128xi32, #tpu.memory_space<hbm>>) dst(%arg10 : memref<1x5x128xi32, #tpu.memory_space<vmem>>)
        tpu.yield
      }) : () -> ()
      "tpu.region"() ({
        %run_scoped3A = tpu.sem_alloc : memref<!tpu.dma_semaphore, #tpu.memory_space<semaphore_mem>>
        %dma_start3A = arith.constant 0 : i32
        %dma_start3A_474 = arith.constant 0 : i32
        %dma_start3A_475 = tpu.memref_slice %arg4[%add3A_447, %dma_start3A, %dma_start3A_474] : memref<2560x5x128xi32, #tpu.memory_space<hbm>> -> memref<1x5x128xi32, #tpu.memory_space<hbm>>
        %dma_start3A_476 = arith.constant 0 : i32
        %dma_start3A_477 = arith.constant 0 : i32
        %dma_start3A_478 = tpu.memref_slice %arg4[%add3A_447, %dma_start3A_476, %dma_start3A_477] : memref<2560x5x128xi32, #tpu.memory_space<hbm>> -> memref<1x5x128xi32, #tpu.memory_space<hbm>>
        tpu.enqueue_dma source(%dma_start3A_478 : memref<1x5x128xi32, #tpu.memory_space<hbm>>) target(%arg11 : memref<1x5x128xi32, #tpu.memory_space<vmem>>) target_semaphore(%run_scoped3A : memref<!tpu.dma_semaphore, #tpu.memory_space<semaphore_mem>>)
        %dma_wait3A_479 = arith.constant 0 : i32
        %dma_wait3A_480 = arith.constant 0 : i32
        %dma_wait3A_481 = tpu.memref_slice %arg4[%add3A_447, %dma_wait3A_479, %dma_wait3A_480] : memref<2560x5x128xi32, #tpu.memory_space<hbm>> -> memref<1x5x128xi32, #tpu.memory_space<hbm>>
        %dma_wait3A_482 = arith.constant 0 : i32
        %dma_wait3A_483 = arith.constant 0 : i32
        %dma_wait3A_484 = tpu.memref_slice %arg4[%add3A_447, %dma_wait3A_482, %dma_wait3A_483] : memref<2560x5x128xi32, #tpu.memory_space<hbm>> -> memref<1x5x128xi32, #tpu.memory_space<hbm>>
        tpu.wait_dma2 semaphore(%run_scoped3A : memref<!tpu.dma_semaphore, #tpu.memory_space<semaphore_mem>>) src(%dma_wait3A_484 : memref<1x5x128xi32, #tpu.memory_space<hbm>>) dst(%arg11 : memref<1x5x128xi32, #tpu.memory_space<vmem>>)
        tpu.yield
      }) : () -> ()
      %scan3A_448 = arith.constant 0 : i32
      %scan3A_449 = arith.constant 5 : i32
      %scan3A_450 = arith.addi %scan3A_448, %scan3A_449 : i32
      %scan3A_451 = arith.constant 1 : i32
      scf.for %scan3A_474 = %scan3A_448 to %scan3A_450 step %scan3A_451  : i32 {
        %mul3A_475 = arith.constant 1 : i32
        %mul3A_476 = arith.muli %scan3A_474, %mul3A_475 : i32
        %add3A_477 = arith.constant 0 : i32
        %add3A_478 = arith.addi %add3A_477, %mul3A_476 : i32
        %mul3A_479 = arith.constant 128 : i32
        %mul3A_480 = arith.muli %add3A_478, %mul3A_479 : i32
        %dma_start3A = arith.constant 0 : i32
        %dma_start3A_481 = arith.constant 0 : i32
        %dma_start3A_482 = tpu.memref_slice %arg12[%mul3A_480, %dma_start3A_481] : memref<640x16xf32, #tpu.memory_space<vmem>> -> memref<128x16xf32, #tpu.memory_space<vmem>>
        %dma_start3A_483 = arith.constant 0 : i32
        %dma_start3A_484 = tpu.memref_slice %arg10[%dma_start3A, %add3A_478, %dma_start3A_483] : memref<1x5x128xi32, #tpu.memory_space<vmem>> -> memref<1x1x128xi32, #tpu.memory_space<vmem>>
        %dma_start3A_485 = tpu.memref_squeeze %dma_start3A_484 : memref<1x1x128xi32, #tpu.memory_space<vmem>> -> memref<128xi32, #tpu.memory_space<vmem>>
        %dma_start3A_486 = arith.constant 0 : i32
        %dma_start3A_487 = arith.constant 0 : i32
        %dma_start3A_488 = tpu.memref_slice %arg2[%dma_start3A_486, %dma_start3A_487] : memref<100000x16xf32, #tpu.memory_space<hbm>> -> memref<100000x16xf32, #tpu.memory_space<hbm>>
        tpu.enqueue_indirect_dma source(%dma_start3A_488 : memref<100000x16xf32, #tpu.memory_space<hbm>>) target(%dma_start3A_482 : memref<128x16xf32, #tpu.memory_space<vmem>>) offsets(%dma_start3A_485 : memref<128xi32, #tpu.memory_space<vmem>>) semaphore(%arg17 : memref<!tpu.dma_semaphore, #tpu.memory_space<semaphore_mem>>)
      }
      %scan3A_452 = arith.constant 5 : i32
      %dma_wait3A_453 = arith.constant 0 : i32
      %dma_wait3A_454 = arith.constant 0 : i32
      %dma_wait3A_455 = tpu.memref_slice %arg2[%dma_wait3A_453, %dma_wait3A_454] : memref<100000x16xf32, #tpu.memory_space<hbm>> -> memref<640x16xf32, #tpu.memory_space<hbm>>
      %dma_wait3A_456 = arith.constant 0 : i32
      %dma_wait3A_457 = arith.constant 0 : i32
      %dma_wait3A_458 = tpu.memref_slice %arg2[%dma_wait3A_456, %dma_wait3A_457] : memref<100000x16xf32, #tpu.memory_space<hbm>> -> memref<640x16xf32, #tpu.memory_space<hbm>>
      tpu.wait_dma2 semaphore(%arg17 : memref<!tpu.dma_semaphore, #tpu.memory_space<semaphore_mem>>) src(%dma_wait3A_458 : memref<640x16xf32, #tpu.memory_space<hbm>>) dst(%arg12 : memref<640x16xf32, #tpu.memory_space<vmem>>)
      %scan3A_459 = arith.constant 0 : i32
      %scan3A_460 = arith.constant 5 : i32
      %scan3A_461 = arith.addi %scan3A_459, %scan3A_460 : i32
      %scan3A_462 = arith.constant 1 : i32
      scf.for %scan3A_474 = %scan3A_459 to %scan3A_461 step %scan3A_462  : i32 {
        %mul3A_475 = arith.constant 1 : i32
        %mul3A_476 = arith.muli %scan3A_474, %mul3A_475 : i32
        %add3A_477 = arith.constant 0 : i32
        %add3A_478 = arith.addi %add3A_477, %mul3A_476 : i32
        %mul3A_479 = arith.constant 128 : i32
        %mul3A_480 = arith.muli %add3A_478, %mul3A_479 : i32
        %dma_start3A = arith.constant 0 : i32
        %dma_start3A_481 = arith.constant 0 : i32
        %dma_start3A_482 = tpu.memref_slice %arg12[%mul3A_480, %dma_start3A_481] : memref<640x16xf32, #tpu.memory_space<vmem>> -> memref<128x16xf32, #tpu.memory_space<vmem>>
        %dma_start3A_483 = arith.constant 0 : i32
        %dma_start3A_484 = tpu.memref_slice %arg11[%dma_start3A, %add3A_478, %dma_start3A_483] : memref<1x5x128xi32, #tpu.memory_space<vmem>> -> memref<1x1x128xi32, #tpu.memory_space<vmem>>
        %dma_start3A_485 = tpu.memref_squeeze %dma_start3A_484 : memref<1x1x128xi32, #tpu.memory_space<vmem>> -> memref<128xi32, #tpu.memory_space<vmem>>
        %dma_start3A_486 = arith.constant 0 : i32
        %dma_start3A_487 = arith.constant 0 : i32
        %dma_start3A_488 = tpu.memref_slice %arg15[%dma_start3A_486, %dma_start3A_487] : memref<100096x16xf32, #tpu.memory_space<vmem_shared>> -> memref<100096x16xf32, #tpu.memory_space<vmem_shared>>
        tpu.enqueue_indirect_dma source(%dma_start3A_482 : memref<128x16xf32, #tpu.memory_space<vmem>>) target(%dma_start3A_488 : memref<100096x16xf32, #tpu.memory_space<vmem_shared>>) offsets(%dma_start3A_485 : memref<128xi32, #tpu.memory_space<vmem>>) semaphore(%arg18 : memref<!tpu.dma_semaphore, #tpu.memory_space<semaphore_mem>>) {add = true}
        %dma_start3A_489 = arith.constant 0 : i32
        %dma_start3A_490 = arith.constant 0 : i32
        %dma_start3A_491 = tpu.memref_slice %arg11[%dma_start3A_489, %add3A_478, %dma_start3A_490] : memref<1x5x128xi32, #tpu.memory_space<vmem>> -> memref<1x1x128xi32, #tpu.memory_space<vmem>>
        %dma_start3A_492 = tpu.memref_squeeze %dma_start3A_491 : memref<1x1x128xi32, #tpu.memory_space<vmem>> -> memref<128xi32, #tpu.memory_space<vmem>>
        %dma_start3A_493 = arith.constant 0 : i32
        %dma_start3A_494 = tpu.memref_slice %arg16[%dma_start3A_493] : memref<100352xf32, #tpu.memory_space<vmem_shared>> -> memref<100352xf32, #tpu.memory_space<vmem_shared>>
        tpu.enqueue_indirect_dma source(%arg13 : memref<128xf32, #tpu.memory_space<vmem>>) target(%dma_start3A_494 : memref<100352xf32, #tpu.memory_space<vmem_shared>>) offsets(%dma_start3A_492 : memref<128xi32, #tpu.memory_space<vmem>>) semaphore(%arg19 : memref<!tpu.dma_semaphore, #tpu.memory_space<semaphore_mem>>) {add = true}
      }
      %scan3A_463 = arith.constant 5 : i32
      %dma_wait3A_464 = arith.constant 0 : i32
      %dma_wait3A_465 = arith.constant 0 : i32
      %dma_wait3A_466 = tpu.memref_slice %arg15[%dma_wait3A_464, %dma_wait3A_465] : memref<100096x16xf32, #tpu.memory_space<vmem_shared>> -> memref<640x16xf32, #tpu.memory_space<vmem_shared>>
      %dma_wait3A_467 = arith.constant 0 : i32
      %dma_wait3A_468 = arith.constant 0 : i32
      %dma_wait3A_469 = tpu.memref_slice %arg15[%dma_wait3A_467, %dma_wait3A_468] : memref<100096x16xf32, #tpu.memory_space<vmem_shared>> -> memref<640x16xf32, #tpu.memory_space<vmem_shared>>
      tpu.wait_dma2 semaphore(%arg18 : memref<!tpu.dma_semaphore, #tpu.memory_space<semaphore_mem>>) src(%arg12 : memref<640x16xf32, #tpu.memory_space<vmem>>) dst(%dma_wait3A_469 : memref<640x16xf32, #tpu.memory_space<vmem_shared>>)
      %dma_wait3A_470 = arith.constant 0 : i32
      %dma_wait3A_471 = tpu.memref_slice %arg16[%dma_wait3A_470] : memref<100352xf32, #tpu.memory_space<vmem_shared>> -> memref<640xf32, #tpu.memory_space<vmem_shared>>
      %dma_wait3A_472 = arith.constant 0 : i32
      %dma_wait3A_473 = tpu.memref_slice %arg6[%dma_wait3A_472] : memref<6272xf32, #tpu.memory_space<hbm>> -> memref<640xf32, #tpu.memory_space<hbm>>
      tpu.wait_dma2 semaphore(%arg19 : memref<!tpu.dma_semaphore, #tpu.memory_space<semaphore_mem>>) src(%dma_wait3A_473 : memref<640xf32, #tpu.memory_space<hbm>>) dst(%dma_wait3A_471 : memref<640xf32, #tpu.memory_space<vmem_shared>>)
    }
    %scan3A_8 = arith.constant 80 : i32
    %barrier3A_9 = arith.constant 0 : index
    tpu.barrier barrier_id(%barrier3A_9)
    %iota3A = tpu.iota {dimensions = array<i32: 0>} : vector<16xi32>
    %scan3A_10 = arith.constant 0 : i32
    %scan3A_11 = arith.constant 17 : i32
    %scan3A_12 = arith.addi %scan3A_10, %scan3A_11 : i32
    %scan3A_13 = arith.constant 1 : i32
    scf.for %scan3A_440 = %scan3A_10 to %scan3A_12 step %scan3A_13  : i32 {
      %mul3A_441 = arith.constant 1 : i32
      %mul3A_442 = arith.muli %scan3A_440, %mul3A_441 : i32
      %add3A_443 = arith.constant 0 : i32
      %add3A_444 = arith.addi %add3A_443, %mul3A_442 : i32
      %ge3A = arith.constant 2 : i32
      %ge3A_445 = arith.cmpi sge, %add3A_444, %ge3A : i32
      %convert_element_type3A = arith.extui %ge3A_445 : i1 to i32
      %cond3A = arith.constant 0 : i32
      %cond3A_446 = arith.cmpi ne, %convert_element_type3A, %cond3A : i32
      scf.if %cond3A_446 {
        %sub3A = arith.constant 2 : i32
        %sub3A_897 = arith.subi %add3A_444, %sub3A : i32
        %mul3A_898 = arith.constant 6256 : i32
        %mul3A_899 = arith.muli %arg1, %mul3A_898 : i32
        %mul3A_900 = arith.constant 368 : i32
        %mul3A_901 = arith.muli %sub3A_897, %mul3A_900 : i32
        %add3A_902 = arith.addi %mul3A_899, %mul3A_901 : i32
        %jit3A_903 = arith.constant 2 : i32
        %eq3A_904 = arith.constant 0 : i32
        %eq3A_905 = arith.cmpi eq, %jit3A_903, %eq3A_904 : i32
        %jit3A_906 = arith.constant 1 : i32
        %select_n3A_907 = arith.select %eq3A_905, %jit3A_906, %jit3A_903 : i32
        %rem3A_908 = arith.remsi %sub3A_897, %select_n3A_907 : i32
        %ne3A_909 = arith.constant 0 : i32
        %ne3A_910 = arith.cmpi ne, %rem3A_908, %ne3A_909 : i32
        %lt3A_911 = arith.constant 0 : i32
        %lt3A_912 = arith.cmpi slt, %rem3A_908, %lt3A_911 : i32
        %lt3A_913 = arith.constant 0 : i32
        %lt3A_914 = arith.cmpi slt, %select_n3A_907, %lt3A_913 : i32
        %ne3A_915 = arith.xori %lt3A_912, %lt3A_914 : i1
        %and3A_916 = arith.andi %ne3A_915, %ne3A_910 : i1
        %add3A_917 = arith.addi %rem3A_908, %select_n3A_907 : i32
        %select_n3A_918 = arith.select %and3A_916, %add3A_917, %rem3A_908 : i32
        %dma_wait3A_919 = arith.constant 0 : i32
        %dma_wait3A_920 = arith.constant 0 : i32
        %dma_wait3A_921 = arith.constant 0 : i32
        %dma_wait3A_922 = tpu.memref_slice %arg14[%select_n3A_918, %dma_wait3A_919, %dma_wait3A_921] : memref<2x16x368xf32, #tpu.memory_space<vmem>> -> memref<1x1x368xf32, #tpu.memory_space<vmem>>
        %dma_wait3A_923 = tpu.memref_squeeze %dma_wait3A_922 : memref<1x1x368xf32, #tpu.memory_space<vmem>> -> memref<368xf32, #tpu.memory_space<vmem>>
        %dma_wait3A_924 = tpu.memref_slice %arg8[%arg0, %dma_wait3A_920, %add3A_902] : memref<2x16x100096xf32, #tpu.memory_space<hbm>> -> memref<1x1x368xf32, #tpu.memory_space<hbm>>
        %dma_wait3A_925 = tpu.memref_squeeze %dma_wait3A_924 : memref<1x1x368xf32, #tpu.memory_space<hbm>> -> memref<368xf32, #tpu.memory_space<hbm>>
        %dma_wait3A_926 = tpu.memref_slice %arg8[%arg0, %dma_wait3A_920, %add3A_902] : memref<2x16x100096xf32, #tpu.memory_space<hbm>> -> memref<1x1x368xf32, #tpu.memory_space<hbm>>
        %dma_wait3A_927 = tpu.memref_squeeze %dma_wait3A_926 : memref<1x1x368xf32, #tpu.memory_space<hbm>> -> memref<368xf32, #tpu.memory_space<hbm>>
        %dma_wait3A_928 = arith.constant 0 : i32
        %dma_wait3A_929 = tpu.memref_slice %arg14[%select_n3A_918, %dma_wait3A_919, %dma_wait3A_928] : memref<2x16x368xf32, #tpu.memory_space<vmem>> -> memref<1x1x368xf32, #tpu.memory_space<vmem>>
        %dma_wait3A_930 = tpu.memref_squeeze %dma_wait3A_929 : memref<1x1x368xf32, #tpu.memory_space<vmem>> -> memref<368xf32, #tpu.memory_space<vmem>>
        tpu.wait_dma2 semaphore(%arg17 : memref<!tpu.dma_semaphore, #tpu.memory_space<semaphore_mem>>) src(%dma_wait3A_930 : memref<368xf32, #tpu.memory_space<vmem>>) dst(%dma_wait3A_927 : memref<368xf32, #tpu.memory_space<hbm>>)
        %jit3A_931 = arith.constant 2 : i32
        %eq3A_932 = arith.constant 0 : i32
        %eq3A_933 = arith.cmpi eq, %jit3A_931, %eq3A_932 : i32
        %jit3A_934 = arith.constant 1 : i32
        %select_n3A_935 = arith.select %eq3A_933, %jit3A_934, %jit3A_931 : i32
        %rem3A_936 = arith.remsi %sub3A_897, %select_n3A_935 : i32
        %ne3A_937 = arith.constant 0 : i32
        %ne3A_938 = arith.cmpi ne, %rem3A_936, %ne3A_937 : i32
        %lt3A_939 = arith.constant 0 : i32
        %lt3A_940 = arith.cmpi slt, %rem3A_936, %lt3A_939 : i32
        %lt3A_941 = arith.constant 0 : i32
        %lt3A_942 = arith.cmpi slt, %select_n3A_935, %lt3A_941 : i32
        %ne3A_943 = arith.xori %lt3A_940, %lt3A_942 : i1
        %and3A_944 = arith.andi %ne3A_943, %ne3A_938 : i1
        %add3A_945 = arith.addi %rem3A_936, %select_n3A_935 : i32
        %select_n3A_946 = arith.select %and3A_944, %add3A_945, %rem3A_936 : i32
        %dma_wait3A_947 = arith.constant 1 : i32
        %dma_wait3A_948 = arith.constant 1 : i32
        %dma_wait3A_949 = arith.constant 0 : i32
        %dma_wait3A_950 = tpu.memref_slice %arg14[%select_n3A_946, %dma_wait3A_947, %dma_wait3A_949] : memref<2x16x368xf32, #tpu.memory_space<vmem>> -> memref<1x1x368xf32, #tpu.memory_space<vmem>>
        %dma_wait3A_951 = tpu.memref_squeeze %dma_wait3A_950 : memref<1x1x368xf32, #tpu.memory_space<vmem>> -> memref<368xf32, #tpu.memory_space<vmem>>
        %dma_wait3A_952 = tpu.memref_slice %arg8[%arg0, %dma_wait3A_948, %add3A_902] : memref<2x16x100096xf32, #tpu.memory_space<hbm>> -> memref<1x1x368xf32, #tpu.memory_space<hbm>>
        %dma_wait3A_953 = tpu.memref_squeeze %dma_wait3A_952 : memref<1x1x368xf32, #tpu.memory_space<hbm>> -> memref<368xf32, #tpu.memory_space<hbm>>
        %dma_wait3A_954 = tpu.memref_slice %arg8[%arg0, %dma_wait3A_948, %add3A_902] : memref<2x16x100096xf32, #tpu.memory_space<hbm>> -> memref<1x1x368xf32, #tpu.memory_space<hbm>>
        %dma_wait3A_955 = tpu.memref_squeeze %dma_wait3A_954 : memref<1x1x368xf32, #tpu.memory_space<hbm>> -> memref<368xf32, #tpu.memory_space<hbm>>
        %dma_wait3A_956 = arith.constant 0 : i32
        %dma_wait3A_957 = tpu.memref_slice %arg14[%select_n3A_946, %dma_wait3A_947, %dma_wait3A_956] : memref<2x16x368xf32, #tpu.memory_space<vmem>> -> memref<1x1x368xf32, #tpu.memory_space<vmem>>
        %dma_wait3A_958 = tpu.memref_squeeze %dma_wait3A_957 : memref<1x1x368xf32, #tpu.memory_space<vmem>> -> memref<368xf32, #tpu.memory_space<vmem>>
        tpu.wait_dma2 semaphore(%arg17 : memref<!tpu.dma_semaphore, #tpu.memory_space<semaphore_mem>>) src(%dma_wait3A_958 : memref<368xf32, #tpu.memory_space<vmem>>) dst(%dma_wait3A_955 : memref<368xf32, #tpu.memory_space<hbm>>)
        %jit3A_959 = arith.constant 2 : i32
        %eq3A_960 = arith.constant 0 : i32
        %eq3A_961 = arith.cmpi eq, %jit3A_959, %eq3A_960 : i32
        %jit3A_962 = arith.constant 1 : i32
        %select_n3A_963 = arith.select %eq3A_961, %jit3A_962, %jit3A_959 : i32
        %rem3A_964 = arith.remsi %sub3A_897, %select_n3A_963 : i32
        %ne3A_965 = arith.constant 0 : i32
        %ne3A_966 = arith.cmpi ne, %rem3A_964, %ne3A_965 : i32
        %lt3A_967 = arith.constant 0 : i32
        %lt3A_968 = arith.cmpi slt, %rem3A_964, %lt3A_967 : i32
        %lt3A_969 = arith.constant 0 : i32
        %lt3A_970 = arith.cmpi slt, %select_n3A_963, %lt3A_969 : i32
        %ne3A_971 = arith.xori %lt3A_968, %lt3A_970 : i1
        %and3A_972 = arith.andi %ne3A_971, %ne3A_966 : i1
        %add3A_973 = arith.addi %rem3A_964, %select_n3A_963 : i32
        %select_n3A_974 = arith.select %and3A_972, %add3A_973, %rem3A_964 : i32
        %dma_wait3A_975 = arith.constant 2 : i32
        %dma_wait3A_976 = arith.constant 2 : i32
        %dma_wait3A_977 = arith.constant 0 : i32
        %dma_wait3A_978 = tpu.memref_slice %arg14[%select_n3A_974, %dma_wait3A_975, %dma_wait3A_977] : memref<2x16x368xf32, #tpu.memory_space<vmem>> -> memref<1x1x368xf32, #tpu.memory_space<vmem>>
        %dma_wait3A_979 = tpu.memref_squeeze %dma_wait3A_978 : memref<1x1x368xf32, #tpu.memory_space<vmem>> -> memref<368xf32, #tpu.memory_space<vmem>>
        %dma_wait3A_980 = tpu.memref_slice %arg8[%arg0, %dma_wait3A_976, %add3A_902] : memref<2x16x100096xf32, #tpu.memory_space<hbm>> -> memref<1x1x368xf32, #tpu.memory_space<hbm>>
        %dma_wait3A_981 = tpu.memref_squeeze %dma_wait3A_980 : memref<1x1x368xf32, #tpu.memory_space<hbm>> -> memref<368xf32, #tpu.memory_space<hbm>>
        %dma_wait3A_982 = tpu.memref_slice %arg8[%arg0, %dma_wait3A_976, %add3A_902] : memref<2x16x100096xf32, #tpu.memory_space<hbm>> -> memref<1x1x368xf32, #tpu.memory_space<hbm>>
        %dma_wait3A_983 = tpu.memref_squeeze %dma_wait3A_982 : memref<1x1x368xf32, #tpu.memory_space<hbm>> -> memref<368xf32, #tpu.memory_space<hbm>>
        %dma_wait3A_984 = arith.constant 0 : i32
        %dma_wait3A_985 = tpu.memref_slice %arg14[%select_n3A_974, %dma_wait3A_975, %dma_wait3A_984] : memref<2x16x368xf32, #tpu.memory_space<vmem>> -> memref<1x1x368xf32, #tpu.memory_space<vmem>>
        %dma_wait3A_986 = tpu.memref_squeeze %dma_wait3A_985 : memref<1x1x368xf32, #tpu.memory_space<vmem>> -> memref<368xf32, #tpu.memory_space<vmem>>
        tpu.wait_dma2 semaphore(%arg17 : memref<!tpu.dma_semaphore, #tpu.memory_space<semaphore_mem>>) src(%dma_wait3A_986 : memref<368xf32, #tpu.memory_space<vmem>>) dst(%dma_wait3A_983 : memref<368xf32, #tpu.memory_space<hbm>>)
        %jit3A_987 = arith.constant 2 : i32
        %eq3A_988 = arith.constant 0 : i32
        %eq3A_989 = arith.cmpi eq, %jit3A_987, %eq3A_988 : i32
        %jit3A_990 = arith.constant 1 : i32
        %select_n3A_991 = arith.select %eq3A_989, %jit3A_990, %jit3A_987 : i32
        %rem3A_992 = arith.remsi %sub3A_897, %select_n3A_991 : i32
        %ne3A_993 = arith.constant 0 : i32
        %ne3A_994 = arith.cmpi ne, %rem3A_992, %ne3A_993 : i32
        %lt3A_995 = arith.constant 0 : i32
        %lt3A_996 = arith.cmpi slt, %rem3A_992, %lt3A_995 : i32
        %lt3A_997 = arith.constant 0 : i32
        %lt3A_998 = arith.cmpi slt, %select_n3A_991, %lt3A_997 : i32
        %ne3A_999 = arith.xori %lt3A_996, %lt3A_998 : i1
        %and3A_1000 = arith.andi %ne3A_999, %ne3A_994 : i1
        %add3A_1001 = arith.addi %rem3A_992, %select_n3A_991 : i32
        %select_n3A_1002 = arith.select %and3A_1000, %add3A_1001, %rem3A_992 : i32
        %dma_wait3A_1003 = arith.constant 3 : i32
        %dma_wait3A_1004 = arith.constant 3 : i32
        %dma_wait3A_1005 = arith.constant 0 : i32
        %dma_wait3A_1006 = tpu.memref_slice %arg14[%select_n3A_1002, %dma_wait3A_1003, %dma_wait3A_1005] : memref<2x16x368xf32, #tpu.memory_space<vmem>> -> memref<1x1x368xf32, #tpu.memory_space<vmem>>
        %dma_wait3A_1007 = tpu.memref_squeeze %dma_wait3A_1006 : memref<1x1x368xf32, #tpu.memory_space<vmem>> -> memref<368xf32, #tpu.memory_space<vmem>>
        %dma_wait3A_1008 = tpu.memref_slice %arg8[%arg0, %dma_wait3A_1004, %add3A_902] : memref<2x16x100096xf32, #tpu.memory_space<hbm>> -> memref<1x1x368xf32, #tpu.memory_space<hbm>>
        %dma_wait3A_1009 = tpu.memref_squeeze %dma_wait3A_1008 : memref<1x1x368xf32, #tpu.memory_space<hbm>> -> memref<368xf32, #tpu.memory_space<hbm>>
        %dma_wait3A_1010 = tpu.memref_slice %arg8[%arg0, %dma_wait3A_1004, %add3A_902] : memref<2x16x100096xf32, #tpu.memory_space<hbm>> -> memref<1x1x368xf32, #tpu.memory_space<hbm>>
        %dma_wait3A_1011 = tpu.memref_squeeze %dma_wait3A_1010 : memref<1x1x368xf32, #tpu.memory_space<hbm>> -> memref<368xf32, #tpu.memory_space<hbm>>
        %dma_wait3A_1012 = arith.constant 0 : i32
        %dma_wait3A_1013 = tpu.memref_slice %arg14[%select_n3A_1002, %dma_wait3A_1003, %dma_wait3A_1012] : memref<2x16x368xf32, #tpu.memory_space<vmem>> -> memref<1x1x368xf32, #tpu.memory_space<vmem>>
        %dma_wait3A_1014 = tpu.memref_squeeze %dma_wait3A_1013 : memref<1x1x368xf32, #tpu.memory_space<vmem>> -> memref<368xf32, #tpu.memory_space<vmem>>
        tpu.wait_dma2 semaphore(%arg17 : memref<!tpu.dma_semaphore, #tpu.memory_space<semaphore_mem>>) src(%dma_wait3A_1014 : memref<368xf32, #tpu.memory_space<vmem>>) dst(%dma_wait3A_1011 : memref<368xf32, #tpu.memory_space<hbm>>)
        %jit3A_1015 = arith.constant 2 : i32
        %eq3A_1016 = arith.constant 0 : i32
        %eq3A_1017 = arith.cmpi eq, %jit3A_1015, %eq3A_1016 : i32
        %jit3A_1018 = arith.constant 1 : i32
        %select_n3A_1019 = arith.select %eq3A_1017, %jit3A_1018, %jit3A_1015 : i32
        %rem3A_1020 = arith.remsi %sub3A_897, %select_n3A_1019 : i32
        %ne3A_1021 = arith.constant 0 : i32
        %ne3A_1022 = arith.cmpi ne, %rem3A_1020, %ne3A_1021 : i32
        %lt3A_1023 = arith.constant 0 : i32
        %lt3A_1024 = arith.cmpi slt, %rem3A_1020, %lt3A_1023 : i32
        %lt3A_1025 = arith.constant 0 : i32
        %lt3A_1026 = arith.cmpi slt, %select_n3A_1019, %lt3A_1025 : i32
        %ne3A_1027 = arith.xori %lt3A_1024, %lt3A_1026 : i1
        %and3A_1028 = arith.andi %ne3A_1027, %ne3A_1022 : i1
        %add3A_1029 = arith.addi %rem3A_1020, %select_n3A_1019 : i32
        %select_n3A_1030 = arith.select %and3A_1028, %add3A_1029, %rem3A_1020 : i32
        %dma_wait3A_1031 = arith.constant 4 : i32
        %dma_wait3A_1032 = arith.constant 4 : i32
        %dma_wait3A_1033 = arith.constant 0 : i32
        %dma_wait3A_1034 = tpu.memref_slice %arg14[%select_n3A_1030, %dma_wait3A_1031, %dma_wait3A_1033] : memref<2x16x368xf32, #tpu.memory_space<vmem>> -> memref<1x1x368xf32, #tpu.memory_space<vmem>>
        %dma_wait3A_1035 = tpu.memref_squeeze %dma_wait3A_1034 : memref<1x1x368xf32, #tpu.memory_space<vmem>> -> memref<368xf32, #tpu.memory_space<vmem>>
        %dma_wait3A_1036 = tpu.memref_slice %arg8[%arg0, %dma_wait3A_1032, %add3A_902] : memref<2x16x100096xf32, #tpu.memory_space<hbm>> -> memref<1x1x368xf32, #tpu.memory_space<hbm>>
        %dma_wait3A_1037 = tpu.memref_squeeze %dma_wait3A_1036 : memref<1x1x368xf32, #tpu.memory_space<hbm>> -> memref<368xf32, #tpu.memory_space<hbm>>
        %dma_wait3A_1038 = tpu.memref_slice %arg8[%arg0, %dma_wait3A_1032, %add3A_902] : memref<2x16x100096xf32, #tpu.memory_space<hbm>> -> memref<1x1x368xf32, #tpu.memory_space<hbm>>
        %dma_wait3A_1039 = tpu.memref_squeeze %dma_wait3A_1038 : memref<1x1x368xf32, #tpu.memory_space<hbm>> -> memref<368xf32, #tpu.memory_space<hbm>>
        %dma_wait3A_1040 = arith.constant 0 : i32
        %dma_wait3A_1041 = tpu.memref_slice %arg14[%select_n3A_1030, %dma_wait3A_1031, %dma_wait3A_1040] : memref<2x16x368xf32, #tpu.memory_space<vmem>> -> memref<1x1x368xf32, #tpu.memory_space<vmem>>
        %dma_wait3A_1042 = tpu.memref_squeeze %dma_wait3A_1041 : memref<1x1x368xf32, #tpu.memory_space<vmem>> -> memref<368xf32, #tpu.memory_space<vmem>>
        tpu.wait_dma2 semaphore(%arg17 : memref<!tpu.dma_semaphore, #tpu.memory_space<semaphore_mem>>) src(%dma_wait3A_1042 : memref<368xf32, #tpu.memory_space<vmem>>) dst(%dma_wait3A_1039 : memref<368xf32, #tpu.memory_space<hbm>>)
        %jit3A_1043 = arith.constant 2 : i32
        %eq3A_1044 = arith.constant 0 : i32
        %eq3A_1045 = arith.cmpi eq, %jit3A_1043, %eq3A_1044 : i32
        %jit3A_1046 = arith.constant 1 : i32
        %select_n3A_1047 = arith.select %eq3A_1045, %jit3A_1046, %jit3A_1043 : i32
        %rem3A_1048 = arith.remsi %sub3A_897, %select_n3A_1047 : i32
        %ne3A_1049 = arith.constant 0 : i32
        %ne3A_1050 = arith.cmpi ne, %rem3A_1048, %ne3A_1049 : i32
        %lt3A_1051 = arith.constant 0 : i32
        %lt3A_1052 = arith.cmpi slt, %rem3A_1048, %lt3A_1051 : i32
        %lt3A_1053 = arith.constant 0 : i32
        %lt3A_1054 = arith.cmpi slt, %select_n3A_1047, %lt3A_1053 : i32
        %ne3A_1055 = arith.xori %lt3A_1052, %lt3A_1054 : i1
        %and3A_1056 = arith.andi %ne3A_1055, %ne3A_1050 : i1
        %add3A_1057 = arith.addi %rem3A_1048, %select_n3A_1047 : i32
        %select_n3A_1058 = arith.select %and3A_1056, %add3A_1057, %rem3A_1048 : i32
        %dma_wait3A_1059 = arith.constant 5 : i32
        %dma_wait3A_1060 = arith.constant 5 : i32
        %dma_wait3A_1061 = arith.constant 0 : i32
        %dma_wait3A_1062 = tpu.memref_slice %arg14[%select_n3A_1058, %dma_wait3A_1059, %dma_wait3A_1061] : memref<2x16x368xf32, #tpu.memory_space<vmem>> -> memref<1x1x368xf32, #tpu.memory_space<vmem>>
        %dma_wait3A_1063 = tpu.memref_squeeze %dma_wait3A_1062 : memref<1x1x368xf32, #tpu.memory_space<vmem>> -> memref<368xf32, #tpu.memory_space<vmem>>
        %dma_wait3A_1064 = tpu.memref_slice %arg8[%arg0, %dma_wait3A_1060, %add3A_902] : memref<2x16x100096xf32, #tpu.memory_space<hbm>> -> memref<1x1x368xf32, #tpu.memory_space<hbm>>
        %dma_wait3A_1065 = tpu.memref_squeeze %dma_wait3A_1064 : memref<1x1x368xf32, #tpu.memory_space<hbm>> -> memref<368xf32, #tpu.memory_space<hbm>>
        %dma_wait3A_1066 = tpu.memref_slice %arg8[%arg0, %dma_wait3A_1060, %add3A_902] : memref<2x16x100096xf32, #tpu.memory_space<hbm>> -> memref<1x1x368xf32, #tpu.memory_space<hbm>>
        %dma_wait3A_1067 = tpu.memref_squeeze %dma_wait3A_1066 : memref<1x1x368xf32, #tpu.memory_space<hbm>> -> memref<368xf32, #tpu.memory_space<hbm>>
        %dma_wait3A_1068 = arith.constant 0 : i32
        %dma_wait3A_1069 = tpu.memref_slice %arg14[%select_n3A_1058, %dma_wait3A_1059, %dma_wait3A_1068] : memref<2x16x368xf32, #tpu.memory_space<vmem>> -> memref<1x1x368xf32, #tpu.memory_space<vmem>>
        %dma_wait3A_1070 = tpu.memref_squeeze %dma_wait3A_1069 : memref<1x1x368xf32, #tpu.memory_space<vmem>> -> memref<368xf32, #tpu.memory_space<vmem>>
        tpu.wait_dma2 semaphore(%arg17 : memref<!tpu.dma_semaphore, #tpu.memory_space<semaphore_mem>>) src(%dma_wait3A_1070 : memref<368xf32, #tpu.memory_space<vmem>>) dst(%dma_wait3A_1067 : memref<368xf32, #tpu.memory_space<hbm>>)
        %jit3A_1071 = arith.constant 2 : i32
        %eq3A_1072 = arith.constant 0 : i32
        %eq3A_1073 = arith.cmpi eq, %jit3A_1071, %eq3A_1072 : i32
        %jit3A_1074 = arith.constant 1 : i32
        %select_n3A_1075 = arith.select %eq3A_1073, %jit3A_1074, %jit3A_1071 : i32
        %rem3A_1076 = arith.remsi %sub3A_897, %select_n3A_1075 : i32
        %ne3A_1077 = arith.constant 0 : i32
        %ne3A_1078 = arith.cmpi ne, %rem3A_1076, %ne3A_1077 : i32
        %lt3A_1079 = arith.constant 0 : i32
        %lt3A_1080 = arith.cmpi slt, %rem3A_1076, %lt3A_1079 : i32
        %lt3A_1081 = arith.constant 0 : i32
        %lt3A_1082 = arith.cmpi slt, %select_n3A_1075, %lt3A_1081 : i32
        %ne3A_1083 = arith.xori %lt3A_1080, %lt3A_1082 : i1
        %and3A_1084 = arith.andi %ne3A_1083, %ne3A_1078 : i1
        %add3A_1085 = arith.addi %rem3A_1076, %select_n3A_1075 : i32
        %select_n3A_1086 = arith.select %and3A_1084, %add3A_1085, %rem3A_1076 : i32
        %dma_wait3A_1087 = arith.constant 6 : i32
        %dma_wait3A_1088 = arith.constant 6 : i32
        %dma_wait3A_1089 = arith.constant 0 : i32
        %dma_wait3A_1090 = tpu.memref_slice %arg14[%select_n3A_1086, %dma_wait3A_1087, %dma_wait3A_1089] : memref<2x16x368xf32, #tpu.memory_space<vmem>> -> memref<1x1x368xf32, #tpu.memory_space<vmem>>
        %dma_wait3A_1091 = tpu.memref_squeeze %dma_wait3A_1090 : memref<1x1x368xf32, #tpu.memory_space<vmem>> -> memref<368xf32, #tpu.memory_space<vmem>>
        %dma_wait3A_1092 = tpu.memref_slice %arg8[%arg0, %dma_wait3A_1088, %add3A_902] : memref<2x16x100096xf32, #tpu.memory_space<hbm>> -> memref<1x1x368xf32, #tpu.memory_space<hbm>>
        %dma_wait3A_1093 = tpu.memref_squeeze %dma_wait3A_1092 : memref<1x1x368xf32, #tpu.memory_space<hbm>> -> memref<368xf32, #tpu.memory_space<hbm>>
        %dma_wait3A_1094 = tpu.memref_slice %arg8[%arg0, %dma_wait3A_1088, %add3A_902] : memref<2x16x100096xf32, #tpu.memory_space<hbm>> -> memref<1x1x368xf32, #tpu.memory_space<hbm>>
        %dma_wait3A_1095 = tpu.memref_squeeze %dma_wait3A_1094 : memref<1x1x368xf32, #tpu.memory_space<hbm>> -> memref<368xf32, #tpu.memory_space<hbm>>
        %dma_wait3A_1096 = arith.constant 0 : i32
        %dma_wait3A_1097 = tpu.memref_slice %arg14[%select_n3A_1086, %dma_wait3A_1087, %dma_wait3A_1096] : memref<2x16x368xf32, #tpu.memory_space<vmem>> -> memref<1x1x368xf32, #tpu.memory_space<vmem>>
        %dma_wait3A_1098 = tpu.memref_squeeze %dma_wait3A_1097 : memref<1x1x368xf32, #tpu.memory_space<vmem>> -> memref<368xf32, #tpu.memory_space<vmem>>
        tpu.wait_dma2 semaphore(%arg17 : memref<!tpu.dma_semaphore, #tpu.memory_space<semaphore_mem>>) src(%dma_wait3A_1098 : memref<368xf32, #tpu.memory_space<vmem>>) dst(%dma_wait3A_1095 : memref<368xf32, #tpu.memory_space<hbm>>)
        %jit3A_1099 = arith.constant 2 : i32
        %eq3A_1100 = arith.constant 0 : i32
        %eq3A_1101 = arith.cmpi eq, %jit3A_1099, %eq3A_1100 : i32
        %jit3A_1102 = arith.constant 1 : i32
        %select_n3A_1103 = arith.select %eq3A_1101, %jit3A_1102, %jit3A_1099 : i32
        %rem3A_1104 = arith.remsi %sub3A_897, %select_n3A_1103 : i32
        %ne3A_1105 = arith.constant 0 : i32
        %ne3A_1106 = arith.cmpi ne, %rem3A_1104, %ne3A_1105 : i32
        %lt3A_1107 = arith.constant 0 : i32
        %lt3A_1108 = arith.cmpi slt, %rem3A_1104, %lt3A_1107 : i32
        %lt3A_1109 = arith.constant 0 : i32
        %lt3A_1110 = arith.cmpi slt, %select_n3A_1103, %lt3A_1109 : i32
        %ne3A_1111 = arith.xori %lt3A_1108, %lt3A_1110 : i1
        %and3A_1112 = arith.andi %ne3A_1111, %ne3A_1106 : i1
        %add3A_1113 = arith.addi %rem3A_1104, %select_n3A_1103 : i32
        %select_n3A_1114 = arith.select %and3A_1112, %add3A_1113, %rem3A_1104 : i32
        %dma_wait3A_1115 = arith.constant 7 : i32
        %dma_wait3A_1116 = arith.constant 7 : i32
        %dma_wait3A_1117 = arith.constant 0 : i32
        %dma_wait3A_1118 = tpu.memref_slice %arg14[%select_n3A_1114, %dma_wait3A_1115, %dma_wait3A_1117] : memref<2x16x368xf32, #tpu.memory_space<vmem>> -> memref<1x1x368xf32, #tpu.memory_space<vmem>>
        %dma_wait3A_1119 = tpu.memref_squeeze %dma_wait3A_1118 : memref<1x1x368xf32, #tpu.memory_space<vmem>> -> memref<368xf32, #tpu.memory_space<vmem>>
        %dma_wait3A_1120 = tpu.memref_slice %arg8[%arg0, %dma_wait3A_1116, %add3A_902] : memref<2x16x100096xf32, #tpu.memory_space<hbm>> -> memref<1x1x368xf32, #tpu.memory_space<hbm>>
        %dma_wait3A_1121 = tpu.memref_squeeze %dma_wait3A_1120 : memref<1x1x368xf32, #tpu.memory_space<hbm>> -> memref<368xf32, #tpu.memory_space<hbm>>
        %dma_wait3A_1122 = tpu.memref_slice %arg8[%arg0, %dma_wait3A_1116, %add3A_902] : memref<2x16x100096xf32, #tpu.memory_space<hbm>> -> memref<1x1x368xf32, #tpu.memory_space<hbm>>
        %dma_wait3A_1123 = tpu.memref_squeeze %dma_wait3A_1122 : memref<1x1x368xf32, #tpu.memory_space<hbm>> -> memref<368xf32, #tpu.memory_space<hbm>>
        %dma_wait3A_1124 = arith.constant 0 : i32
        %dma_wait3A_1125 = tpu.memref_slice %arg14[%select_n3A_1114, %dma_wait3A_1115, %dma_wait3A_1124] : memref<2x16x368xf32, #tpu.memory_space<vmem>> -> memref<1x1x368xf32, #tpu.memory_space<vmem>>
        %dma_wait3A_1126 = tpu.memref_squeeze %dma_wait3A_1125 : memref<1x1x368xf32, #tpu.memory_space<vmem>> -> memref<368xf32, #tpu.memory_space<vmem>>
        tpu.wait_dma2 semaphore(%arg17 : memref<!tpu.dma_semaphore, #tpu.memory_space<semaphore_mem>>) src(%dma_wait3A_1126 : memref<368xf32, #tpu.memory_space<vmem>>) dst(%dma_wait3A_1123 : memref<368xf32, #tpu.memory_space<hbm>>)
        %jit3A_1127 = arith.constant 2 : i32
        %eq3A_1128 = arith.constant 0 : i32
        %eq3A_1129 = arith.cmpi eq, %jit3A_1127, %eq3A_1128 : i32
        %jit3A_1130 = arith.constant 1 : i32
        %select_n3A_1131 = arith.select %eq3A_1129, %jit3A_1130, %jit3A_1127 : i32
        %rem3A_1132 = arith.remsi %sub3A_897, %select_n3A_1131 : i32
        %ne3A_1133 = arith.constant 0 : i32
        %ne3A_1134 = arith.cmpi ne, %rem3A_1132, %ne3A_1133 : i32
        %lt3A_1135 = arith.constant 0 : i32
        %lt3A_1136 = arith.cmpi slt, %rem3A_1132, %lt3A_1135 : i32
        %lt3A_1137 = arith.constant 0 : i32
        %lt3A_1138 = arith.cmpi slt, %select_n3A_1131, %lt3A_1137 : i32
        %ne3A_1139 = arith.xori %lt3A_1136, %lt3A_1138 : i1
        %and3A_1140 = arith.andi %ne3A_1139, %ne3A_1134 : i1
        %add3A_1141 = arith.addi %rem3A_1132, %select_n3A_1131 : i32
        %select_n3A_1142 = arith.select %and3A_1140, %add3A_1141, %rem3A_1132 : i32
        %dma_wait3A_1143 = arith.constant 8 : i32
        %dma_wait3A_1144 = arith.constant 8 : i32
        %dma_wait3A_1145 = arith.constant 0 : i32
        %dma_wait3A_1146 = tpu.memref_slice %arg14[%select_n3A_1142, %dma_wait3A_1143, %dma_wait3A_1145] : memref<2x16x368xf32, #tpu.memory_space<vmem>> -> memref<1x1x368xf32, #tpu.memory_space<vmem>>
        %dma_wait3A_1147 = tpu.memref_squeeze %dma_wait3A_1146 : memref<1x1x368xf32, #tpu.memory_space<vmem>> -> memref<368xf32, #tpu.memory_space<vmem>>
        %dma_wait3A_1148 = tpu.memref_slice %arg8[%arg0, %dma_wait3A_1144, %add3A_902] : memref<2x16x100096xf32, #tpu.memory_space<hbm>> -> memref<1x1x368xf32, #tpu.memory_space<hbm>>
        %dma_wait3A_1149 = tpu.memref_squeeze %dma_wait3A_1148 : memref<1x1x368xf32, #tpu.memory_space<hbm>> -> memref<368xf32, #tpu.memory_space<hbm>>
        %dma_wait3A_1150 = tpu.memref_slice %arg8[%arg0, %dma_wait3A_1144, %add3A_902] : memref<2x16x100096xf32, #tpu.memory_space<hbm>> -> memref<1x1x368xf32, #tpu.memory_space<hbm>>
        %dma_wait3A_1151 = tpu.memref_squeeze %dma_wait3A_1150 : memref<1x1x368xf32, #tpu.memory_space<hbm>> -> memref<368xf32, #tpu.memory_space<hbm>>
        %dma_wait3A_1152 = arith.constant 0 : i32
        %dma_wait3A_1153 = tpu.memref_slice %arg14[%select_n3A_1142, %dma_wait3A_1143, %dma_wait3A_1152] : memref<2x16x368xf32, #tpu.memory_space<vmem>> -> memref<1x1x368xf32, #tpu.memory_space<vmem>>
        %dma_wait3A_1154 = tpu.memref_squeeze %dma_wait3A_1153 : memref<1x1x368xf32, #tpu.memory_space<vmem>> -> memref<368xf32, #tpu.memory_space<vmem>>
        tpu.wait_dma2 semaphore(%arg17 : memref<!tpu.dma_semaphore, #tpu.memory_space<semaphore_mem>>) src(%dma_wait3A_1154 : memref<368xf32, #tpu.memory_space<vmem>>) dst(%dma_wait3A_1151 : memref<368xf32, #tpu.memory_space<hbm>>)
        %jit3A_1155 = arith.constant 2 : i32
        %eq3A_1156 = arith.constant 0 : i32
        %eq3A_1157 = arith.cmpi eq, %jit3A_1155, %eq3A_1156 : i32
        %jit3A_1158 = arith.constant 1 : i32
        %select_n3A_1159 = arith.select %eq3A_1157, %jit3A_1158, %jit3A_1155 : i32
        %rem3A_1160 = arith.remsi %sub3A_897, %select_n3A_1159 : i32
        %ne3A_1161 = arith.constant 0 : i32
        %ne3A_1162 = arith.cmpi ne, %rem3A_1160, %ne3A_1161 : i32
        %lt3A_1163 = arith.constant 0 : i32
        %lt3A_1164 = arith.cmpi slt, %rem3A_1160, %lt3A_1163 : i32
        %lt3A_1165 = arith.constant 0 : i32
        %lt3A_1166 = arith.cmpi slt, %select_n3A_1159, %lt3A_1165 : i32
        %ne3A_1167 = arith.xori %lt3A_1164, %lt3A_1166 : i1
        %and3A_1168 = arith.andi %ne3A_1167, %ne3A_1162 : i1
        %add3A_1169 = arith.addi %rem3A_1160, %select_n3A_1159 : i32
        %select_n3A_1170 = arith.select %and3A_1168, %add3A_1169, %rem3A_1160 : i32
        %dma_wait3A_1171 = arith.constant 9 : i32
        %dma_wait3A_1172 = arith.constant 9 : i32
        %dma_wait3A_1173 = arith.constant 0 : i32
        %dma_wait3A_1174 = tpu.memref_slice %arg14[%select_n3A_1170, %dma_wait3A_1171, %dma_wait3A_1173] : memref<2x16x368xf32, #tpu.memory_space<vmem>> -> memref<1x1x368xf32, #tpu.memory_space<vmem>>
        %dma_wait3A_1175 = tpu.memref_squeeze %dma_wait3A_1174 : memref<1x1x368xf32, #tpu.memory_space<vmem>> -> memref<368xf32, #tpu.memory_space<vmem>>
        %dma_wait3A_1176 = tpu.memref_slice %arg8[%arg0, %dma_wait3A_1172, %add3A_902] : memref<2x16x100096xf32, #tpu.memory_space<hbm>> -> memref<1x1x368xf32, #tpu.memory_space<hbm>>
        %dma_wait3A_1177 = tpu.memref_squeeze %dma_wait3A_1176 : memref<1x1x368xf32, #tpu.memory_space<hbm>> -> memref<368xf32, #tpu.memory_space<hbm>>
        %dma_wait3A_1178 = tpu.memref_slice %arg8[%arg0, %dma_wait3A_1172, %add3A_902] : memref<2x16x100096xf32, #tpu.memory_space<hbm>> -> memref<1x1x368xf32, #tpu.memory_space<hbm>>
        %dma_wait3A_1179 = tpu.memref_squeeze %dma_wait3A_1178 : memref<1x1x368xf32, #tpu.memory_space<hbm>> -> memref<368xf32, #tpu.memory_space<hbm>>
        %dma_wait3A_1180 = arith.constant 0 : i32
        %dma_wait3A_1181 = tpu.memref_slice %arg14[%select_n3A_1170, %dma_wait3A_1171, %dma_wait3A_1180] : memref<2x16x368xf32, #tpu.memory_space<vmem>> -> memref<1x1x368xf32, #tpu.memory_space<vmem>>
        %dma_wait3A_1182 = tpu.memref_squeeze %dma_wait3A_1181 : memref<1x1x368xf32, #tpu.memory_space<vmem>> -> memref<368xf32, #tpu.memory_space<vmem>>
        tpu.wait_dma2 semaphore(%arg17 : memref<!tpu.dma_semaphore, #tpu.memory_space<semaphore_mem>>) src(%dma_wait3A_1182 : memref<368xf32, #tpu.memory_space<vmem>>) dst(%dma_wait3A_1179 : memref<368xf32, #tpu.memory_space<hbm>>)
        %jit3A_1183 = arith.constant 2 : i32
        %eq3A_1184 = arith.constant 0 : i32
        %eq3A_1185 = arith.cmpi eq, %jit3A_1183, %eq3A_1184 : i32
        %jit3A_1186 = arith.constant 1 : i32
        %select_n3A_1187 = arith.select %eq3A_1185, %jit3A_1186, %jit3A_1183 : i32
        %rem3A_1188 = arith.remsi %sub3A_897, %select_n3A_1187 : i32
        %ne3A_1189 = arith.constant 0 : i32
        %ne3A_1190 = arith.cmpi ne, %rem3A_1188, %ne3A_1189 : i32
        %lt3A_1191 = arith.constant 0 : i32
        %lt3A_1192 = arith.cmpi slt, %rem3A_1188, %lt3A_1191 : i32
        %lt3A_1193 = arith.constant 0 : i32
        %lt3A_1194 = arith.cmpi slt, %select_n3A_1187, %lt3A_1193 : i32
        %ne3A_1195 = arith.xori %lt3A_1192, %lt3A_1194 : i1
        %and3A_1196 = arith.andi %ne3A_1195, %ne3A_1190 : i1
        %add3A_1197 = arith.addi %rem3A_1188, %select_n3A_1187 : i32
        %select_n3A_1198 = arith.select %and3A_1196, %add3A_1197, %rem3A_1188 : i32
        %dma_wait3A_1199 = arith.constant 10 : i32
        %dma_wait3A_1200 = arith.constant 10 : i32
        %dma_wait3A_1201 = arith.constant 0 : i32
        %dma_wait3A_1202 = tpu.memref_slice %arg14[%select_n3A_1198, %dma_wait3A_1199, %dma_wait3A_1201] : memref<2x16x368xf32, #tpu.memory_space<vmem>> -> memref<1x1x368xf32, #tpu.memory_space<vmem>>
        %dma_wait3A_1203 = tpu.memref_squeeze %dma_wait3A_1202 : memref<1x1x368xf32, #tpu.memory_space<vmem>> -> memref<368xf32, #tpu.memory_space<vmem>>
        %dma_wait3A_1204 = tpu.memref_slice %arg8[%arg0, %dma_wait3A_1200, %add3A_902] : memref<2x16x100096xf32, #tpu.memory_space<hbm>> -> memref<1x1x368xf32, #tpu.memory_space<hbm>>
        %dma_wait3A_1205 = tpu.memref_squeeze %dma_wait3A_1204 : memref<1x1x368xf32, #tpu.memory_space<hbm>> -> memref<368xf32, #tpu.memory_space<hbm>>
        %dma_wait3A_1206 = tpu.memref_slice %arg8[%arg0, %dma_wait3A_1200, %add3A_902] : memref<2x16x100096xf32, #tpu.memory_space<hbm>> -> memref<1x1x368xf32, #tpu.memory_space<hbm>>
        %dma_wait3A_1207 = tpu.memref_squeeze %dma_wait3A_1206 : memref<1x1x368xf32, #tpu.memory_space<hbm>> -> memref<368xf32, #tpu.memory_space<hbm>>
        %dma_wait3A_1208 = arith.constant 0 : i32
        %dma_wait3A_1209 = tpu.memref_slice %arg14[%select_n3A_1198, %dma_wait3A_1199, %dma_wait3A_1208] : memref<2x16x368xf32, #tpu.memory_space<vmem>> -> memref<1x1x368xf32, #tpu.memory_space<vmem>>
        %dma_wait3A_1210 = tpu.memref_squeeze %dma_wait3A_1209 : memref<1x1x368xf32, #tpu.memory_space<vmem>> -> memref<368xf32, #tpu.memory_space<vmem>>
        tpu.wait_dma2 semaphore(%arg17 : memref<!tpu.dma_semaphore, #tpu.memory_space<semaphore_mem>>) src(%dma_wait3A_1210 : memref<368xf32, #tpu.memory_space<vmem>>) dst(%dma_wait3A_1207 : memref<368xf32, #tpu.memory_space<hbm>>)
        %jit3A_1211 = arith.constant 2 : i32
        %eq3A_1212 = arith.constant 0 : i32
        %eq3A_1213 = arith.cmpi eq, %jit3A_1211, %eq3A_1212 : i32
        %jit3A_1214 = arith.constant 1 : i32
        %select_n3A_1215 = arith.select %eq3A_1213, %jit3A_1214, %jit3A_1211 : i32
        %rem3A_1216 = arith.remsi %sub3A_897, %select_n3A_1215 : i32
        %ne3A_1217 = arith.constant 0 : i32
        %ne3A_1218 = arith.cmpi ne, %rem3A_1216, %ne3A_1217 : i32
        %lt3A_1219 = arith.constant 0 : i32
        %lt3A_1220 = arith.cmpi slt, %rem3A_1216, %lt3A_1219 : i32
        %lt3A_1221 = arith.constant 0 : i32
        %lt3A_1222 = arith.cmpi slt, %select_n3A_1215, %lt3A_1221 : i32
        %ne3A_1223 = arith.xori %lt3A_1220, %lt3A_1222 : i1
        %and3A_1224 = arith.andi %ne3A_1223, %ne3A_1218 : i1
        %add3A_1225 = arith.addi %rem3A_1216, %select_n3A_1215 : i32
        %select_n3A_1226 = arith.select %and3A_1224, %add3A_1225, %rem3A_1216 : i32
        %dma_wait3A_1227 = arith.constant 11 : i32
        %dma_wait3A_1228 = arith.constant 11 : i32
        %dma_wait3A_1229 = arith.constant 0 : i32
        %dma_wait3A_1230 = tpu.memref_slice %arg14[%select_n3A_1226, %dma_wait3A_1227, %dma_wait3A_1229] : memref<2x16x368xf32, #tpu.memory_space<vmem>> -> memref<1x1x368xf32, #tpu.memory_space<vmem>>
        %dma_wait3A_1231 = tpu.memref_squeeze %dma_wait3A_1230 : memref<1x1x368xf32, #tpu.memory_space<vmem>> -> memref<368xf32, #tpu.memory_space<vmem>>
        %dma_wait3A_1232 = tpu.memref_slice %arg8[%arg0, %dma_wait3A_1228, %add3A_902] : memref<2x16x100096xf32, #tpu.memory_space<hbm>> -> memref<1x1x368xf32, #tpu.memory_space<hbm>>
        %dma_wait3A_1233 = tpu.memref_squeeze %dma_wait3A_1232 : memref<1x1x368xf32, #tpu.memory_space<hbm>> -> memref<368xf32, #tpu.memory_space<hbm>>
        %dma_wait3A_1234 = tpu.memref_slice %arg8[%arg0, %dma_wait3A_1228, %add3A_902] : memref<2x16x100096xf32, #tpu.memory_space<hbm>> -> memref<1x1x368xf32, #tpu.memory_space<hbm>>
        %dma_wait3A_1235 = tpu.memref_squeeze %dma_wait3A_1234 : memref<1x1x368xf32, #tpu.memory_space<hbm>> -> memref<368xf32, #tpu.memory_space<hbm>>
        %dma_wait3A_1236 = arith.constant 0 : i32
        %dma_wait3A_1237 = tpu.memref_slice %arg14[%select_n3A_1226, %dma_wait3A_1227, %dma_wait3A_1236] : memref<2x16x368xf32, #tpu.memory_space<vmem>> -> memref<1x1x368xf32, #tpu.memory_space<vmem>>
        %dma_wait3A_1238 = tpu.memref_squeeze %dma_wait3A_1237 : memref<1x1x368xf32, #tpu.memory_space<vmem>> -> memref<368xf32, #tpu.memory_space<vmem>>
        tpu.wait_dma2 semaphore(%arg17 : memref<!tpu.dma_semaphore, #tpu.memory_space<semaphore_mem>>) src(%dma_wait3A_1238 : memref<368xf32, #tpu.memory_space<vmem>>) dst(%dma_wait3A_1235 : memref<368xf32, #tpu.memory_space<hbm>>)
        %jit3A_1239 = arith.constant 2 : i32
        %eq3A_1240 = arith.constant 0 : i32
        %eq3A_1241 = arith.cmpi eq, %jit3A_1239, %eq3A_1240 : i32
        %jit3A_1242 = arith.constant 1 : i32
        %select_n3A_1243 = arith.select %eq3A_1241, %jit3A_1242, %jit3A_1239 : i32
        %rem3A_1244 = arith.remsi %sub3A_897, %select_n3A_1243 : i32
        %ne3A_1245 = arith.constant 0 : i32
        %ne3A_1246 = arith.cmpi ne, %rem3A_1244, %ne3A_1245 : i32
        %lt3A_1247 = arith.constant 0 : i32
        %lt3A_1248 = arith.cmpi slt, %rem3A_1244, %lt3A_1247 : i32
        %lt3A_1249 = arith.constant 0 : i32
        %lt3A_1250 = arith.cmpi slt, %select_n3A_1243, %lt3A_1249 : i32
        %ne3A_1251 = arith.xori %lt3A_1248, %lt3A_1250 : i1
        %and3A_1252 = arith.andi %ne3A_1251, %ne3A_1246 : i1
        %add3A_1253 = arith.addi %rem3A_1244, %select_n3A_1243 : i32
        %select_n3A_1254 = arith.select %and3A_1252, %add3A_1253, %rem3A_1244 : i32
        %dma_wait3A_1255 = arith.constant 12 : i32
        %dma_wait3A_1256 = arith.constant 12 : i32
        %dma_wait3A_1257 = arith.constant 0 : i32
        %dma_wait3A_1258 = tpu.memref_slice %arg14[%select_n3A_1254, %dma_wait3A_1255, %dma_wait3A_1257] : memref<2x16x368xf32, #tpu.memory_space<vmem>> -> memref<1x1x368xf32, #tpu.memory_space<vmem>>
        %dma_wait3A_1259 = tpu.memref_squeeze %dma_wait3A_1258 : memref<1x1x368xf32, #tpu.memory_space<vmem>> -> memref<368xf32, #tpu.memory_space<vmem>>
        %dma_wait3A_1260 = tpu.memref_slice %arg8[%arg0, %dma_wait3A_1256, %add3A_902] : memref<2x16x100096xf32, #tpu.memory_space<hbm>> -> memref<1x1x368xf32, #tpu.memory_space<hbm>>
        %dma_wait3A_1261 = tpu.memref_squeeze %dma_wait3A_1260 : memref<1x1x368xf32, #tpu.memory_space<hbm>> -> memref<368xf32, #tpu.memory_space<hbm>>
        %dma_wait3A_1262 = tpu.memref_slice %arg8[%arg0, %dma_wait3A_1256, %add3A_902] : memref<2x16x100096xf32, #tpu.memory_space<hbm>> -> memref<1x1x368xf32, #tpu.memory_space<hbm>>
        %dma_wait3A_1263 = tpu.memref_squeeze %dma_wait3A_1262 : memref<1x1x368xf32, #tpu.memory_space<hbm>> -> memref<368xf32, #tpu.memory_space<hbm>>
        %dma_wait3A_1264 = arith.constant 0 : i32
        %dma_wait3A_1265 = tpu.memref_slice %arg14[%select_n3A_1254, %dma_wait3A_1255, %dma_wait3A_1264] : memref<2x16x368xf32, #tpu.memory_space<vmem>> -> memref<1x1x368xf32, #tpu.memory_space<vmem>>
        %dma_wait3A_1266 = tpu.memref_squeeze %dma_wait3A_1265 : memref<1x1x368xf32, #tpu.memory_space<vmem>> -> memref<368xf32, #tpu.memory_space<vmem>>
        tpu.wait_dma2 semaphore(%arg17 : memref<!tpu.dma_semaphore, #tpu.memory_space<semaphore_mem>>) src(%dma_wait3A_1266 : memref<368xf32, #tpu.memory_space<vmem>>) dst(%dma_wait3A_1263 : memref<368xf32, #tpu.memory_space<hbm>>)
        %jit3A_1267 = arith.constant 2 : i32
        %eq3A_1268 = arith.constant 0 : i32
        %eq3A_1269 = arith.cmpi eq, %jit3A_1267, %eq3A_1268 : i32
        %jit3A_1270 = arith.constant 1 : i32
        %select_n3A_1271 = arith.select %eq3A_1269, %jit3A_1270, %jit3A_1267 : i32
        %rem3A_1272 = arith.remsi %sub3A_897, %select_n3A_1271 : i32
        %ne3A_1273 = arith.constant 0 : i32
        %ne3A_1274 = arith.cmpi ne, %rem3A_1272, %ne3A_1273 : i32
        %lt3A_1275 = arith.constant 0 : i32
        %lt3A_1276 = arith.cmpi slt, %rem3A_1272, %lt3A_1275 : i32
        %lt3A_1277 = arith.constant 0 : i32
        %lt3A_1278 = arith.cmpi slt, %select_n3A_1271, %lt3A_1277 : i32
        %ne3A_1279 = arith.xori %lt3A_1276, %lt3A_1278 : i1
        %and3A_1280 = arith.andi %ne3A_1279, %ne3A_1274 : i1
        %add3A_1281 = arith.addi %rem3A_1272, %select_n3A_1271 : i32
        %select_n3A_1282 = arith.select %and3A_1280, %add3A_1281, %rem3A_1272 : i32
        %dma_wait3A_1283 = arith.constant 13 : i32
        %dma_wait3A_1284 = arith.constant 13 : i32
        %dma_wait3A_1285 = arith.constant 0 : i32
        %dma_wait3A_1286 = tpu.memref_slice %arg14[%select_n3A_1282, %dma_wait3A_1283, %dma_wait3A_1285] : memref<2x16x368xf32, #tpu.memory_space<vmem>> -> memref<1x1x368xf32, #tpu.memory_space<vmem>>
        %dma_wait3A_1287 = tpu.memref_squeeze %dma_wait3A_1286 : memref<1x1x368xf32, #tpu.memory_space<vmem>> -> memref<368xf32, #tpu.memory_space<vmem>>
        %dma_wait3A_1288 = tpu.memref_slice %arg8[%arg0, %dma_wait3A_1284, %add3A_902] : memref<2x16x100096xf32, #tpu.memory_space<hbm>> -> memref<1x1x368xf32, #tpu.memory_space<hbm>>
        %dma_wait3A_1289 = tpu.memref_squeeze %dma_wait3A_1288 : memref<1x1x368xf32, #tpu.memory_space<hbm>> -> memref<368xf32, #tpu.memory_space<hbm>>
        %dma_wait3A_1290 = tpu.memref_slice %arg8[%arg0, %dma_wait3A_1284, %add3A_902] : memref<2x16x100096xf32, #tpu.memory_space<hbm>> -> memref<1x1x368xf32, #tpu.memory_space<hbm>>
        %dma_wait3A_1291 = tpu.memref_squeeze %dma_wait3A_1290 : memref<1x1x368xf32, #tpu.memory_space<hbm>> -> memref<368xf32, #tpu.memory_space<hbm>>
        %dma_wait3A_1292 = arith.constant 0 : i32
        %dma_wait3A_1293 = tpu.memref_slice %arg14[%select_n3A_1282, %dma_wait3A_1283, %dma_wait3A_1292] : memref<2x16x368xf32, #tpu.memory_space<vmem>> -> memref<1x1x368xf32, #tpu.memory_space<vmem>>
        %dma_wait3A_1294 = tpu.memref_squeeze %dma_wait3A_1293 : memref<1x1x368xf32, #tpu.memory_space<vmem>> -> memref<368xf32, #tpu.memory_space<vmem>>
        tpu.wait_dma2 semaphore(%arg17 : memref<!tpu.dma_semaphore, #tpu.memory_space<semaphore_mem>>) src(%dma_wait3A_1294 : memref<368xf32, #tpu.memory_space<vmem>>) dst(%dma_wait3A_1291 : memref<368xf32, #tpu.memory_space<hbm>>)
        %jit3A_1295 = arith.constant 2 : i32
        %eq3A_1296 = arith.constant 0 : i32
        %eq3A_1297 = arith.cmpi eq, %jit3A_1295, %eq3A_1296 : i32
        %jit3A_1298 = arith.constant 1 : i32
        %select_n3A_1299 = arith.select %eq3A_1297, %jit3A_1298, %jit3A_1295 : i32
        %rem3A_1300 = arith.remsi %sub3A_897, %select_n3A_1299 : i32
        %ne3A_1301 = arith.constant 0 : i32
        %ne3A_1302 = arith.cmpi ne, %rem3A_1300, %ne3A_1301 : i32
        %lt3A_1303 = arith.constant 0 : i32
        %lt3A_1304 = arith.cmpi slt, %rem3A_1300, %lt3A_1303 : i32
        %lt3A_1305 = arith.constant 0 : i32
        %lt3A_1306 = arith.cmpi slt, %select_n3A_1299, %lt3A_1305 : i32
        %ne3A_1307 = arith.xori %lt3A_1304, %lt3A_1306 : i1
        %and3A_1308 = arith.andi %ne3A_1307, %ne3A_1302 : i1
        %add3A_1309 = arith.addi %rem3A_1300, %select_n3A_1299 : i32
        %select_n3A_1310 = arith.select %and3A_1308, %add3A_1309, %rem3A_1300 : i32
        %dma_wait3A_1311 = arith.constant 14 : i32
        %dma_wait3A_1312 = arith.constant 14 : i32
        %dma_wait3A_1313 = arith.constant 0 : i32
        %dma_wait3A_1314 = tpu.memref_slice %arg14[%select_n3A_1310, %dma_wait3A_1311, %dma_wait3A_1313] : memref<2x16x368xf32, #tpu.memory_space<vmem>> -> memref<1x1x368xf32, #tpu.memory_space<vmem>>
        %dma_wait3A_1315 = tpu.memref_squeeze %dma_wait3A_1314 : memref<1x1x368xf32, #tpu.memory_space<vmem>> -> memref<368xf32, #tpu.memory_space<vmem>>
        %dma_wait3A_1316 = tpu.memref_slice %arg8[%arg0, %dma_wait3A_1312, %add3A_902] : memref<2x16x100096xf32, #tpu.memory_space<hbm>> -> memref<1x1x368xf32, #tpu.memory_space<hbm>>
        %dma_wait3A_1317 = tpu.memref_squeeze %dma_wait3A_1316 : memref<1x1x368xf32, #tpu.memory_space<hbm>> -> memref<368xf32, #tpu.memory_space<hbm>>
        %dma_wait3A_1318 = tpu.memref_slice %arg8[%arg0, %dma_wait3A_1312, %add3A_902] : memref<2x16x100096xf32, #tpu.memory_space<hbm>> -> memref<1x1x368xf32, #tpu.memory_space<hbm>>
        %dma_wait3A_1319 = tpu.memref_squeeze %dma_wait3A_1318 : memref<1x1x368xf32, #tpu.memory_space<hbm>> -> memref<368xf32, #tpu.memory_space<hbm>>
        %dma_wait3A_1320 = arith.constant 0 : i32
        %dma_wait3A_1321 = tpu.memref_slice %arg14[%select_n3A_1310, %dma_wait3A_1311, %dma_wait3A_1320] : memref<2x16x368xf32, #tpu.memory_space<vmem>> -> memref<1x1x368xf32, #tpu.memory_space<vmem>>
        %dma_wait3A_1322 = tpu.memref_squeeze %dma_wait3A_1321 : memref<1x1x368xf32, #tpu.memory_space<vmem>> -> memref<368xf32, #tpu.memory_space<vmem>>
        tpu.wait_dma2 semaphore(%arg17 : memref<!tpu.dma_semaphore, #tpu.memory_space<semaphore_mem>>) src(%dma_wait3A_1322 : memref<368xf32, #tpu.memory_space<vmem>>) dst(%dma_wait3A_1319 : memref<368xf32, #tpu.memory_space<hbm>>)
        %jit3A_1323 = arith.constant 2 : i32
        %eq3A_1324 = arith.constant 0 : i32
        %eq3A_1325 = arith.cmpi eq, %jit3A_1323, %eq3A_1324 : i32
        %jit3A_1326 = arith.constant 1 : i32
        %select_n3A_1327 = arith.select %eq3A_1325, %jit3A_1326, %jit3A_1323 : i32
        %rem3A_1328 = arith.remsi %sub3A_897, %select_n3A_1327 : i32
        %ne3A_1329 = arith.constant 0 : i32
        %ne3A_1330 = arith.cmpi ne, %rem3A_1328, %ne3A_1329 : i32
        %lt3A_1331 = arith.constant 0 : i32
        %lt3A_1332 = arith.cmpi slt, %rem3A_1328, %lt3A_1331 : i32
        %lt3A_1333 = arith.constant 0 : i32
        %lt3A_1334 = arith.cmpi slt, %select_n3A_1327, %lt3A_1333 : i32
        %ne3A_1335 = arith.xori %lt3A_1332, %lt3A_1334 : i1
        %and3A_1336 = arith.andi %ne3A_1335, %ne3A_1330 : i1
        %add3A_1337 = arith.addi %rem3A_1328, %select_n3A_1327 : i32
        %select_n3A_1338 = arith.select %and3A_1336, %add3A_1337, %rem3A_1328 : i32
        %dma_wait3A_1339 = arith.constant 15 : i32
        %dma_wait3A_1340 = arith.constant 15 : i32
        %dma_wait3A_1341 = arith.constant 0 : i32
        %dma_wait3A_1342 = tpu.memref_slice %arg14[%select_n3A_1338, %dma_wait3A_1339, %dma_wait3A_1341] : memref<2x16x368xf32, #tpu.memory_space<vmem>> -> memref<1x1x368xf32, #tpu.memory_space<vmem>>
        %dma_wait3A_1343 = tpu.memref_squeeze %dma_wait3A_1342 : memref<1x1x368xf32, #tpu.memory_space<vmem>> -> memref<368xf32, #tpu.memory_space<vmem>>
        %dma_wait3A_1344 = tpu.memref_slice %arg8[%arg0, %dma_wait3A_1340, %add3A_902] : memref<2x16x100096xf32, #tpu.memory_space<hbm>> -> memref<1x1x368xf32, #tpu.memory_space<hbm>>
        %dma_wait3A_1345 = tpu.memref_squeeze %dma_wait3A_1344 : memref<1x1x368xf32, #tpu.memory_space<hbm>> -> memref<368xf32, #tpu.memory_space<hbm>>
        %dma_wait3A_1346 = tpu.memref_slice %arg8[%arg0, %dma_wait3A_1340, %add3A_902] : memref<2x16x100096xf32, #tpu.memory_space<hbm>> -> memref<1x1x368xf32, #tpu.memory_space<hbm>>
        %dma_wait3A_1347 = tpu.memref_squeeze %dma_wait3A_1346 : memref<1x1x368xf32, #tpu.memory_space<hbm>> -> memref<368xf32, #tpu.memory_space<hbm>>
        %dma_wait3A_1348 = arith.constant 0 : i32
        %dma_wait3A_1349 = tpu.memref_slice %arg14[%select_n3A_1338, %dma_wait3A_1339, %dma_wait3A_1348] : memref<2x16x368xf32, #tpu.memory_space<vmem>> -> memref<1x1x368xf32, #tpu.memory_space<vmem>>
        %dma_wait3A_1350 = tpu.memref_squeeze %dma_wait3A_1349 : memref<1x1x368xf32, #tpu.memory_space<vmem>> -> memref<368xf32, #tpu.memory_space<vmem>>
        tpu.wait_dma2 semaphore(%arg17 : memref<!tpu.dma_semaphore, #tpu.memory_space<semaphore_mem>>) src(%dma_wait3A_1350 : memref<368xf32, #tpu.memory_space<vmem>>) dst(%dma_wait3A_1347 : memref<368xf32, #tpu.memory_space<hbm>>)
      } else {
      }
      %mul3A_447 = arith.constant 6256 : i32
      %mul3A_448 = arith.muli %arg1, %mul3A_447 : i32
      %mul3A_449 = arith.constant 368 : i32
      %mul3A_450 = arith.muli %add3A_444, %mul3A_449 : i32
      %add3A_451 = arith.addi %mul3A_448, %mul3A_450 : i32
      "tpu.region"() ({
        %run_scoped3A = tpu.sem_alloc : memref<!tpu.dma_semaphore, #tpu.memory_space<semaphore_mem>>
        %dma_start3A_897 = arith.constant 0 : i32
        %dma_start3A_898 = arith.constant 0 : i32
        %dma_start3A_899 = tpu.memref_slice %arg12[%dma_start3A_897, %dma_start3A_898] : memref<640x16xf32, #tpu.memory_space<vmem>> -> memref<368x16xf32, #tpu.memory_space<vmem>>
        %dma_start3A_900 = arith.constant 0 : i32
        %dma_start3A_901 = tpu.memref_slice %arg15[%add3A_451, %dma_start3A_900] : memref<100096x16xf32, #tpu.memory_space<vmem_shared>> -> memref<368x16xf32, #tpu.memory_space<vmem_shared>>
        %dma_start3A_902 = arith.constant 0 : i32
        %dma_start3A_903 = arith.constant 0 : i32
        %dma_start3A_904 = tpu.memref_slice %arg12[%dma_start3A_902, %dma_start3A_903] : memref<640x16xf32, #tpu.memory_space<vmem>> -> memref<368x16xf32, #tpu.memory_space<vmem>>
        %dma_start3A_905 = arith.constant 0 : i32
        %dma_start3A_906 = tpu.memref_slice %arg15[%add3A_451, %dma_start3A_905] : memref<100096x16xf32, #tpu.memory_space<vmem_shared>> -> memref<368x16xf32, #tpu.memory_space<vmem_shared>>
        tpu.enqueue_dma source(%dma_start3A_906 : memref<368x16xf32, #tpu.memory_space<vmem_shared>>) target(%dma_start3A_904 : memref<368x16xf32, #tpu.memory_space<vmem>>) target_semaphore(%run_scoped3A : memref<!tpu.dma_semaphore, #tpu.memory_space<semaphore_mem>>)
        %dma_wait3A_907 = arith.constant 0 : i32
        %dma_wait3A_908 = arith.constant 0 : i32
        %dma_wait3A_909 = tpu.memref_slice %arg12[%dma_wait3A_907, %dma_wait3A_908] : memref<640x16xf32, #tpu.memory_space<vmem>> -> memref<368x16xf32, #tpu.memory_space<vmem>>
        %dma_wait3A_910 = arith.constant 0 : i32
        %dma_wait3A_911 = tpu.memref_slice %arg15[%add3A_451, %dma_wait3A_910] : memref<100096x16xf32, #tpu.memory_space<vmem_shared>> -> memref<368x16xf32, #tpu.memory_space<vmem_shared>>
        %dma_wait3A_912 = arith.constant 0 : i32
        %dma_wait3A_913 = arith.constant 0 : i32
        %dma_wait3A_914 = tpu.memref_slice %arg12[%dma_wait3A_912, %dma_wait3A_913] : memref<640x16xf32, #tpu.memory_space<vmem>> -> memref<368x16xf32, #tpu.memory_space<vmem>>
        %dma_wait3A_915 = arith.constant 0 : i32
        %dma_wait3A_916 = tpu.memref_slice %arg15[%add3A_451, %dma_wait3A_915] : memref<100096x16xf32, #tpu.memory_space<vmem_shared>> -> memref<368x16xf32, #tpu.memory_space<vmem_shared>>
        tpu.wait_dma2 semaphore(%run_scoped3A : memref<!tpu.dma_semaphore, #tpu.memory_space<semaphore_mem>>) src(%dma_wait3A_916 : memref<368x16xf32, #tpu.memory_space<vmem_shared>>) dst(%dma_wait3A_914 : memref<368x16xf32, #tpu.memory_space<vmem>>)
        tpu.yield
      }) : () -> ()
      %scan3A_452 = arith.constant 0 : i32
      %scan3A_453 = arith.constant 368 : i32
      %scan3A_454 = arith.addi %scan3A_452, %scan3A_453 : i32
      %scan3A_455 = arith.constant 1 : i32
      scf.for %scan3A_897 = %scan3A_452 to %scan3A_454 step %scan3A_455  : i32 {
        %mul3A_898 = arith.constant 1 : i32
        %mul3A_899 = arith.muli %scan3A_897, %mul3A_898 : i32
        %add3A_900 = arith.constant 0 : i32
        %add3A_901 = arith.addi %add3A_900, %mul3A_899 : i32
        %jit3A_902 = arith.constant 2 : i32
        %eq3A_903 = arith.constant 0 : i32
        %eq3A_904 = arith.cmpi eq, %jit3A_902, %eq3A_903 : i32
        %jit3A_905 = arith.constant 1 : i32
        %select_n3A_906 = arith.select %eq3A_904, %jit3A_905, %jit3A_902 : i32
        %rem3A_907 = arith.remsi %add3A_444, %select_n3A_906 : i32
        %ne3A_908 = arith.constant 0 : i32
        %ne3A_909 = arith.cmpi ne, %rem3A_907, %ne3A_908 : i32
        %lt3A_910 = arith.constant 0 : i32
        %lt3A_911 = arith.cmpi slt, %rem3A_907, %lt3A_910 : i32
        %lt3A_912 = arith.constant 0 : i32
        %lt3A_913 = arith.cmpi slt, %select_n3A_906, %lt3A_912 : i32
        %ne3A_914 = arith.xori %lt3A_911, %lt3A_913 : i1
        %and3A_915 = arith.andi %ne3A_914, %ne3A_909 : i1
        %add3A_916 = arith.addi %rem3A_907, %select_n3A_906 : i32
        %select_n3A_917 = arith.select %and3A_915, %add3A_916, %rem3A_907 : i32
        %broadcast_in_dim3A = vector.broadcast %add3A_901 : i32 to vector<16xi32>
        %get3A = arith.index_cast %add3A_901 : i32 to index
        %get3A_918 = arith.constant 0 : index
        %get3A_919 = tpu.vector_load %arg12[%get3A, %get3A_918] {strides = array<i32>} : memref<640x16xf32, #tpu.memory_space<vmem>>, vector<16xf32>,
        %scatter3A = arith.constant 0 : i32
        %scatter3A_920 = arith.constant 0 : i32
        %scatter3A_921 = tpu.memref_slice %arg14[%select_n3A_917, %scatter3A, %scatter3A_920] : memref<2x16x368xf32, #tpu.memory_space<vmem>> -> memref<1x16x368xf32, #tpu.memory_space<vmem>>
        %scatter3A_922 = tpu.memref_squeeze %scatter3A_921 : memref<1x16x368xf32, #tpu.memory_space<vmem>> -> memref<16x368xf32, #tpu.memory_space<vmem>>
        tpu.vector_store_idx %scatter3A_922[%iota3A, %broadcast_in_dim3A], %get3A_919 : memref<16x368xf32, #tpu.memory_space<vmem>>[vector<16xi32>, vector<16xi32>], vector<16xf32>,
      }
      %scan3A_456 = arith.constant 368 : i32
      %jit3A = arith.constant 2 : i32
      %eq3A = arith.constant 0 : i32
      %eq3A_457 = arith.cmpi eq, %jit3A, %eq3A : i32
      %jit3A_458 = arith.constant 1 : i32
      %select_n3A = arith.select %eq3A_457, %jit3A_458, %jit3A : i32
      %rem3A = arith.remsi %add3A_444, %select_n3A : i32
      %ne3A = arith.constant 0 : i32
      %ne3A_459 = arith.cmpi ne, %rem3A, %ne3A : i32
      %lt3A = arith.constant 0 : i32
      %lt3A_460 = arith.cmpi slt, %rem3A, %lt3A : i32
      %lt3A_461 = arith.constant 0 : i32
      %lt3A_462 = arith.cmpi slt, %select_n3A, %lt3A_461 : i32
      %ne3A_463 = arith.xori %lt3A_460, %lt3A_462 : i1
      %and3A = arith.andi %ne3A_463, %ne3A_459 : i1
      %add3A_464 = arith.addi %rem3A, %select_n3A : i32
      %select_n3A_465 = arith.select %and3A, %add3A_464, %rem3A : i32
      %dma_start3A = arith.constant 0 : i32
      %dma_start3A_466 = arith.constant 0 : i32
      %dma_start3A_467 = arith.constant 0 : i32
      %dma_start3A_468 = tpu.memref_slice %arg14[%select_n3A_465, %dma_start3A, %dma_start3A_467] : memref<2x16x368xf32, #tpu.memory_space<vmem>> -> memref<1x1x368xf32, #tpu.memory_space<vmem>>
      %dma_start3A_469 = tpu.memref_squeeze %dma_start3A_468 : memref<1x1x368xf32, #tpu.memory_space<vmem>> -> memref<368xf32, #tpu.memory_space<vmem>>
      %dma_start3A_470 = tpu.memref_slice %arg8[%arg0, %dma_start3A_466, %add3A_451] : memref<2x16x100096xf32, #tpu.memory_space<hbm>> -> memref<1x1x368xf32, #tpu.memory_space<hbm>>
      %dma_start3A_471 = tpu.memref_squeeze %dma_start3A_470 : memref<1x1x368xf32, #tpu.memory_space<hbm>> -> memref<368xf32, #tpu.memory_space<hbm>>
      %dma_start3A_472 = tpu.memref_slice %arg8[%arg0, %dma_start3A_466, %add3A_451] : memref<2x16x100096xf32, #tpu.memory_space<hbm>> -> memref<1x1x368xf32, #tpu.memory_space<hbm>>
      %dma_start3A_473 = tpu.memref_squeeze %dma_start3A_472 : memref<1x1x368xf32, #tpu.memory_space<hbm>> -> memref<368xf32, #tpu.memory_space<hbm>>
      %dma_start3A_474 = arith.constant 0 : i32
      %dma_start3A_475 = tpu.memref_slice %arg14[%select_n3A_465, %dma_start3A, %dma_start3A_474] : memref<2x16x368xf32, #tpu.memory_space<vmem>> -> memref<1x1x368xf32, #tpu.memory_space<vmem>>
      %dma_start3A_476 = tpu.memref_squeeze %dma_start3A_475 : memref<1x1x368xf32, #tpu.memory_space<vmem>> -> memref<368xf32, #tpu.memory_space<vmem>>
      tpu.enqueue_dma source(%dma_start3A_476 : memref<368xf32, #tpu.memory_space<vmem>>) target(%dma_start3A_473 : memref<368xf32, #tpu.memory_space<hbm>>) target_semaphore(%arg17 : memref<!tpu.dma_semaphore, #tpu.memory_space<semaphore_mem>>)
      %jit3A_477 = arith.constant 2 : i32
      %eq3A_478 = arith.constant 0 : i32
      %eq3A_479 = arith.cmpi eq, %jit3A_477, %eq3A_478 : i32
      %jit3A_480 = arith.constant 1 : i32
      %select_n3A_481 = arith.select %eq3A_479, %jit3A_480, %jit3A_477 : i32
      %rem3A_482 = arith.remsi %add3A_444, %select_n3A_481 : i32
      %ne3A_483 = arith.constant 0 : i32
      %ne3A_484 = arith.cmpi ne, %rem3A_482, %ne3A_483 : i32
      %lt3A_485 = arith.constant 0 : i32
      %lt3A_486 = arith.cmpi slt, %rem3A_482, %lt3A_485 : i32
      %lt3A_487 = arith.constant 0 : i32
      %lt3A_488 = arith.cmpi slt, %select_n3A_481, %lt3A_487 : i32
      %ne3A_489 = arith.xori %lt3A_486, %lt3A_488 : i1
      %and3A_490 = arith.andi %ne3A_489, %ne3A_484 : i1
      %add3A_491 = arith.addi %rem3A_482, %select_n3A_481 : i32
      %select_n3A_492 = arith.select %and3A_490, %add3A_491, %rem3A_482 : i32
      %dma_start3A_493 = arith.constant 1 : i32
      %dma_start3A_494 = arith.constant 1 : i32
      %dma_start3A_495 = arith.constant 0 : i32
      %dma_start3A_496 = tpu.memref_slice %arg14[%select_n3A_492, %dma_start3A_493, %dma_start3A_495] : memref<2x16x368xf32, #tpu.memory_space<vmem>> -> memref<1x1x368xf32, #tpu.memory_space<vmem>>
      %dma_start3A_497 = tpu.memref_squeeze %dma_start3A_496 : memref<1x1x368xf32, #tpu.memory_space<vmem>> -> memref<368xf32, #tpu.memory_space<vmem>>
      %dma_start3A_498 = tpu.memref_slice %arg8[%arg0, %dma_start3A_494, %add3A_451] : memref<2x16x100096xf32, #tpu.memory_space<hbm>> -> memref<1x1x368xf32, #tpu.memory_space<hbm>>
      %dma_start3A_499 = tpu.memref_squeeze %dma_start3A_498 : memref<1x1x368xf32, #tpu.memory_space<hbm>> -> memref<368xf32, #tpu.memory_space<hbm>>
      %dma_start3A_500 = tpu.memref_slice %arg8[%arg0, %dma_start3A_494, %add3A_451] : memref<2x16x100096xf32, #tpu.memory_space<hbm>> -> memref<1x1x368xf32, #tpu.memory_space<hbm>>
      %dma_start3A_501 = tpu.memref_squeeze %dma_start3A_500 : memref<1x1x368xf32, #tpu.memory_space<hbm>> -> memref<368xf32, #tpu.memory_space<hbm>>
      %dma_start3A_502 = arith.constant 0 : i32
      %dma_start3A_503 = tpu.memref_slice %arg14[%select_n3A_492, %dma_start3A_493, %dma_start3A_502] : memref<2x16x368xf32, #tpu.memory_space<vmem>> -> memref<1x1x368xf32, #tpu.memory_space<vmem>>
      %dma_start3A_504 = tpu.memref_squeeze %dma_start3A_503 : memref<1x1x368xf32, #tpu.memory_space<vmem>> -> memref<368xf32, #tpu.memory_space<vmem>>
      tpu.enqueue_dma source(%dma_start3A_504 : memref<368xf32, #tpu.memory_space<vmem>>) target(%dma_start3A_501 : memref<368xf32, #tpu.memory_space<hbm>>) target_semaphore(%arg17 : memref<!tpu.dma_semaphore, #tpu.memory_space<semaphore_mem>>)
      %jit3A_505 = arith.constant 2 : i32
      %eq3A_506 = arith.constant 0 : i32
      %eq3A_507 = arith.cmpi eq, %jit3A_505, %eq3A_506 : i32
      %jit3A_508 = arith.constant 1 : i32
      %select_n3A_509 = arith.select %eq3A_507, %jit3A_508, %jit3A_505 : i32
      %rem3A_510 = arith.remsi %add3A_444, %select_n3A_509 : i32
      %ne3A_511 = arith.constant 0 : i32
      %ne3A_512 = arith.cmpi ne, %rem3A_510, %ne3A_511 : i32
      %lt3A_513 = arith.constant 0 : i32
      %lt3A_514 = arith.cmpi slt, %rem3A_510, %lt3A_513 : i32
      %lt3A_515 = arith.constant 0 : i32
      %lt3A_516 = arith.cmpi slt, %select_n3A_509, %lt3A_515 : i32
      %ne3A_517 = arith.xori %lt3A_514, %lt3A_516 : i1
      %and3A_518 = arith.andi %ne3A_517, %ne3A_512 : i1
      %add3A_519 = arith.addi %rem3A_510, %select_n3A_509 : i32
      %select_n3A_520 = arith.select %and3A_518, %add3A_519, %rem3A_510 : i32
      %dma_start3A_521 = arith.constant 2 : i32
      %dma_start3A_522 = arith.constant 2 : i32
      %dma_start3A_523 = arith.constant 0 : i32
      %dma_start3A_524 = tpu.memref_slice %arg14[%select_n3A_520, %dma_start3A_521, %dma_start3A_523] : memref<2x16x368xf32, #tpu.memory_space<vmem>> -> memref<1x1x368xf32, #tpu.memory_space<vmem>>
      %dma_start3A_525 = tpu.memref_squeeze %dma_start3A_524 : memref<1x1x368xf32, #tpu.memory_space<vmem>> -> memref<368xf32, #tpu.memory_space<vmem>>
      %dma_start3A_526 = tpu.memref_slice %arg8[%arg0, %dma_start3A_522, %add3A_451] : memref<2x16x100096xf32, #tpu.memory_space<hbm>> -> memref<1x1x368xf32, #tpu.memory_space<hbm>>
      %dma_start3A_527 = tpu.memref_squeeze %dma_start3A_526 : memref<1x1x368xf32, #tpu.memory_space<hbm>> -> memref<368xf32, #tpu.memory_space<hbm>>
      %dma_start3A_528 = tpu.memref_slice %arg8[%arg0, %dma_start3A_522, %add3A_451] : memref<2x16x100096xf32, #tpu.memory_space<hbm>> -> memref<1x1x368xf32, #tpu.memory_space<hbm>>
      %dma_start3A_529 = tpu.memref_squeeze %dma_start3A_528 : memref<1x1x368xf32, #tpu.memory_space<hbm>> -> memref<368xf32, #tpu.memory_space<hbm>>
      %dma_start3A_530 = arith.constant 0 : i32
      %dma_start3A_531 = tpu.memref_slice %arg14[%select_n3A_520, %dma_start3A_521, %dma_start3A_530] : memref<2x16x368xf32, #tpu.memory_space<vmem>> -> memref<1x1x368xf32, #tpu.memory_space<vmem>>
      %dma_start3A_532 = tpu.memref_squeeze %dma_start3A_531 : memref<1x1x368xf32, #tpu.memory_space<vmem>> -> memref<368xf32, #tpu.memory_space<vmem>>
      tpu.enqueue_dma source(%dma_start3A_532 : memref<368xf32, #tpu.memory_space<vmem>>) target(%dma_start3A_529 : memref<368xf32, #tpu.memory_space<hbm>>) target_semaphore(%arg17 : memref<!tpu.dma_semaphore, #tpu.memory_space<semaphore_mem>>)
      %jit3A_533 = arith.constant 2 : i32
      %eq3A_534 = arith.constant 0 : i32
      %eq3A_535 = arith.cmpi eq, %jit3A_533, %eq3A_534 : i32
      %jit3A_536 = arith.constant 1 : i32
      %select_n3A_537 = arith.select %eq3A_535, %jit3A_536, %jit3A_533 : i32
      %rem3A_538 = arith.remsi %add3A_444, %select_n3A_537 : i32
      %ne3A_539 = arith.constant 0 : i32
      %ne3A_540 = arith.cmpi ne, %rem3A_538, %ne3A_539 : i32
      %lt3A_541 = arith.constant 0 : i32
      %lt3A_542 = arith.cmpi slt, %rem3A_538, %lt3A_541 : i32
      %lt3A_543 = arith.constant 0 : i32
      %lt3A_544 = arith.cmpi slt, %select_n3A_537, %lt3A_543 : i32
      %ne3A_545 = arith.xori %lt3A_542, %lt3A_544 : i1
      %and3A_546 = arith.andi %ne3A_545, %ne3A_540 : i1
      %add3A_547 = arith.addi %rem3A_538, %select_n3A_537 : i32
      %select_n3A_548 = arith.select %and3A_546, %add3A_547, %rem3A_538 : i32
      %dma_start3A_549 = arith.constant 3 : i32
      %dma_start3A_550 = arith.constant 3 : i32
      %dma_start3A_551 = arith.constant 0 : i32
      %dma_start3A_552 = tpu.memref_slice %arg14[%select_n3A_548, %dma_start3A_549, %dma_start3A_551] : memref<2x16x368xf32, #tpu.memory_space<vmem>> -> memref<1x1x368xf32, #tpu.memory_space<vmem>>
      %dma_start3A_553 = tpu.memref_squeeze %dma_start3A_552 : memref<1x1x368xf32, #tpu.memory_space<vmem>> -> memref<368xf32, #tpu.memory_space<vmem>>
      %dma_start3A_554 = tpu.memref_slice %arg8[%arg0, %dma_start3A_550, %add3A_451] : memref<2x16x100096xf32, #tpu.memory_space<hbm>> -> memref<1x1x368xf32, #tpu.memory_space<hbm>>
      %dma_start3A_555 = tpu.memref_squeeze %dma_start3A_554 : memref<1x1x368xf32, #tpu.memory_space<hbm>> -> memref<368xf32, #tpu.memory_space<hbm>>
      %dma_start3A_556 = tpu.memref_slice %arg8[%arg0, %dma_start3A_550, %add3A_451] : memref<2x16x100096xf32, #tpu.memory_space<hbm>> -> memref<1x1x368xf32, #tpu.memory_space<hbm>>
      %dma_start3A_557 = tpu.memref_squeeze %dma_start3A_556 : memref<1x1x368xf32, #tpu.memory_space<hbm>> -> memref<368xf32, #tpu.memory_space<hbm>>
      %dma_start3A_558 = arith.constant 0 : i32
      %dma_start3A_559 = tpu.memref_slice %arg14[%select_n3A_548, %dma_start3A_549, %dma_start3A_558] : memref<2x16x368xf32, #tpu.memory_space<vmem>> -> memref<1x1x368xf32, #tpu.memory_space<vmem>>
      %dma_start3A_560 = tpu.memref_squeeze %dma_start3A_559 : memref<1x1x368xf32, #tpu.memory_space<vmem>> -> memref<368xf32, #tpu.memory_space<vmem>>
      tpu.enqueue_dma source(%dma_start3A_560 : memref<368xf32, #tpu.memory_space<vmem>>) target(%dma_start3A_557 : memref<368xf32, #tpu.memory_space<hbm>>) target_semaphore(%arg17 : memref<!tpu.dma_semaphore, #tpu.memory_space<semaphore_mem>>)
      %jit3A_561 = arith.constant 2 : i32
      %eq3A_562 = arith.constant 0 : i32
      %eq3A_563 = arith.cmpi eq, %jit3A_561, %eq3A_562 : i32
      %jit3A_564 = arith.constant 1 : i32
      %select_n3A_565 = arith.select %eq3A_563, %jit3A_564, %jit3A_561 : i32
      %rem3A_566 = arith.remsi %add3A_444, %select_n3A_565 : i32
      %ne3A_567 = arith.constant 0 : i32
      %ne3A_568 = arith.cmpi ne, %rem3A_566, %ne3A_567 : i32
      %lt3A_569 = arith.constant 0 : i32
      %lt3A_570 = arith.cmpi slt, %rem3A_566, %lt3A_569 : i32
      %lt3A_571 = arith.constant 0 : i32
      %lt3A_572 = arith.cmpi slt, %select_n3A_565, %lt3A_571 : i32
      %ne3A_573 = arith.xori %lt3A_570, %lt3A_572 : i1
      %and3A_574 = arith.andi %ne3A_573, %ne3A_568 : i1
      %add3A_575 = arith.addi %rem3A_566, %select_n3A_565 : i32
      %select_n3A_576 = arith.select %and3A_574, %add3A_575, %rem3A_566 : i32
      %dma_start3A_577 = arith.constant 4 : i32
      %dma_start3A_578 = arith.constant 4 : i32
      %dma_start3A_579 = arith.constant 0 : i32
      %dma_start3A_580 = tpu.memref_slice %arg14[%select_n3A_576, %dma_start3A_577, %dma_start3A_579] : memref<2x16x368xf32, #tpu.memory_space<vmem>> -> memref<1x1x368xf32, #tpu.memory_space<vmem>>
      %dma_start3A_581 = tpu.memref_squeeze %dma_start3A_580 : memref<1x1x368xf32, #tpu.memory_space<vmem>> -> memref<368xf32, #tpu.memory_space<vmem>>
      %dma_start3A_582 = tpu.memref_slice %arg8[%arg0, %dma_start3A_578, %add3A_451] : memref<2x16x100096xf32, #tpu.memory_space<hbm>> -> memref<1x1x368xf32, #tpu.memory_space<hbm>>
      %dma_start3A_583 = tpu.memref_squeeze %dma_start3A_582 : memref<1x1x368xf32, #tpu.memory_space<hbm>> -> memref<368xf32, #tpu.memory_space<hbm>>
      %dma_start3A_584 = tpu.memref_slice %arg8[%arg0, %dma_start3A_578, %add3A_451] : memref<2x16x100096xf32, #tpu.memory_space<hbm>> -> memref<1x1x368xf32, #tpu.memory_space<hbm>>
      %dma_start3A_585 = tpu.memref_squeeze %dma_start3A_584 : memref<1x1x368xf32, #tpu.memory_space<hbm>> -> memref<368xf32, #tpu.memory_space<hbm>>
      %dma_start3A_586 = arith.constant 0 : i32
      %dma_start3A_587 = tpu.memref_slice %arg14[%select_n3A_576, %dma_start3A_577, %dma_start3A_586] : memref<2x16x368xf32, #tpu.memory_space<vmem>> -> memref<1x1x368xf32, #tpu.memory_space<vmem>>
      %dma_start3A_588 = tpu.memref_squeeze %dma_start3A_587 : memref<1x1x368xf32, #tpu.memory_space<vmem>> -> memref<368xf32, #tpu.memory_space<vmem>>
      tpu.enqueue_dma source(%dma_start3A_588 : memref<368xf32, #tpu.memory_space<vmem>>) target(%dma_start3A_585 : memref<368xf32, #tpu.memory_space<hbm>>) target_semaphore(%arg17 : memref<!tpu.dma_semaphore, #tpu.memory_space<semaphore_mem>>)
      %jit3A_589 = arith.constant 2 : i32
      %eq3A_590 = arith.constant 0 : i32
      %eq3A_591 = arith.cmpi eq, %jit3A_589, %eq3A_590 : i32
      %jit3A_592 = arith.constant 1 : i32
      %select_n3A_593 = arith.select %eq3A_591, %jit3A_592, %jit3A_589 : i32
      %rem3A_594 = arith.remsi %add3A_444, %select_n3A_593 : i32
      %ne3A_595 = arith.constant 0 : i32
      %ne3A_596 = arith.cmpi ne, %rem3A_594, %ne3A_595 : i32
      %lt3A_597 = arith.constant 0 : i32
      %lt3A_598 = arith.cmpi slt, %rem3A_594, %lt3A_597 : i32
      %lt3A_599 = arith.constant 0 : i32
      %lt3A_600 = arith.cmpi slt, %select_n3A_593, %lt3A_599 : i32
      %ne3A_601 = arith.xori %lt3A_598, %lt3A_600 : i1
      %and3A_602 = arith.andi %ne3A_601, %ne3A_596 : i1
      %add3A_603 = arith.addi %rem3A_594, %select_n3A_593 : i32
      %select_n3A_604 = arith.select %and3A_602, %add3A_603, %rem3A_594 : i32
      %dma_start3A_605 = arith.constant 5 : i32
      %dma_start3A_606 = arith.constant 5 : i32
      %dma_start3A_607 = arith.constant 0 : i32
      %dma_start3A_608 = tpu.memref_slice %arg14[%select_n3A_604, %dma_start3A_605, %dma_start3A_607] : memref<2x16x368xf32, #tpu.memory_space<vmem>> -> memref<1x1x368xf32, #tpu.memory_space<vmem>>
      %dma_start3A_609 = tpu.memref_squeeze %dma_start3A_608 : memref<1x1x368xf32, #tpu.memory_space<vmem>> -> memref<368xf32, #tpu.memory_space<vmem>>
      %dma_start3A_610 = tpu.memref_slice %arg8[%arg0, %dma_start3A_606, %add3A_451] : memref<2x16x100096xf32, #tpu.memory_space<hbm>> -> memref<1x1x368xf32, #tpu.memory_space<hbm>>
      %dma_start3A_611 = tpu.memref_squeeze %dma_start3A_610 : memref<1x1x368xf32, #tpu.memory_space<hbm>> -> memref<368xf32, #tpu.memory_space<hbm>>
      %dma_start3A_612 = tpu.memref_slice %arg8[%arg0, %dma_start3A_606, %add3A_451] : memref<2x16x100096xf32, #tpu.memory_space<hbm>> -> memref<1x1x368xf32, #tpu.memory_space<hbm>>
      %dma_start3A_613 = tpu.memref_squeeze %dma_start3A_612 : memref<1x1x368xf32, #tpu.memory_space<hbm>> -> memref<368xf32, #tpu.memory_space<hbm>>
      %dma_start3A_614 = arith.constant 0 : i32
      %dma_start3A_615 = tpu.memref_slice %arg14[%select_n3A_604, %dma_start3A_605, %dma_start3A_614] : memref<2x16x368xf32, #tpu.memory_space<vmem>> -> memref<1x1x368xf32, #tpu.memory_space<vmem>>
      %dma_start3A_616 = tpu.memref_squeeze %dma_start3A_615 : memref<1x1x368xf32, #tpu.memory_space<vmem>> -> memref<368xf32, #tpu.memory_space<vmem>>
      tpu.enqueue_dma source(%dma_start3A_616 : memref<368xf32, #tpu.memory_space<vmem>>) target(%dma_start3A_613 : memref<368xf32, #tpu.memory_space<hbm>>) target_semaphore(%arg17 : memref<!tpu.dma_semaphore, #tpu.memory_space<semaphore_mem>>)
      %jit3A_617 = arith.constant 2 : i32
      %eq3A_618 = arith.constant 0 : i32
      %eq3A_619 = arith.cmpi eq, %jit3A_617, %eq3A_618 : i32
      %jit3A_620 = arith.constant 1 : i32
      %select_n3A_621 = arith.select %eq3A_619, %jit3A_620, %jit3A_617 : i32
      %rem3A_622 = arith.remsi %add3A_444, %select_n3A_621 : i32
      %ne3A_623 = arith.constant 0 : i32
      %ne3A_624 = arith.cmpi ne, %rem3A_622, %ne3A_623 : i32
      %lt3A_625 = arith.constant 0 : i32
      %lt3A_626 = arith.cmpi slt, %rem3A_622, %lt3A_625 : i32
      %lt3A_627 = arith.constant 0 : i32
      %lt3A_628 = arith.cmpi slt, %select_n3A_621, %lt3A_627 : i32
      %ne3A_629 = arith.xori %lt3A_626, %lt3A_628 : i1
      %and3A_630 = arith.andi %ne3A_629, %ne3A_624 : i1
      %add3A_631 = arith.addi %rem3A_622, %select_n3A_621 : i32
      %select_n3A_632 = arith.select %and3A_630, %add3A_631, %rem3A_622 : i32
      %dma_start3A_633 = arith.constant 6 : i32
      %dma_start3A_634 = arith.constant 6 : i32
      %dma_start3A_635 = arith.constant 0 : i32
      %dma_start3A_636 = tpu.memref_slice %arg14[%select_n3A_632, %dma_start3A_633, %dma_start3A_635] : memref<2x16x368xf32, #tpu.memory_space<vmem>> -> memref<1x1x368xf32, #tpu.memory_space<vmem>>
      %dma_start3A_637 = tpu.memref_squeeze %dma_start3A_636 : memref<1x1x368xf32, #tpu.memory_space<vmem>> -> memref<368xf32, #tpu.memory_space<vmem>>
      %dma_start3A_638 = tpu.memref_slice %arg8[%arg0, %dma_start3A_634, %add3A_451] : memref<2x16x100096xf32, #tpu.memory_space<hbm>> -> memref<1x1x368xf32, #tpu.memory_space<hbm>>
      %dma_start3A_639 = tpu.memref_squeeze %dma_start3A_638 : memref<1x1x368xf32, #tpu.memory_space<hbm>> -> memref<368xf32, #tpu.memory_space<hbm>>
      %dma_start3A_640 = tpu.memref_slice %arg8[%arg0, %dma_start3A_634, %add3A_451] : memref<2x16x100096xf32, #tpu.memory_space<hbm>> -> memref<1x1x368xf32, #tpu.memory_space<hbm>>
      %dma_start3A_641 = tpu.memref_squeeze %dma_start3A_640 : memref<1x1x368xf32, #tpu.memory_space<hbm>> -> memref<368xf32, #tpu.memory_space<hbm>>
      %dma_start3A_642 = arith.constant 0 : i32
      %dma_start3A_643 = tpu.memref_slice %arg14[%select_n3A_632, %dma_start3A_633, %dma_start3A_642] : memref<2x16x368xf32, #tpu.memory_space<vmem>> -> memref<1x1x368xf32, #tpu.memory_space<vmem>>
      %dma_start3A_644 = tpu.memref_squeeze %dma_start3A_643 : memref<1x1x368xf32, #tpu.memory_space<vmem>> -> memref<368xf32, #tpu.memory_space<vmem>>
      tpu.enqueue_dma source(%dma_start3A_644 : memref<368xf32, #tpu.memory_space<vmem>>) target(%dma_start3A_641 : memref<368xf32, #tpu.memory_space<hbm>>) target_semaphore(%arg17 : memref<!tpu.dma_semaphore, #tpu.memory_space<semaphore_mem>>)
      %jit3A_645 = arith.constant 2 : i32
      %eq3A_646 = arith.constant 0 : i32
      %eq3A_647 = arith.cmpi eq, %jit3A_645, %eq3A_646 : i32
      %jit3A_648 = arith.constant 1 : i32
      %select_n3A_649 = arith.select %eq3A_647, %jit3A_648, %jit3A_645 : i32
      %rem3A_650 = arith.remsi %add3A_444, %select_n3A_649 : i32
      %ne3A_651 = arith.constant 0 : i32
      %ne3A_652 = arith.cmpi ne, %rem3A_650, %ne3A_651 : i32
      %lt3A_653 = arith.constant 0 : i32
      %lt3A_654 = arith.cmpi slt, %rem3A_650, %lt3A_653 : i32
      %lt3A_655 = arith.constant 0 : i32
      %lt3A_656 = arith.cmpi slt, %select_n3A_649, %lt3A_655 : i32
      %ne3A_657 = arith.xori %lt3A_654, %lt3A_656 : i1
      %and3A_658 = arith.andi %ne3A_657, %ne3A_652 : i1
      %add3A_659 = arith.addi %rem3A_650, %select_n3A_649 : i32
      %select_n3A_660 = arith.select %and3A_658, %add3A_659, %rem3A_650 : i32
      %dma_start3A_661 = arith.constant 7 : i32
      %dma_start3A_662 = arith.constant 7 : i32
      %dma_start3A_663 = arith.constant 0 : i32
      %dma_start3A_664 = tpu.memref_slice %arg14[%select_n3A_660, %dma_start3A_661, %dma_start3A_663] : memref<2x16x368xf32, #tpu.memory_space<vmem>> -> memref<1x1x368xf32, #tpu.memory_space<vmem>>
      %dma_start3A_665 = tpu.memref_squeeze %dma_start3A_664 : memref<1x1x368xf32, #tpu.memory_space<vmem>> -> memref<368xf32, #tpu.memory_space<vmem>>
      %dma_start3A_666 = tpu.memref_slice %arg8[%arg0, %dma_start3A_662, %add3A_451] : memref<2x16x100096xf32, #tpu.memory_space<hbm>> -> memref<1x1x368xf32, #tpu.memory_space<hbm>>
      %dma_start3A_667 = tpu.memref_squeeze %dma_start3A_666 : memref<1x1x368xf32, #tpu.memory_space<hbm>> -> memref<368xf32, #tpu.memory_space<hbm>>
      %dma_start3A_668 = tpu.memref_slice %arg8[%arg0, %dma_start3A_662, %add3A_451] : memref<2x16x100096xf32, #tpu.memory_space<hbm>> -> memref<1x1x368xf32, #tpu.memory_space<hbm>>
      %dma_start3A_669 = tpu.memref_squeeze %dma_start3A_668 : memref<1x1x368xf32, #tpu.memory_space<hbm>> -> memref<368xf32, #tpu.memory_space<hbm>>
      %dma_start3A_670 = arith.constant 0 : i32
      %dma_start3A_671 = tpu.memref_slice %arg14[%select_n3A_660, %dma_start3A_661, %dma_start3A_670] : memref<2x16x368xf32, #tpu.memory_space<vmem>> -> memref<1x1x368xf32, #tpu.memory_space<vmem>>
      %dma_start3A_672 = tpu.memref_squeeze %dma_start3A_671 : memref<1x1x368xf32, #tpu.memory_space<vmem>> -> memref<368xf32, #tpu.memory_space<vmem>>
      tpu.enqueue_dma source(%dma_start3A_672 : memref<368xf32, #tpu.memory_space<vmem>>) target(%dma_start3A_669 : memref<368xf32, #tpu.memory_space<hbm>>) target_semaphore(%arg17 : memref<!tpu.dma_semaphore, #tpu.memory_space<semaphore_mem>>)
      %jit3A_673 = arith.constant 2 : i32
      %eq3A_674 = arith.constant 0 : i32
      %eq3A_675 = arith.cmpi eq, %jit3A_673, %eq3A_674 : i32
      %jit3A_676 = arith.constant 1 : i32
      %select_n3A_677 = arith.select %eq3A_675, %jit3A_676, %jit3A_673 : i32
      %rem3A_678 = arith.remsi %add3A_444, %select_n3A_677 : i32
      %ne3A_679 = arith.constant 0 : i32
      %ne3A_680 = arith.cmpi ne, %rem3A_678, %ne3A_679 : i32
      %lt3A_681 = arith.constant 0 : i32
      %lt3A_682 = arith.cmpi slt, %rem3A_678, %lt3A_681 : i32
      %lt3A_683 = arith.constant 0 : i32
      %lt3A_684 = arith.cmpi slt, %select_n3A_677, %lt3A_683 : i32
      %ne3A_685 = arith.xori %lt3A_682, %lt3A_684 : i1
      %and3A_686 = arith.andi %ne3A_685, %ne3A_680 : i1
      %add3A_687 = arith.addi %rem3A_678, %select_n3A_677 : i32
      %select_n3A_688 = arith.select %and3A_686, %add3A_687, %rem3A_678 : i32
      %dma_start3A_689 = arith.constant 8 : i32
      %dma_start3A_690 = arith.constant 8 : i32
      %dma_start3A_691 = arith.constant 0 : i32
      %dma_start3A_692 = tpu.memref_slice %arg14[%select_n3A_688, %dma_start3A_689, %dma_start3A_691] : memref<2x16x368xf32, #tpu.memory_space<vmem>> -> memref<1x1x368xf32, #tpu.memory_space<vmem>>
      %dma_start3A_693 = tpu.memref_squeeze %dma_start3A_692 : memref<1x1x368xf32, #tpu.memory_space<vmem>> -> memref<368xf32, #tpu.memory_space<vmem>>
      %dma_start3A_694 = tpu.memref_slice %arg8[%arg0, %dma_start3A_690, %add3A_451] : memref<2x16x100096xf32, #tpu.memory_space<hbm>> -> memref<1x1x368xf32, #tpu.memory_space<hbm>>
      %dma_start3A_695 = tpu.memref_squeeze %dma_start3A_694 : memref<1x1x368xf32, #tpu.memory_space<hbm>> -> memref<368xf32, #tpu.memory_space<hbm>>
      %dma_start3A_696 = tpu.memref_slice %arg8[%arg0, %dma_start3A_690, %add3A_451] : memref<2x16x100096xf32, #tpu.memory_space<hbm>> -> memref<1x1x368xf32, #tpu.memory_space<hbm>>
      %dma_start3A_697 = tpu.memref_squeeze %dma_start3A_696 : memref<1x1x368xf32, #tpu.memory_space<hbm>> -> memref<368xf32, #tpu.memory_space<hbm>>
      %dma_start3A_698 = arith.constant 0 : i32
      %dma_start3A_699 = tpu.memref_slice %arg14[%select_n3A_688, %dma_start3A_689, %dma_start3A_698] : memref<2x16x368xf32, #tpu.memory_space<vmem>> -> memref<1x1x368xf32, #tpu.memory_space<vmem>>
      %dma_start3A_700 = tpu.memref_squeeze %dma_start3A_699 : memref<1x1x368xf32, #tpu.memory_space<vmem>> -> memref<368xf32, #tpu.memory_space<vmem>>
      tpu.enqueue_dma source(%dma_start3A_700 : memref<368xf32, #tpu.memory_space<vmem>>) target(%dma_start3A_697 : memref<368xf32, #tpu.memory_space<hbm>>) target_semaphore(%arg17 : memref<!tpu.dma_semaphore, #tpu.memory_space<semaphore_mem>>)
      %jit3A_701 = arith.constant 2 : i32
      %eq3A_702 = arith.constant 0 : i32
      %eq3A_703 = arith.cmpi eq, %jit3A_701, %eq3A_702 : i32
      %jit3A_704 = arith.constant 1 : i32
      %select_n3A_705 = arith.select %eq3A_703, %jit3A_704, %jit3A_701 : i32
      %rem3A_706 = arith.remsi %add3A_444, %select_n3A_705 : i32
      %ne3A_707 = arith.constant 0 : i32
      %ne3A_708 = arith.cmpi ne, %rem3A_706, %ne3A_707 : i32
      %lt3A_709 = arith.constant 0 : i32
      %lt3A_710 = arith.cmpi slt, %rem3A_706, %lt3A_709 : i32
      %lt3A_711 = arith.constant 0 : i32
      %lt3A_712 = arith.cmpi slt, %select_n3A_705, %lt3A_711 : i32
      %ne3A_713 = arith.xori %lt3A_710, %lt3A_712 : i1
      %and3A_714 = arith.andi %ne3A_713, %ne3A_708 : i1
      %add3A_715 = arith.addi %rem3A_706, %select_n3A_705 : i32
      %select_n3A_716 = arith.select %and3A_714, %add3A_715, %rem3A_706 : i32
      %dma_start3A_717 = arith.constant 9 : i32
      %dma_start3A_718 = arith.constant 9 : i32
      %dma_start3A_719 = arith.constant 0 : i32
      %dma_start3A_720 = tpu.memref_slice %arg14[%select_n3A_716, %dma_start3A_717, %dma_start3A_719] : memref<2x16x368xf32, #tpu.memory_space<vmem>> -> memref<1x1x368xf32, #tpu.memory_space<vmem>>
      %dma_start3A_721 = tpu.memref_squeeze %dma_start3A_720 : memref<1x1x368xf32, #tpu.memory_space<vmem>> -> memref<368xf32, #tpu.memory_space<vmem>>
      %dma_start3A_722 = tpu.memref_slice %arg8[%arg0, %dma_start3A_718, %add3A_451] : memref<2x16x100096xf32, #tpu.memory_space<hbm>> -> memref<1x1x368xf32, #tpu.memory_space<hbm>>
      %dma_start3A_723 = tpu.memref_squeeze %dma_start3A_722 : memref<1x1x368xf32, #tpu.memory_space<hbm>> -> memref<368xf32, #tpu.memory_space<hbm>>
      %dma_start3A_724 = tpu.memref_slice %arg8[%arg0, %dma_start3A_718, %add3A_451] : memref<2x16x100096xf32, #tpu.memory_space<hbm>> -> memref<1x1x368xf32, #tpu.memory_space<hbm>>
      %dma_start3A_725 = tpu.memref_squeeze %dma_start3A_724 : memref<1x1x368xf32, #tpu.memory_space<hbm>> -> memref<368xf32, #tpu.memory_space<hbm>>
      %dma_start3A_726 = arith.constant 0 : i32
      %dma_start3A_727 = tpu.memref_slice %arg14[%select_n3A_716, %dma_start3A_717, %dma_start3A_726] : memref<2x16x368xf32, #tpu.memory_space<vmem>> -> memref<1x1x368xf32, #tpu.memory_space<vmem>>
      %dma_start3A_728 = tpu.memref_squeeze %dma_start3A_727 : memref<1x1x368xf32, #tpu.memory_space<vmem>> -> memref<368xf32, #tpu.memory_space<vmem>>
      tpu.enqueue_dma source(%dma_start3A_728 : memref<368xf32, #tpu.memory_space<vmem>>) target(%dma_start3A_725 : memref<368xf32, #tpu.memory_space<hbm>>) target_semaphore(%arg17 : memref<!tpu.dma_semaphore, #tpu.memory_space<semaphore_mem>>)
      %jit3A_729 = arith.constant 2 : i32
      %eq3A_730 = arith.constant 0 : i32
      %eq3A_731 = arith.cmpi eq, %jit3A_729, %eq3A_730 : i32
      %jit3A_732 = arith.constant 1 : i32
      %select_n3A_733 = arith.select %eq3A_731, %jit3A_732, %jit3A_729 : i32
      %rem3A_734 = arith.remsi %add3A_444, %select_n3A_733 : i32
      %ne3A_735 = arith.constant 0 : i32
      %ne3A_736 = arith.cmpi ne, %rem3A_734, %ne3A_735 : i32
      %lt3A_737 = arith.constant 0 : i32
      %lt3A_738 = arith.cmpi slt, %rem3A_734, %lt3A_737 : i32
      %lt3A_739 = arith.constant 0 : i32
      %lt3A_740 = arith.cmpi slt, %select_n3A_733, %lt3A_739 : i32
      %ne3A_741 = arith.xori %lt3A_738, %lt3A_740 : i1
      %and3A_742 = arith.andi %ne3A_741, %ne3A_736 : i1
      %add3A_743 = arith.addi %rem3A_734, %select_n3A_733 : i32
      %select_n3A_744 = arith.select %and3A_742, %add3A_743, %rem3A_734 : i32
      %dma_start3A_745 = arith.constant 10 : i32
      %dma_start3A_746 = arith.constant 10 : i32
      %dma_start3A_747 = arith.constant 0 : i32
      %dma_start3A_748 = tpu.memref_slice %arg14[%select_n3A_744, %dma_start3A_745, %dma_start3A_747] : memref<2x16x368xf32, #tpu.memory_space<vmem>> -> memref<1x1x368xf32, #tpu.memory_space<vmem>>
      %dma_start3A_749 = tpu.memref_squeeze %dma_start3A_748 : memref<1x1x368xf32, #tpu.memory_space<vmem>> -> memref<368xf32, #tpu.memory_space<vmem>>
      %dma_start3A_750 = tpu.memref_slice %arg8[%arg0, %dma_start3A_746, %add3A_451] : memref<2x16x100096xf32, #tpu.memory_space<hbm>> -> memref<1x1x368xf32, #tpu.memory_space<hbm>>
      %dma_start3A_751 = tpu.memref_squeeze %dma_start3A_750 : memref<1x1x368xf32, #tpu.memory_space<hbm>> -> memref<368xf32, #tpu.memory_space<hbm>>
      %dma_start3A_752 = tpu.memref_slice %arg8[%arg0, %dma_start3A_746, %add3A_451] : memref<2x16x100096xf32, #tpu.memory_space<hbm>> -> memref<1x1x368xf32, #tpu.memory_space<hbm>>
      %dma_start3A_753 = tpu.memref_squeeze %dma_start3A_752 : memref<1x1x368xf32, #tpu.memory_space<hbm>> -> memref<368xf32, #tpu.memory_space<hbm>>
      %dma_start3A_754 = arith.constant 0 : i32
      %dma_start3A_755 = tpu.memref_slice %arg14[%select_n3A_744, %dma_start3A_745, %dma_start3A_754] : memref<2x16x368xf32, #tpu.memory_space<vmem>> -> memref<1x1x368xf32, #tpu.memory_space<vmem>>
      %dma_start3A_756 = tpu.memref_squeeze %dma_start3A_755 : memref<1x1x368xf32, #tpu.memory_space<vmem>> -> memref<368xf32, #tpu.memory_space<vmem>>
      tpu.enqueue_dma source(%dma_start3A_756 : memref<368xf32, #tpu.memory_space<vmem>>) target(%dma_start3A_753 : memref<368xf32, #tpu.memory_space<hbm>>) target_semaphore(%arg17 : memref<!tpu.dma_semaphore, #tpu.memory_space<semaphore_mem>>)
      %jit3A_757 = arith.constant 2 : i32
      %eq3A_758 = arith.constant 0 : i32
      %eq3A_759 = arith.cmpi eq, %jit3A_757, %eq3A_758 : i32
      %jit3A_760 = arith.constant 1 : i32
      %select_n3A_761 = arith.select %eq3A_759, %jit3A_760, %jit3A_757 : i32
      %rem3A_762 = arith.remsi %add3A_444, %select_n3A_761 : i32
      %ne3A_763 = arith.constant 0 : i32
      %ne3A_764 = arith.cmpi ne, %rem3A_762, %ne3A_763 : i32
      %lt3A_765 = arith.constant 0 : i32
      %lt3A_766 = arith.cmpi slt, %rem3A_762, %lt3A_765 : i32
      %lt3A_767 = arith.constant 0 : i32
      %lt3A_768 = arith.cmpi slt, %select_n3A_761, %lt3A_767 : i32
      %ne3A_769 = arith.xori %lt3A_766, %lt3A_768 : i1
      %and3A_770 = arith.andi %ne3A_769, %ne3A_764 : i1
      %add3A_771 = arith.addi %rem3A_762, %select_n3A_761 : i32
      %select_n3A_772 = arith.select %and3A_770, %add3A_771, %rem3A_762 : i32
      %dma_start3A_773 = arith.constant 11 : i32
      %dma_start3A_774 = arith.constant 11 : i32
      %dma_start3A_775 = arith.constant 0 : i32
      %dma_start3A_776 = tpu.memref_slice %arg14[%select_n3A_772, %dma_start3A_773, %dma_start3A_775] : memref<2x16x368xf32, #tpu.memory_space<vmem>> -> memref<1x1x368xf32, #tpu.memory_space<vmem>>
      %dma_start3A_777 = tpu.memref_squeeze %dma_start3A_776 : memref<1x1x368xf32, #tpu.memory_space<vmem>> -> memref<368xf32, #tpu.memory_space<vmem>>
      %dma_start3A_778 = tpu.memref_slice %arg8[%arg0, %dma_start3A_774, %add3A_451] : memref<2x16x100096xf32, #tpu.memory_space<hbm>> -> memref<1x1x368xf32, #tpu.memory_space<hbm>>
      %dma_start3A_779 = tpu.memref_squeeze %dma_start3A_778 : memref<1x1x368xf32, #tpu.memory_space<hbm>> -> memref<368xf32, #tpu.memory_space<hbm>>
      %dma_start3A_780 = tpu.memref_slice %arg8[%arg0, %dma_start3A_774, %add3A_451] : memref<2x16x100096xf32, #tpu.memory_space<hbm>> -> memref<1x1x368xf32, #tpu.memory_space<hbm>>
      %dma_start3A_781 = tpu.memref_squeeze %dma_start3A_780 : memref<1x1x368xf32, #tpu.memory_space<hbm>> -> memref<368xf32, #tpu.memory_space<hbm>>
      %dma_start3A_782 = arith.constant 0 : i32
      %dma_start3A_783 = tpu.memref_slice %arg14[%select_n3A_772, %dma_start3A_773, %dma_start3A_782] : memref<2x16x368xf32, #tpu.memory_space<vmem>> -> memref<1x1x368xf32, #tpu.memory_space<vmem>>
      %dma_start3A_784 = tpu.memref_squeeze %dma_start3A_783 : memref<1x1x368xf32, #tpu.memory_space<vmem>> -> memref<368xf32, #tpu.memory_space<vmem>>
      tpu.enqueue_dma source(%dma_start3A_784 : memref<368xf32, #tpu.memory_space<vmem>>) target(%dma_start3A_781 : memref<368xf32, #tpu.memory_space<hbm>>) target_semaphore(%arg17 : memref<!tpu.dma_semaphore, #tpu.memory_space<semaphore_mem>>)
      %jit3A_785 = arith.constant 2 : i32
      %eq3A_786 = arith.constant 0 : i32
      %eq3A_787 = arith.cmpi eq, %jit3A_785, %eq3A_786 : i32
      %jit3A_788 = arith.constant 1 : i32
      %select_n3A_789 = arith.select %eq3A_787, %jit3A_788, %jit3A_785 : i32
      %rem3A_790 = arith.remsi %add3A_444, %select_n3A_789 : i32
      %ne3A_791 = arith.constant 0 : i32
      %ne3A_792 = arith.cmpi ne, %rem3A_790, %ne3A_791 : i32
      %lt3A_793 = arith.constant 0 : i32
      %lt3A_794 = arith.cmpi slt, %rem3A_790, %lt3A_793 : i32
      %lt3A_795 = arith.constant 0 : i32
      %lt3A_796 = arith.cmpi slt, %select_n3A_789, %lt3A_795 : i32
      %ne3A_797 = arith.xori %lt3A_794, %lt3A_796 : i1
      %and3A_798 = arith.andi %ne3A_797, %ne3A_792 : i1
      %add3A_799 = arith.addi %rem3A_790, %select_n3A_789 : i32
      %select_n3A_800 = arith.select %and3A_798, %add3A_799, %rem3A_790 : i32
      %dma_start3A_801 = arith.constant 12 : i32
      %dma_start3A_802 = arith.constant 12 : i32
      %dma_start3A_803 = arith.constant 0 : i32
      %dma_start3A_804 = tpu.memref_slice %arg14[%select_n3A_800, %dma_start3A_801, %dma_start3A_803] : memref<2x16x368xf32, #tpu.memory_space<vmem>> -> memref<1x1x368xf32, #tpu.memory_space<vmem>>
      %dma_start3A_805 = tpu.memref_squeeze %dma_start3A_804 : memref<1x1x368xf32, #tpu.memory_space<vmem>> -> memref<368xf32, #tpu.memory_space<vmem>>
      %dma_start3A_806 = tpu.memref_slice %arg8[%arg0, %dma_start3A_802, %add3A_451] : memref<2x16x100096xf32, #tpu.memory_space<hbm>> -> memref<1x1x368xf32, #tpu.memory_space<hbm>>
      %dma_start3A_807 = tpu.memref_squeeze %dma_start3A_806 : memref<1x1x368xf32, #tpu.memory_space<hbm>> -> memref<368xf32, #tpu.memory_space<hbm>>
      %dma_start3A_808 = tpu.memref_slice %arg8[%arg0, %dma_start3A_802, %add3A_451] : memref<2x16x100096xf32, #tpu.memory_space<hbm>> -> memref<1x1x368xf32, #tpu.memory_space<hbm>>
      %dma_start3A_809 = tpu.memref_squeeze %dma_start3A_808 : memref<1x1x368xf32, #tpu.memory_space<hbm>> -> memref<368xf32, #tpu.memory_space<hbm>>
      %dma_start3A_810 = arith.constant 0 : i32
      %dma_start3A_811 = tpu.memref_slice %arg14[%select_n3A_800, %dma_start3A_801, %dma_start3A_810] : memref<2x16x368xf32, #tpu.memory_space<vmem>> -> memref<1x1x368xf32, #tpu.memory_space<vmem>>
      %dma_start3A_812 = tpu.memref_squeeze %dma_start3A_811 : memref<1x1x368xf32, #tpu.memory_space<vmem>> -> memref<368xf32, #tpu.memory_space<vmem>>
      tpu.enqueue_dma source(%dma_start3A_812 : memref<368xf32, #tpu.memory_space<vmem>>) target(%dma_start3A_809 : memref<368xf32, #tpu.memory_space<hbm>>) target_semaphore(%arg17 : memref<!tpu.dma_semaphore, #tpu.memory_space<semaphore_mem>>)
      %jit3A_813 = arith.constant 2 : i32
      %eq3A_814 = arith.constant 0 : i32
      %eq3A_815 = arith.cmpi eq, %jit3A_813, %eq3A_814 : i32
      %jit3A_816 = arith.constant 1 : i32
      %select_n3A_817 = arith.select %eq3A_815, %jit3A_816, %jit3A_813 : i32
      %rem3A_818 = arith.remsi %add3A_444, %select_n3A_817 : i32
      %ne3A_819 = arith.constant 0 : i32
      %ne3A_820 = arith.cmpi ne, %rem3A_818, %ne3A_819 : i32
      %lt3A_821 = arith.constant 0 : i32
      %lt3A_822 = arith.cmpi slt, %rem3A_818, %lt3A_821 : i32
      %lt3A_823 = arith.constant 0 : i32
      %lt3A_824 = arith.cmpi slt, %select_n3A_817, %lt3A_823 : i32
      %ne3A_825 = arith.xori %lt3A_822, %lt3A_824 : i1
      %and3A_826 = arith.andi %ne3A_825, %ne3A_820 : i1
      %add3A_827 = arith.addi %rem3A_818, %select_n3A_817 : i32
      %select_n3A_828 = arith.select %and3A_826, %add3A_827, %rem3A_818 : i32
      %dma_start3A_829 = arith.constant 13 : i32
      %dma_start3A_830 = arith.constant 13 : i32
      %dma_start3A_831 = arith.constant 0 : i32
      %dma_start3A_832 = tpu.memref_slice %arg14[%select_n3A_828, %dma_start3A_829, %dma_start3A_831] : memref<2x16x368xf32, #tpu.memory_space<vmem>> -> memref<1x1x368xf32, #tpu.memory_space<vmem>>
      %dma_start3A_833 = tpu.memref_squeeze %dma_start3A_832 : memref<1x1x368xf32, #tpu.memory_space<vmem>> -> memref<368xf32, #tpu.memory_space<vmem>>
      %dma_start3A_834 = tpu.memref_slice %arg8[%arg0, %dma_start3A_830, %add3A_451] : memref<2x16x100096xf32, #tpu.memory_space<hbm>> -> memref<1x1x368xf32, #tpu.memory_space<hbm>>
      %dma_start3A_835 = tpu.memref_squeeze %dma_start3A_834 : memref<1x1x368xf32, #tpu.memory_space<hbm>> -> memref<368xf32, #tpu.memory_space<hbm>>
      %dma_start3A_836 = tpu.memref_slice %arg8[%arg0, %dma_start3A_830, %add3A_451] : memref<2x16x100096xf32, #tpu.memory_space<hbm>> -> memref<1x1x368xf32, #tpu.memory_space<hbm>>
      %dma_start3A_837 = tpu.memref_squeeze %dma_start3A_836 : memref<1x1x368xf32, #tpu.memory_space<hbm>> -> memref<368xf32, #tpu.memory_space<hbm>>
      %dma_start3A_838 = arith.constant 0 : i32
      %dma_start3A_839 = tpu.memref_slice %arg14[%select_n3A_828, %dma_start3A_829, %dma_start3A_838] : memref<2x16x368xf32, #tpu.memory_space<vmem>> -> memref<1x1x368xf32, #tpu.memory_space<vmem>>
      %dma_start3A_840 = tpu.memref_squeeze %dma_start3A_839 : memref<1x1x368xf32, #tpu.memory_space<vmem>> -> memref<368xf32, #tpu.memory_space<vmem>>
      tpu.enqueue_dma source(%dma_start3A_840 : memref<368xf32, #tpu.memory_space<vmem>>) target(%dma_start3A_837 : memref<368xf32, #tpu.memory_space<hbm>>) target_semaphore(%arg17 : memref<!tpu.dma_semaphore, #tpu.memory_space<semaphore_mem>>)
      %jit3A_841 = arith.constant 2 : i32
      %eq3A_842 = arith.constant 0 : i32
      %eq3A_843 = arith.cmpi eq, %jit3A_841, %eq3A_842 : i32
      %jit3A_844 = arith.constant 1 : i32
      %select_n3A_845 = arith.select %eq3A_843, %jit3A_844, %jit3A_841 : i32
      %rem3A_846 = arith.remsi %add3A_444, %select_n3A_845 : i32
      %ne3A_847 = arith.constant 0 : i32
      %ne3A_848 = arith.cmpi ne, %rem3A_846, %ne3A_847 : i32
      %lt3A_849 = arith.constant 0 : i32
      %lt3A_850 = arith.cmpi slt, %rem3A_846, %lt3A_849 : i32
      %lt3A_851 = arith.constant 0 : i32
      %lt3A_852 = arith.cmpi slt, %select_n3A_845, %lt3A_851 : i32
      %ne3A_853 = arith.xori %lt3A_850, %lt3A_852 : i1
      %and3A_854 = arith.andi %ne3A_853, %ne3A_848 : i1
      %add3A_855 = arith.addi %rem3A_846, %select_n3A_845 : i32
      %select_n3A_856 = arith.select %and3A_854, %add3A_855, %rem3A_846 : i32
      %dma_start3A_857 = arith.constant 14 : i32
      %dma_start3A_858 = arith.constant 14 : i32
      %dma_start3A_859 = arith.constant 0 : i32
      %dma_start3A_860 = tpu.memref_slice %arg14[%select_n3A_856, %dma_start3A_857, %dma_start3A_859] : memref<2x16x368xf32, #tpu.memory_space<vmem>> -> memref<1x1x368xf32, #tpu.memory_space<vmem>>
      %dma_start3A_861 = tpu.memref_squeeze %dma_start3A_860 : memref<1x1x368xf32, #tpu.memory_space<vmem>> -> memref<368xf32, #tpu.memory_space<vmem>>
      %dma_start3A_862 = tpu.memref_slice %arg8[%arg0, %dma_start3A_858, %add3A_451] : memref<2x16x100096xf32, #tpu.memory_space<hbm>> -> memref<1x1x368xf32, #tpu.memory_space<hbm>>
      %dma_start3A_863 = tpu.memref_squeeze %dma_start3A_862 : memref<1x1x368xf32, #tpu.memory_space<hbm>> -> memref<368xf32, #tpu.memory_space<hbm>>
      %dma_start3A_864 = tpu.memref_slice %arg8[%arg0, %dma_start3A_858, %add3A_451] : memref<2x16x100096xf32, #tpu.memory_space<hbm>> -> memref<1x1x368xf32, #tpu.memory_space<hbm>>
      %dma_start3A_865 = tpu.memref_squeeze %dma_start3A_864 : memref<1x1x368xf32, #tpu.memory_space<hbm>> -> memref<368xf32, #tpu.memory_space<hbm>>
      %dma_start3A_866 = arith.constant 0 : i32
      %dma_start3A_867 = tpu.memref_slice %arg14[%select_n3A_856, %dma_start3A_857, %dma_start3A_866] : memref<2x16x368xf32, #tpu.memory_space<vmem>> -> memref<1x1x368xf32, #tpu.memory_space<vmem>>
      %dma_start3A_868 = tpu.memref_squeeze %dma_start3A_867 : memref<1x1x368xf32, #tpu.memory_space<vmem>> -> memref<368xf32, #tpu.memory_space<vmem>>
      tpu.enqueue_dma source(%dma_start3A_868 : memref<368xf32, #tpu.memory_space<vmem>>) target(%dma_start3A_865 : memref<368xf32, #tpu.memory_space<hbm>>) target_semaphore(%arg17 : memref<!tpu.dma_semaphore, #tpu.memory_space<semaphore_mem>>)
      %jit3A_869 = arith.constant 2 : i32
      %eq3A_870 = arith.constant 0 : i32
      %eq3A_871 = arith.cmpi eq, %jit3A_869, %eq3A_870 : i32
      %jit3A_872 = arith.constant 1 : i32
      %select_n3A_873 = arith.select %eq3A_871, %jit3A_872, %jit3A_869 : i32
      %rem3A_874 = arith.remsi %add3A_444, %select_n3A_873 : i32
      %ne3A_875 = arith.constant 0 : i32
      %ne3A_876 = arith.cmpi ne, %rem3A_874, %ne3A_875 : i32
      %lt3A_877 = arith.constant 0 : i32
      %lt3A_878 = arith.cmpi slt, %rem3A_874, %lt3A_877 : i32
      %lt3A_879 = arith.constant 0 : i32
      %lt3A_880 = arith.cmpi slt, %select_n3A_873, %lt3A_879 : i32
      %ne3A_881 = arith.xori %lt3A_878, %lt3A_880 : i1
      %and3A_882 = arith.andi %ne3A_881, %ne3A_876 : i1
      %add3A_883 = arith.addi %rem3A_874, %select_n3A_873 : i32
      %select_n3A_884 = arith.select %and3A_882, %add3A_883, %rem3A_874 : i32
      %dma_start3A_885 = arith.constant 15 : i32
      %dma_start3A_886 = arith.constant 15 : i32
      %dma_start3A_887 = arith.constant 0 : i32
      %dma_start3A_888 = tpu.memref_slice %arg14[%select_n3A_884, %dma_start3A_885, %dma_start3A_887] : memref<2x16x368xf32, #tpu.memory_space<vmem>> -> memref<1x1x368xf32, #tpu.memory_space<vmem>>
      %dma_start3A_889 = tpu.memref_squeeze %dma_start3A_888 : memref<1x1x368xf32, #tpu.memory_space<vmem>> -> memref<368xf32, #tpu.memory_space<vmem>>
      %dma_start3A_890 = tpu.memref_slice %arg8[%arg0, %dma_start3A_886, %add3A_451] : memref<2x16x100096xf32, #tpu.memory_space<hbm>> -> memref<1x1x368xf32, #tpu.memory_space<hbm>>
      %dma_start3A_891 = tpu.memref_squeeze %dma_start3A_890 : memref<1x1x368xf32, #tpu.memory_space<hbm>> -> memref<368xf32, #tpu.memory_space<hbm>>
      %dma_start3A_892 = tpu.memref_slice %arg8[%arg0, %dma_start3A_886, %add3A_451] : memref<2x16x100096xf32, #tpu.memory_space<hbm>> -> memref<1x1x368xf32, #tpu.memory_space<hbm>>
      %dma_start3A_893 = tpu.memref_squeeze %dma_start3A_892 : memref<1x1x368xf32, #tpu.memory_space<hbm>> -> memref<368xf32, #tpu.memory_space<hbm>>
      %dma_start3A_894 = arith.constant 0 : i32
      %dma_start3A_895 = tpu.memref_slice %arg14[%select_n3A_884, %dma_start3A_885, %dma_start3A_894] : memref<2x16x368xf32, #tpu.memory_space<vmem>> -> memref<1x1x368xf32, #tpu.memory_space<vmem>>
      %dma_start3A_896 = tpu.memref_squeeze %dma_start3A_895 : memref<1x1x368xf32, #tpu.memory_space<vmem>> -> memref<368xf32, #tpu.memory_space<vmem>>
      tpu.enqueue_dma source(%dma_start3A_896 : memref<368xf32, #tpu.memory_space<vmem>>) target(%dma_start3A_893 : memref<368xf32, #tpu.memory_space<hbm>>) target_semaphore(%arg17 : memref<!tpu.dma_semaphore, #tpu.memory_space<semaphore_mem>>)
    }
    %scan3A_14 = arith.constant 17 : i32
    %mul3A_15 = arith.constant 6256 : i32
    %mul3A_16 = arith.muli %arg1, %mul3A_15 : i32
    %add3A_17 = arith.constant 5520 : i32
    %add3A_18 = arith.addi %mul3A_16, %add3A_17 : i32
    %dma_wait3A = arith.constant 1 : i32
    %dma_wait3A_19 = arith.constant 0 : i32
    %dma_wait3A_20 = arith.constant 0 : i32
    %dma_wait3A_21 = arith.constant 0 : i32
    %dma_wait3A_22 = tpu.memref_slice %arg14[%dma_wait3A, %dma_wait3A_19, %dma_wait3A_21] : memref<2x16x368xf32, #tpu.memory_space<vmem>> -> memref<1x1x368xf32, #tpu.memory_space<vmem>>
    %dma_wait3A_23 = tpu.memref_squeeze %dma_wait3A_22 : memref<1x1x368xf32, #tpu.memory_space<vmem>> -> memref<368xf32, #tpu.memory_space<vmem>>
    %dma_wait3A_24 = tpu.memref_slice %arg8[%arg0, %dma_wait3A_20, %add3A_18] : memref<2x16x100096xf32, #tpu.memory_space<hbm>> -> memref<1x1x368xf32, #tpu.memory_space<hbm>>
    %dma_wait3A_25 = tpu.memref_squeeze %dma_wait3A_24 : memref<1x1x368xf32, #tpu.memory_space<hbm>> -> memref<368xf32, #tpu.memory_space<hbm>>
    %dma_wait3A_26 = tpu.memref_slice %arg8[%arg0, %dma_wait3A_20, %add3A_18] : memref<2x16x100096xf32, #tpu.memory_space<hbm>> -> memref<1x1x368xf32, #tpu.memory_space<hbm>>
    %dma_wait3A_27 = tpu.memref_squeeze %dma_wait3A_26 : memref<1x1x368xf32, #tpu.memory_space<hbm>> -> memref<368xf32, #tpu.memory_space<hbm>>
    %dma_wait3A_28 = arith.constant 0 : i32
    %dma_wait3A_29 = tpu.memref_slice %arg14[%dma_wait3A, %dma_wait3A_19, %dma_wait3A_28] : memref<2x16x368xf32, #tpu.memory_space<vmem>> -> memref<1x1x368xf32, #tpu.memory_space<vmem>>
    %dma_wait3A_30 = tpu.memref_squeeze %dma_wait3A_29 : memref<1x1x368xf32, #tpu.memory_space<vmem>> -> memref<368xf32, #tpu.memory_space<vmem>>
    tpu.wait_dma2 semaphore(%arg17 : memref<!tpu.dma_semaphore, #tpu.memory_space<semaphore_mem>>) src(%dma_wait3A_30 : memref<368xf32, #tpu.memory_space<vmem>>) dst(%dma_wait3A_27 : memref<368xf32, #tpu.memory_space<hbm>>)
    %dma_wait3A_31 = arith.constant 1 : i32
    %dma_wait3A_32 = arith.constant 1 : i32
    %dma_wait3A_33 = arith.constant 1 : i32
    %dma_wait3A_34 = arith.constant 0 : i32
    %dma_wait3A_35 = tpu.memref_slice %arg14[%dma_wait3A_31, %dma_wait3A_32, %dma_wait3A_34] : memref<2x16x368xf32, #tpu.memory_space<vmem>> -> memref<1x1x368xf32, #tpu.memory_space<vmem>>
    %dma_wait3A_36 = tpu.memref_squeeze %dma_wait3A_35 : memref<1x1x368xf32, #tpu.memory_space<vmem>> -> memref<368xf32, #tpu.memory_space<vmem>>
    %dma_wait3A_37 = tpu.memref_slice %arg8[%arg0, %dma_wait3A_33, %add3A_18] : memref<2x16x100096xf32, #tpu.memory_space<hbm>> -> memref<1x1x368xf32, #tpu.memory_space<hbm>>
    %dma_wait3A_38 = tpu.memref_squeeze %dma_wait3A_37 : memref<1x1x368xf32, #tpu.memory_space<hbm>> -> memref<368xf32, #tpu.memory_space<hbm>>
    %dma_wait3A_39 = tpu.memref_slice %arg8[%arg0, %dma_wait3A_33, %add3A_18] : memref<2x16x100096xf32, #tpu.memory_space<hbm>> -> memref<1x1x368xf32, #tpu.memory_space<hbm>>
    %dma_wait3A_40 = tpu.memref_squeeze %dma_wait3A_39 : memref<1x1x368xf32, #tpu.memory_space<hbm>> -> memref<368xf32, #tpu.memory_space<hbm>>
    %dma_wait3A_41 = arith.constant 0 : i32
    %dma_wait3A_42 = tpu.memref_slice %arg14[%dma_wait3A_31, %dma_wait3A_32, %dma_wait3A_41] : memref<2x16x368xf32, #tpu.memory_space<vmem>> -> memref<1x1x368xf32, #tpu.memory_space<vmem>>
    %dma_wait3A_43 = tpu.memref_squeeze %dma_wait3A_42 : memref<1x1x368xf32, #tpu.memory_space<vmem>> -> memref<368xf32, #tpu.memory_space<vmem>>
    tpu.wait_dma2 semaphore(%arg17 : memref<!tpu.dma_semaphore, #tpu.memory_space<semaphore_mem>>) src(%dma_wait3A_43 : memref<368xf32, #tpu.memory_space<vmem>>) dst(%dma_wait3A_40 : memref<368xf32, #tpu.memory_space<hbm>>)
    %dma_wait3A_44 = arith.constant 1 : i32
    %dma_wait3A_45 = arith.constant 2 : i32
    %dma_wait3A_46 = arith.constant 2 : i32
    %dma_wait3A_47 = arith.constant 0 : i32
    %dma_wait3A_48 = tpu.memref_slice %arg14[%dma_wait3A_44, %dma_wait3A_45, %dma_wait3A_47] : memref<2x16x368xf32, #tpu.memory_space<vmem>> -> memref<1x1x368xf32, #tpu.memory_space<vmem>>
    %dma_wait3A_49 = tpu.memref_squeeze %dma_wait3A_48 : memref<1x1x368xf32, #tpu.memory_space<vmem>> -> memref<368xf32, #tpu.memory_space<vmem>>
    %dma_wait3A_50 = tpu.memref_slice %arg8[%arg0, %dma_wait3A_46, %add3A_18] : memref<2x16x100096xf32, #tpu.memory_space<hbm>> -> memref<1x1x368xf32, #tpu.memory_space<hbm>>
    %dma_wait3A_51 = tpu.memref_squeeze %dma_wait3A_50 : memref<1x1x368xf32, #tpu.memory_space<hbm>> -> memref<368xf32, #tpu.memory_space<hbm>>
    %dma_wait3A_52 = tpu.memref_slice %arg8[%arg0, %dma_wait3A_46, %add3A_18] : memref<2x16x100096xf32, #tpu.memory_space<hbm>> -> memref<1x1x368xf32, #tpu.memory_space<hbm>>
    %dma_wait3A_53 = tpu.memref_squeeze %dma_wait3A_52 : memref<1x1x368xf32, #tpu.memory_space<hbm>> -> memref<368xf32, #tpu.memory_space<hbm>>
    %dma_wait3A_54 = arith.constant 0 : i32
    %dma_wait3A_55 = tpu.memref_slice %arg14[%dma_wait3A_44, %dma_wait3A_45, %dma_wait3A_54] : memref<2x16x368xf32, #tpu.memory_space<vmem>> -> memref<1x1x368xf32, #tpu.memory_space<vmem>>
    %dma_wait3A_56 = tpu.memref_squeeze %dma_wait3A_55 : memref<1x1x368xf32, #tpu.memory_space<vmem>> -> memref<368xf32, #tpu.memory_space<vmem>>
    tpu.wait_dma2 semaphore(%arg17 : memref<!tpu.dma_semaphore, #tpu.memory_space<semaphore_mem>>) src(%dma_wait3A_56 : memref<368xf32, #tpu.memory_space<vmem>>) dst(%dma_wait3A_53 : memref<368xf32, #tpu.memory_space<hbm>>)
    %dma_wait3A_57 = arith.constant 1 : i32
    %dma_wait3A_58 = arith.constant 3 : i32
    %dma_wait3A_59 = arith.constant 3 : i32
    %dma_wait3A_60 = arith.constant 0 : i32
    %dma_wait3A_61 = tpu.memref_slice %arg14[%dma_wait3A_57, %dma_wait3A_58, %dma_wait3A_60] : memref<2x16x368xf32, #tpu.memory_space<vmem>> -> memref<1x1x368xf32, #tpu.memory_space<vmem>>
    %dma_wait3A_62 = tpu.memref_squeeze %dma_wait3A_61 : memref<1x1x368xf32, #tpu.memory_space<vmem>> -> memref<368xf32, #tpu.memory_space<vmem>>
    %dma_wait3A_63 = tpu.memref_slice %arg8[%arg0, %dma_wait3A_59, %add3A_18] : memref<2x16x100096xf32, #tpu.memory_space<hbm>> -> memref<1x1x368xf32, #tpu.memory_space<hbm>>
    %dma_wait3A_64 = tpu.memref_squeeze %dma_wait3A_63 : memref<1x1x368xf32, #tpu.memory_space<hbm>> -> memref<368xf32, #tpu.memory_space<hbm>>
    %dma_wait3A_65 = tpu.memref_slice %arg8[%arg0, %dma_wait3A_59, %add3A_18] : memref<2x16x100096xf32, #tpu.memory_space<hbm>> -> memref<1x1x368xf32, #tpu.memory_space<hbm>>
    %dma_wait3A_66 = tpu.memref_squeeze %dma_wait3A_65 : memref<1x1x368xf32, #tpu.memory_space<hbm>> -> memref<368xf32, #tpu.memory_space<hbm>>
    %dma_wait3A_67 = arith.constant 0 : i32
    %dma_wait3A_68 = tpu.memref_slice %arg14[%dma_wait3A_57, %dma_wait3A_58, %dma_wait3A_67] : memref<2x16x368xf32, #tpu.memory_space<vmem>> -> memref<1x1x368xf32, #tpu.memory_space<vmem>>
    %dma_wait3A_69 = tpu.memref_squeeze %dma_wait3A_68 : memref<1x1x368xf32, #tpu.memory_space<vmem>> -> memref<368xf32, #tpu.memory_space<vmem>>
    tpu.wait_dma2 semaphore(%arg17 : memref<!tpu.dma_semaphore, #tpu.memory_space<semaphore_mem>>) src(%dma_wait3A_69 : memref<368xf32, #tpu.memory_space<vmem>>) dst(%dma_wait3A_66 : memref<368xf32, #tpu.memory_space<hbm>>)
    %dma_wait3A_70 = arith.constant 1 : i32
    %dma_wait3A_71 = arith.constant 4 : i32
    %dma_wait3A_72 = arith.constant 4 : i32
    %dma_wait3A_73 = arith.constant 0 : i32
    %dma_wait3A_74 = tpu.memref_slice %arg14[%dma_wait3A_70, %dma_wait3A_71, %dma_wait3A_73] : memref<2x16x368xf32, #tpu.memory_space<vmem>> -> memref<1x1x368xf32, #tpu.memory_space<vmem>>
    %dma_wait3A_75 = tpu.memref_squeeze %dma_wait3A_74 : memref<1x1x368xf32, #tpu.memory_space<vmem>> -> memref<368xf32, #tpu.memory_space<vmem>>
    %dma_wait3A_76 = tpu.memref_slice %arg8[%arg0, %dma_wait3A_72, %add3A_18] : memref<2x16x100096xf32, #tpu.memory_space<hbm>> -> memref<1x1x368xf32, #tpu.memory_space<hbm>>
    %dma_wait3A_77 = tpu.memref_squeeze %dma_wait3A_76 : memref<1x1x368xf32, #tpu.memory_space<hbm>> -> memref<368xf32, #tpu.memory_space<hbm>>
    %dma_wait3A_78 = tpu.memref_slice %arg8[%arg0, %dma_wait3A_72, %add3A_18] : memref<2x16x100096xf32, #tpu.memory_space<hbm>> -> memref<1x1x368xf32, #tpu.memory_space<hbm>>
    %dma_wait3A_79 = tpu.memref_squeeze %dma_wait3A_78 : memref<1x1x368xf32, #tpu.memory_space<hbm>> -> memref<368xf32, #tpu.memory_space<hbm>>
    %dma_wait3A_80 = arith.constant 0 : i32
    %dma_wait3A_81 = tpu.memref_slice %arg14[%dma_wait3A_70, %dma_wait3A_71, %dma_wait3A_80] : memref<2x16x368xf32, #tpu.memory_space<vmem>> -> memref<1x1x368xf32, #tpu.memory_space<vmem>>
    %dma_wait3A_82 = tpu.memref_squeeze %dma_wait3A_81 : memref<1x1x368xf32, #tpu.memory_space<vmem>> -> memref<368xf32, #tpu.memory_space<vmem>>
    tpu.wait_dma2 semaphore(%arg17 : memref<!tpu.dma_semaphore, #tpu.memory_space<semaphore_mem>>) src(%dma_wait3A_82 : memref<368xf32, #tpu.memory_space<vmem>>) dst(%dma_wait3A_79 : memref<368xf32, #tpu.memory_space<hbm>>)
    %dma_wait3A_83 = arith.constant 1 : i32
    %dma_wait3A_84 = arith.constant 5 : i32
    %dma_wait3A_85 = arith.constant 5 : i32
    %dma_wait3A_86 = arith.constant 0 : i32
    %dma_wait3A_87 = tpu.memref_slice %arg14[%dma_wait3A_83, %dma_wait3A_84, %dma_wait3A_86] : memref<2x16x368xf32, #tpu.memory_space<vmem>> -> memref<1x1x368xf32, #tpu.memory_space<vmem>>
    %dma_wait3A_88 = tpu.memref_squeeze %dma_wait3A_87 : memref<1x1x368xf32, #tpu.memory_space<vmem>> -> memref<368xf32, #tpu.memory_space<vmem>>
    %dma_wait3A_89 = tpu.memref_slice %arg8[%arg0, %dma_wait3A_85, %add3A_18] : memref<2x16x100096xf32, #tpu.memory_space<hbm>> -> memref<1x1x368xf32, #tpu.memory_space<hbm>>
    %dma_wait3A_90 = tpu.memref_squeeze %dma_wait3A_89 : memref<1x1x368xf32, #tpu.memory_space<hbm>> -> memref<368xf32, #tpu.memory_space<hbm>>
    %dma_wait3A_91 = tpu.memref_slice %arg8[%arg0, %dma_wait3A_85, %add3A_18] : memref<2x16x100096xf32, #tpu.memory_space<hbm>> -> memref<1x1x368xf32, #tpu.memory_space<hbm>>
    %dma_wait3A_92 = tpu.memref_squeeze %dma_wait3A_91 : memref<1x1x368xf32, #tpu.memory_space<hbm>> -> memref<368xf32, #tpu.memory_space<hbm>>
    %dma_wait3A_93 = arith.constant 0 : i32
    %dma_wait3A_94 = tpu.memref_slice %arg14[%dma_wait3A_83, %dma_wait3A_84, %dma_wait3A_93] : memref<2x16x368xf32, #tpu.memory_space<vmem>> -> memref<1x1x368xf32, #tpu.memory_space<vmem>>
    %dma_wait3A_95 = tpu.memref_squeeze %dma_wait3A_94 : memref<1x1x368xf32, #tpu.memory_space<vmem>> -> memref<368xf32, #tpu.memory_space<vmem>>
    tpu.wait_dma2 semaphore(%arg17 : memref<!tpu.dma_semaphore, #tpu.memory_space<semaphore_mem>>) src(%dma_wait3A_95 : memref<368xf32, #tpu.memory_space<vmem>>) dst(%dma_wait3A_92 : memref<368xf32, #tpu.memory_space<hbm>>)
    %dma_wait3A_96 = arith.constant 1 : i32
    %dma_wait3A_97 = arith.constant 6 : i32
    %dma_wait3A_98 = arith.constant 6 : i32
    %dma_wait3A_99 = arith.constant 0 : i32
    %dma_wait3A_100 = tpu.memref_slice %arg14[%dma_wait3A_96, %dma_wait3A_97, %dma_wait3A_99] : memref<2x16x368xf32, #tpu.memory_space<vmem>> -> memref<1x1x368xf32, #tpu.memory_space<vmem>>
    %dma_wait3A_101 = tpu.memref_squeeze %dma_wait3A_100 : memref<1x1x368xf32, #tpu.memory_space<vmem>> -> memref<368xf32, #tpu.memory_space<vmem>>
    %dma_wait3A_102 = tpu.memref_slice %arg8[%arg0, %dma_wait3A_98, %add3A_18] : memref<2x16x100096xf32, #tpu.memory_space<hbm>> -> memref<1x1x368xf32, #tpu.memory_space<hbm>>
    %dma_wait3A_103 = tpu.memref_squeeze %dma_wait3A_102 : memref<1x1x368xf32, #tpu.memory_space<hbm>> -> memref<368xf32, #tpu.memory_space<hbm>>
    %dma_wait3A_104 = tpu.memref_slice %arg8[%arg0, %dma_wait3A_98, %add3A_18] : memref<2x16x100096xf32, #tpu.memory_space<hbm>> -> memref<1x1x368xf32, #tpu.memory_space<hbm>>
    %dma_wait3A_105 = tpu.memref_squeeze %dma_wait3A_104 : memref<1x1x368xf32, #tpu.memory_space<hbm>> -> memref<368xf32, #tpu.memory_space<hbm>>
    %dma_wait3A_106 = arith.constant 0 : i32
    %dma_wait3A_107 = tpu.memref_slice %arg14[%dma_wait3A_96, %dma_wait3A_97, %dma_wait3A_106] : memref<2x16x368xf32, #tpu.memory_space<vmem>> -> memref<1x1x368xf32, #tpu.memory_space<vmem>>
    %dma_wait3A_108 = tpu.memref_squeeze %dma_wait3A_107 : memref<1x1x368xf32, #tpu.memory_space<vmem>> -> memref<368xf32, #tpu.memory_space<vmem>>
    tpu.wait_dma2 semaphore(%arg17 : memref<!tpu.dma_semaphore, #tpu.memory_space<semaphore_mem>>) src(%dma_wait3A_108 : memref<368xf32, #tpu.memory_space<vmem>>) dst(%dma_wait3A_105 : memref<368xf32, #tpu.memory_space<hbm>>)
    %dma_wait3A_109 = arith.constant 1 : i32
    %dma_wait3A_110 = arith.constant 7 : i32
    %dma_wait3A_111 = arith.constant 7 : i32
    %dma_wait3A_112 = arith.constant 0 : i32
    %dma_wait3A_113 = tpu.memref_slice %arg14[%dma_wait3A_109, %dma_wait3A_110, %dma_wait3A_112] : memref<2x16x368xf32, #tpu.memory_space<vmem>> -> memref<1x1x368xf32, #tpu.memory_space<vmem>>
    %dma_wait3A_114 = tpu.memref_squeeze %dma_wait3A_113 : memref<1x1x368xf32, #tpu.memory_space<vmem>> -> memref<368xf32, #tpu.memory_space<vmem>>
    %dma_wait3A_115 = tpu.memref_slice %arg8[%arg0, %dma_wait3A_111, %add3A_18] : memref<2x16x100096xf32, #tpu.memory_space<hbm>> -> memref<1x1x368xf32, #tpu.memory_space<hbm>>
    %dma_wait3A_116 = tpu.memref_squeeze %dma_wait3A_115 : memref<1x1x368xf32, #tpu.memory_space<hbm>> -> memref<368xf32, #tpu.memory_space<hbm>>
    %dma_wait3A_117 = tpu.memref_slice %arg8[%arg0, %dma_wait3A_111, %add3A_18] : memref<2x16x100096xf32, #tpu.memory_space<hbm>> -> memref<1x1x368xf32, #tpu.memory_space<hbm>>
    %dma_wait3A_118 = tpu.memref_squeeze %dma_wait3A_117 : memref<1x1x368xf32, #tpu.memory_space<hbm>> -> memref<368xf32, #tpu.memory_space<hbm>>
    %dma_wait3A_119 = arith.constant 0 : i32
    %dma_wait3A_120 = tpu.memref_slice %arg14[%dma_wait3A_109, %dma_wait3A_110, %dma_wait3A_119] : memref<2x16x368xf32, #tpu.memory_space<vmem>> -> memref<1x1x368xf32, #tpu.memory_space<vmem>>
    %dma_wait3A_121 = tpu.memref_squeeze %dma_wait3A_120 : memref<1x1x368xf32, #tpu.memory_space<vmem>> -> memref<368xf32, #tpu.memory_space<vmem>>
    tpu.wait_dma2 semaphore(%arg17 : memref<!tpu.dma_semaphore, #tpu.memory_space<semaphore_mem>>) src(%dma_wait3A_121 : memref<368xf32, #tpu.memory_space<vmem>>) dst(%dma_wait3A_118 : memref<368xf32, #tpu.memory_space<hbm>>)
    %dma_wait3A_122 = arith.constant 1 : i32
    %dma_wait3A_123 = arith.constant 8 : i32
    %dma_wait3A_124 = arith.constant 8 : i32
    %dma_wait3A_125 = arith.constant 0 : i32
    %dma_wait3A_126 = tpu.memref_slice %arg14[%dma_wait3A_122, %dma_wait3A_123, %dma_wait3A_125] : memref<2x16x368xf32, #tpu.memory_space<vmem>> -> memref<1x1x368xf32, #tpu.memory_space<vmem>>
    %dma_wait3A_127 = tpu.memref_squeeze %dma_wait3A_126 : memref<1x1x368xf32, #tpu.memory_space<vmem>> -> memref<368xf32, #tpu.memory_space<vmem>>
    %dma_wait3A_128 = tpu.memref_slice %arg8[%arg0, %dma_wait3A_124, %add3A_18] : memref<2x16x100096xf32, #tpu.memory_space<hbm>> -> memref<1x1x368xf32, #tpu.memory_space<hbm>>
    %dma_wait3A_129 = tpu.memref_squeeze %dma_wait3A_128 : memref<1x1x368xf32, #tpu.memory_space<hbm>> -> memref<368xf32, #tpu.memory_space<hbm>>
    %dma_wait3A_130 = tpu.memref_slice %arg8[%arg0, %dma_wait3A_124, %add3A_18] : memref<2x16x100096xf32, #tpu.memory_space<hbm>> -> memref<1x1x368xf32, #tpu.memory_space<hbm>>
    %dma_wait3A_131 = tpu.memref_squeeze %dma_wait3A_130 : memref<1x1x368xf32, #tpu.memory_space<hbm>> -> memref<368xf32, #tpu.memory_space<hbm>>
    %dma_wait3A_132 = arith.constant 0 : i32
    %dma_wait3A_133 = tpu.memref_slice %arg14[%dma_wait3A_122, %dma_wait3A_123, %dma_wait3A_132] : memref<2x16x368xf32, #tpu.memory_space<vmem>> -> memref<1x1x368xf32, #tpu.memory_space<vmem>>
    %dma_wait3A_134 = tpu.memref_squeeze %dma_wait3A_133 : memref<1x1x368xf32, #tpu.memory_space<vmem>> -> memref<368xf32, #tpu.memory_space<vmem>>
    tpu.wait_dma2 semaphore(%arg17 : memref<!tpu.dma_semaphore, #tpu.memory_space<semaphore_mem>>) src(%dma_wait3A_134 : memref<368xf32, #tpu.memory_space<vmem>>) dst(%dma_wait3A_131 : memref<368xf32, #tpu.memory_space<hbm>>)
    %dma_wait3A_135 = arith.constant 1 : i32
    %dma_wait3A_136 = arith.constant 9 : i32
    %dma_wait3A_137 = arith.constant 9 : i32
    %dma_wait3A_138 = arith.constant 0 : i32
    %dma_wait3A_139 = tpu.memref_slice %arg14[%dma_wait3A_135, %dma_wait3A_136, %dma_wait3A_138] : memref<2x16x368xf32, #tpu.memory_space<vmem>> -> memref<1x1x368xf32, #tpu.memory_space<vmem>>
    %dma_wait3A_140 = tpu.memref_squeeze %dma_wait3A_139 : memref<1x1x368xf32, #tpu.memory_space<vmem>> -> memref<368xf32, #tpu.memory_space<vmem>>
    %dma_wait3A_141 = tpu.memref_slice %arg8[%arg0, %dma_wait3A_137, %add3A_18] : memref<2x16x100096xf32, #tpu.memory_space<hbm>> -> memref<1x1x368xf32, #tpu.memory_space<hbm>>
    %dma_wait3A_142 = tpu.memref_squeeze %dma_wait3A_141 : memref<1x1x368xf32, #tpu.memory_space<hbm>> -> memref<368xf32, #tpu.memory_space<hbm>>
    %dma_wait3A_143 = tpu.memref_slice %arg8[%arg0, %dma_wait3A_137, %add3A_18] : memref<2x16x100096xf32, #tpu.memory_space<hbm>> -> memref<1x1x368xf32, #tpu.memory_space<hbm>>
    %dma_wait3A_144 = tpu.memref_squeeze %dma_wait3A_143 : memref<1x1x368xf32, #tpu.memory_space<hbm>> -> memref<368xf32, #tpu.memory_space<hbm>>
    %dma_wait3A_145 = arith.constant 0 : i32
    %dma_wait3A_146 = tpu.memref_slice %arg14[%dma_wait3A_135, %dma_wait3A_136, %dma_wait3A_145] : memref<2x16x368xf32, #tpu.memory_space<vmem>> -> memref<1x1x368xf32, #tpu.memory_space<vmem>>
    %dma_wait3A_147 = tpu.memref_squeeze %dma_wait3A_146 : memref<1x1x368xf32, #tpu.memory_space<vmem>> -> memref<368xf32, #tpu.memory_space<vmem>>
    tpu.wait_dma2 semaphore(%arg17 : memref<!tpu.dma_semaphore, #tpu.memory_space<semaphore_mem>>) src(%dma_wait3A_147 : memref<368xf32, #tpu.memory_space<vmem>>) dst(%dma_wait3A_144 : memref<368xf32, #tpu.memory_space<hbm>>)
    %dma_wait3A_148 = arith.constant 1 : i32
    %dma_wait3A_149 = arith.constant 10 : i32
    %dma_wait3A_150 = arith.constant 10 : i32
    %dma_wait3A_151 = arith.constant 0 : i32
    %dma_wait3A_152 = tpu.memref_slice %arg14[%dma_wait3A_148, %dma_wait3A_149, %dma_wait3A_151] : memref<2x16x368xf32, #tpu.memory_space<vmem>> -> memref<1x1x368xf32, #tpu.memory_space<vmem>>
    %dma_wait3A_153 = tpu.memref_squeeze %dma_wait3A_152 : memref<1x1x368xf32, #tpu.memory_space<vmem>> -> memref<368xf32, #tpu.memory_space<vmem>>
    %dma_wait3A_154 = tpu.memref_slice %arg8[%arg0, %dma_wait3A_150, %add3A_18] : memref<2x16x100096xf32, #tpu.memory_space<hbm>> -> memref<1x1x368xf32, #tpu.memory_space<hbm>>
    %dma_wait3A_155 = tpu.memref_squeeze %dma_wait3A_154 : memref<1x1x368xf32, #tpu.memory_space<hbm>> -> memref<368xf32, #tpu.memory_space<hbm>>
    %dma_wait3A_156 = tpu.memref_slice %arg8[%arg0, %dma_wait3A_150, %add3A_18] : memref<2x16x100096xf32, #tpu.memory_space<hbm>> -> memref<1x1x368xf32, #tpu.memory_space<hbm>>
    %dma_wait3A_157 = tpu.memref_squeeze %dma_wait3A_156 : memref<1x1x368xf32, #tpu.memory_space<hbm>> -> memref<368xf32, #tpu.memory_space<hbm>>
    %dma_wait3A_158 = arith.constant 0 : i32
    %dma_wait3A_159 = tpu.memref_slice %arg14[%dma_wait3A_148, %dma_wait3A_149, %dma_wait3A_158] : memref<2x16x368xf32, #tpu.memory_space<vmem>> -> memref<1x1x368xf32, #tpu.memory_space<vmem>>
    %dma_wait3A_160 = tpu.memref_squeeze %dma_wait3A_159 : memref<1x1x368xf32, #tpu.memory_space<vmem>> -> memref<368xf32, #tpu.memory_space<vmem>>
    tpu.wait_dma2 semaphore(%arg17 : memref<!tpu.dma_semaphore, #tpu.memory_space<semaphore_mem>>) src(%dma_wait3A_160 : memref<368xf32, #tpu.memory_space<vmem>>) dst(%dma_wait3A_157 : memref<368xf32, #tpu.memory_space<hbm>>)
    %dma_wait3A_161 = arith.constant 1 : i32
    %dma_wait3A_162 = arith.constant 11 : i32
    %dma_wait3A_163 = arith.constant 11 : i32
    %dma_wait3A_164 = arith.constant 0 : i32
    %dma_wait3A_165 = tpu.memref_slice %arg14[%dma_wait3A_161, %dma_wait3A_162, %dma_wait3A_164] : memref<2x16x368xf32, #tpu.memory_space<vmem>> -> memref<1x1x368xf32, #tpu.memory_space<vmem>>
    %dma_wait3A_166 = tpu.memref_squeeze %dma_wait3A_165 : memref<1x1x368xf32, #tpu.memory_space<vmem>> -> memref<368xf32, #tpu.memory_space<vmem>>
    %dma_wait3A_167 = tpu.memref_slice %arg8[%arg0, %dma_wait3A_163, %add3A_18] : memref<2x16x100096xf32, #tpu.memory_space<hbm>> -> memref<1x1x368xf32, #tpu.memory_space<hbm>>
    %dma_wait3A_168 = tpu.memref_squeeze %dma_wait3A_167 : memref<1x1x368xf32, #tpu.memory_space<hbm>> -> memref<368xf32, #tpu.memory_space<hbm>>
    %dma_wait3A_169 = tpu.memref_slice %arg8[%arg0, %dma_wait3A_163, %add3A_18] : memref<2x16x100096xf32, #tpu.memory_space<hbm>> -> memref<1x1x368xf32, #tpu.memory_space<hbm>>
    %dma_wait3A_170 = tpu.memref_squeeze %dma_wait3A_169 : memref<1x1x368xf32, #tpu.memory_space<hbm>> -> memref<368xf32, #tpu.memory_space<hbm>>
    %dma_wait3A_171 = arith.constant 0 : i32
    %dma_wait3A_172 = tpu.memref_slice %arg14[%dma_wait3A_161, %dma_wait3A_162, %dma_wait3A_171] : memref<2x16x368xf32, #tpu.memory_space<vmem>> -> memref<1x1x368xf32, #tpu.memory_space<vmem>>
    %dma_wait3A_173 = tpu.memref_squeeze %dma_wait3A_172 : memref<1x1x368xf32, #tpu.memory_space<vmem>> -> memref<368xf32, #tpu.memory_space<vmem>>
    tpu.wait_dma2 semaphore(%arg17 : memref<!tpu.dma_semaphore, #tpu.memory_space<semaphore_mem>>) src(%dma_wait3A_173 : memref<368xf32, #tpu.memory_space<vmem>>) dst(%dma_wait3A_170 : memref<368xf32, #tpu.memory_space<hbm>>)
    %dma_wait3A_174 = arith.constant 1 : i32
    %dma_wait3A_175 = arith.constant 12 : i32
    %dma_wait3A_176 = arith.constant 12 : i32
    %dma_wait3A_177 = arith.constant 0 : i32
    %dma_wait3A_178 = tpu.memref_slice %arg14[%dma_wait3A_174, %dma_wait3A_175, %dma_wait3A_177] : memref<2x16x368xf32, #tpu.memory_space<vmem>> -> memref<1x1x368xf32, #tpu.memory_space<vmem>>
    %dma_wait3A_179 = tpu.memref_squeeze %dma_wait3A_178 : memref<1x1x368xf32, #tpu.memory_space<vmem>> -> memref<368xf32, #tpu.memory_space<vmem>>
    %dma_wait3A_180 = tpu.memref_slice %arg8[%arg0, %dma_wait3A_176, %add3A_18] : memref<2x16x100096xf32, #tpu.memory_space<hbm>> -> memref<1x1x368xf32, #tpu.memory_space<hbm>>
    %dma_wait3A_181 = tpu.memref_squeeze %dma_wait3A_180 : memref<1x1x368xf32, #tpu.memory_space<hbm>> -> memref<368xf32, #tpu.memory_space<hbm>>
    %dma_wait3A_182 = tpu.memref_slice %arg8[%arg0, %dma_wait3A_176, %add3A_18] : memref<2x16x100096xf32, #tpu.memory_space<hbm>> -> memref<1x1x368xf32, #tpu.memory_space<hbm>>
    %dma_wait3A_183 = tpu.memref_squeeze %dma_wait3A_182 : memref<1x1x368xf32, #tpu.memory_space<hbm>> -> memref<368xf32, #tpu.memory_space<hbm>>
    %dma_wait3A_184 = arith.constant 0 : i32
    %dma_wait3A_185 = tpu.memref_slice %arg14[%dma_wait3A_174, %dma_wait3A_175, %dma_wait3A_184] : memref<2x16x368xf32, #tpu.memory_space<vmem>> -> memref<1x1x368xf32, #tpu.memory_space<vmem>>
    %dma_wait3A_186 = tpu.memref_squeeze %dma_wait3A_185 : memref<1x1x368xf32, #tpu.memory_space<vmem>> -> memref<368xf32, #tpu.memory_space<vmem>>
    tpu.wait_dma2 semaphore(%arg17 : memref<!tpu.dma_semaphore, #tpu.memory_space<semaphore_mem>>) src(%dma_wait3A_186 : memref<368xf32, #tpu.memory_space<vmem>>) dst(%dma_wait3A_183 : memref<368xf32, #tpu.memory_space<hbm>>)
    %dma_wait3A_187 = arith.constant 1 : i32
    %dma_wait3A_188 = arith.constant 13 : i32
    %dma_wait3A_189 = arith.constant 13 : i32
    %dma_wait3A_190 = arith.constant 0 : i32
    %dma_wait3A_191 = tpu.memref_slice %arg14[%dma_wait3A_187, %dma_wait3A_188, %dma_wait3A_190] : memref<2x16x368xf32, #tpu.memory_space<vmem>> -> memref<1x1x368xf32, #tpu.memory_space<vmem>>
    %dma_wait3A_192 = tpu.memref_squeeze %dma_wait3A_191 : memref<1x1x368xf32, #tpu.memory_space<vmem>> -> memref<368xf32, #tpu.memory_space<vmem>>
    %dma_wait3A_193 = tpu.memref_slice %arg8[%arg0, %dma_wait3A_189, %add3A_18] : memref<2x16x100096xf32, #tpu.memory_space<hbm>> -> memref<1x1x368xf32, #tpu.memory_space<hbm>>
    %dma_wait3A_194 = tpu.memref_squeeze %dma_wait3A_193 : memref<1x1x368xf32, #tpu.memory_space<hbm>> -> memref<368xf32, #tpu.memory_space<hbm>>
    %dma_wait3A_195 = tpu.memref_slice %arg8[%arg0, %dma_wait3A_189, %add3A_18] : memref<2x16x100096xf32, #tpu.memory_space<hbm>> -> memref<1x1x368xf32, #tpu.memory_space<hbm>>
    %dma_wait3A_196 = tpu.memref_squeeze %dma_wait3A_195 : memref<1x1x368xf32, #tpu.memory_space<hbm>> -> memref<368xf32, #tpu.memory_space<hbm>>
    %dma_wait3A_197 = arith.constant 0 : i32
    %dma_wait3A_198 = tpu.memref_slice %arg14[%dma_wait3A_187, %dma_wait3A_188, %dma_wait3A_197] : memref<2x16x368xf32, #tpu.memory_space<vmem>> -> memref<1x1x368xf32, #tpu.memory_space<vmem>>
    %dma_wait3A_199 = tpu.memref_squeeze %dma_wait3A_198 : memref<1x1x368xf32, #tpu.memory_space<vmem>> -> memref<368xf32, #tpu.memory_space<vmem>>
    tpu.wait_dma2 semaphore(%arg17 : memref<!tpu.dma_semaphore, #tpu.memory_space<semaphore_mem>>) src(%dma_wait3A_199 : memref<368xf32, #tpu.memory_space<vmem>>) dst(%dma_wait3A_196 : memref<368xf32, #tpu.memory_space<hbm>>)
    %dma_wait3A_200 = arith.constant 1 : i32
    %dma_wait3A_201 = arith.constant 14 : i32
    %dma_wait3A_202 = arith.constant 14 : i32
    %dma_wait3A_203 = arith.constant 0 : i32
    %dma_wait3A_204 = tpu.memref_slice %arg14[%dma_wait3A_200, %dma_wait3A_201, %dma_wait3A_203] : memref<2x16x368xf32, #tpu.memory_space<vmem>> -> memref<1x1x368xf32, #tpu.memory_space<vmem>>
    %dma_wait3A_205 = tpu.memref_squeeze %dma_wait3A_204 : memref<1x1x368xf32, #tpu.memory_space<vmem>> -> memref<368xf32, #tpu.memory_space<vmem>>
    %dma_wait3A_206 = tpu.memref_slice %arg8[%arg0, %dma_wait3A_202, %add3A_18] : memref<2x16x100096xf32, #tpu.memory_space<hbm>> -> memref<1x1x368xf32, #tpu.memory_space<hbm>>
    %dma_wait3A_207 = tpu.memref_squeeze %dma_wait3A_206 : memref<1x1x368xf32, #tpu.memory_space<hbm>> -> memref<368xf32, #tpu.memory_space<hbm>>
    %dma_wait3A_208 = tpu.memref_slice %arg8[%arg0, %dma_wait3A_202, %add3A_18] : memref<2x16x100096xf32, #tpu.memory_space<hbm>> -> memref<1x1x368xf32, #tpu.memory_space<hbm>>
    %dma_wait3A_209 = tpu.memref_squeeze %dma_wait3A_208 : memref<1x1x368xf32, #tpu.memory_space<hbm>> -> memref<368xf32, #tpu.memory_space<hbm>>
    %dma_wait3A_210 = arith.constant 0 : i32
    %dma_wait3A_211 = tpu.memref_slice %arg14[%dma_wait3A_200, %dma_wait3A_201, %dma_wait3A_210] : memref<2x16x368xf32, #tpu.memory_space<vmem>> -> memref<1x1x368xf32, #tpu.memory_space<vmem>>
    %dma_wait3A_212 = tpu.memref_squeeze %dma_wait3A_211 : memref<1x1x368xf32, #tpu.memory_space<vmem>> -> memref<368xf32, #tpu.memory_space<vmem>>
    tpu.wait_dma2 semaphore(%arg17 : memref<!tpu.dma_semaphore, #tpu.memory_space<semaphore_mem>>) src(%dma_wait3A_212 : memref<368xf32, #tpu.memory_space<vmem>>) dst(%dma_wait3A_209 : memref<368xf32, #tpu.memory_space<hbm>>)
    %dma_wait3A_213 = arith.constant 1 : i32
    %dma_wait3A_214 = arith.constant 15 : i32
    %dma_wait3A_215 = arith.constant 15 : i32
    %dma_wait3A_216 = arith.constant 0 : i32
    %dma_wait3A_217 = tpu.memref_slice %arg14[%dma_wait3A_213, %dma_wait3A_214, %dma_wait3A_216] : memref<2x16x368xf32, #tpu.memory_space<vmem>> -> memref<1x1x368xf32, #tpu.memory_space<vmem>>
    %dma_wait3A_218 = tpu.memref_squeeze %dma_wait3A_217 : memref<1x1x368xf32, #tpu.memory_space<vmem>> -> memref<368xf32, #tpu.memory_space<vmem>>
    %dma_wait3A_219 = tpu.memref_slice %arg8[%arg0, %dma_wait3A_215, %add3A_18] : memref<2x16x100096xf32, #tpu.memory_space<hbm>> -> memref<1x1x368xf32, #tpu.memory_space<hbm>>
    %dma_wait3A_220 = tpu.memref_squeeze %dma_wait3A_219 : memref<1x1x368xf32, #tpu.memory_space<hbm>> -> memref<368xf32, #tpu.memory_space<hbm>>
    %dma_wait3A_221 = tpu.memref_slice %arg8[%arg0, %dma_wait3A_215, %add3A_18] : memref<2x16x100096xf32, #tpu.memory_space<hbm>> -> memref<1x1x368xf32, #tpu.memory_space<hbm>>
    %dma_wait3A_222 = tpu.memref_squeeze %dma_wait3A_221 : memref<1x1x368xf32, #tpu.memory_space<hbm>> -> memref<368xf32, #tpu.memory_space<hbm>>
    %dma_wait3A_223 = arith.constant 0 : i32
    %dma_wait3A_224 = tpu.memref_slice %arg14[%dma_wait3A_213, %dma_wait3A_214, %dma_wait3A_223] : memref<2x16x368xf32, #tpu.memory_space<vmem>> -> memref<1x1x368xf32, #tpu.memory_space<vmem>>
    %dma_wait3A_225 = tpu.memref_squeeze %dma_wait3A_224 : memref<1x1x368xf32, #tpu.memory_space<vmem>> -> memref<368xf32, #tpu.memory_space<vmem>>
    tpu.wait_dma2 semaphore(%arg17 : memref<!tpu.dma_semaphore, #tpu.memory_space<semaphore_mem>>) src(%dma_wait3A_225 : memref<368xf32, #tpu.memory_space<vmem>>) dst(%dma_wait3A_222 : memref<368xf32, #tpu.memory_space<hbm>>)
    %mul3A_226 = arith.constant 6256 : i32
    %mul3A_227 = arith.muli %arg1, %mul3A_226 : i32
    %add3A_228 = arith.constant 5888 : i32
    %add3A_229 = arith.addi %mul3A_227, %add3A_228 : i32
    %dma_wait3A_230 = arith.constant 0 : i32
    %dma_wait3A_231 = arith.constant 0 : i32
    %dma_wait3A_232 = arith.constant 0 : i32
    %dma_wait3A_233 = arith.constant 0 : i32
    %dma_wait3A_234 = tpu.memref_slice %arg14[%dma_wait3A_230, %dma_wait3A_231, %dma_wait3A_233] : memref<2x16x368xf32, #tpu.memory_space<vmem>> -> memref<1x1x368xf32, #tpu.memory_space<vmem>>
    %dma_wait3A_235 = tpu.memref_squeeze %dma_wait3A_234 : memref<1x1x368xf32, #tpu.memory_space<vmem>> -> memref<368xf32, #tpu.memory_space<vmem>>
    %dma_wait3A_236 = tpu.memref_slice %arg8[%arg0, %dma_wait3A_232, %add3A_229] : memref<2x16x100096xf32, #tpu.memory_space<hbm>> -> memref<1x1x368xf32, #tpu.memory_space<hbm>>
    %dma_wait3A_237 = tpu.memref_squeeze %dma_wait3A_236 : memref<1x1x368xf32, #tpu.memory_space<hbm>> -> memref<368xf32, #tpu.memory_space<hbm>>
    %dma_wait3A_238 = tpu.memref_slice %arg8[%arg0, %dma_wait3A_232, %add3A_229] : memref<2x16x100096xf32, #tpu.memory_space<hbm>> -> memref<1x1x368xf32, #tpu.memory_space<hbm>>
    %dma_wait3A_239 = tpu.memref_squeeze %dma_wait3A_238 : memref<1x1x368xf32, #tpu.memory_space<hbm>> -> memref<368xf32, #tpu.memory_space<hbm>>
    %dma_wait3A_240 = arith.constant 0 : i32
    %dma_wait3A_241 = tpu.memref_slice %arg14[%dma_wait3A_230, %dma_wait3A_231, %dma_wait3A_240] : memref<2x16x368xf32, #tpu.memory_space<vmem>> -> memref<1x1x368xf32, #tpu.memory_space<vmem>>
    %dma_wait3A_242 = tpu.memref_squeeze %dma_wait3A_241 : memref<1x1x368xf32, #tpu.memory_space<vmem>> -> memref<368xf32, #tpu.memory_space<vmem>>
    tpu.wait_dma2 semaphore(%arg17 : memref<!tpu.dma_semaphore, #tpu.memory_space<semaphore_mem>>) src(%dma_wait3A_242 : memref<368xf32, #tpu.memory_space<vmem>>) dst(%dma_wait3A_239 : memref<368xf32, #tpu.memory_space<hbm>>)
    %dma_wait3A_243 = arith.constant 0 : i32
    %dma_wait3A_244 = arith.constant 1 : i32
    %dma_wait3A_245 = arith.constant 1 : i32
    %dma_wait3A_246 = arith.constant 0 : i32
    %dma_wait3A_247 = tpu.memref_slice %arg14[%dma_wait3A_243, %dma_wait3A_244, %dma_wait3A_246] : memref<2x16x368xf32, #tpu.memory_space<vmem>> -> memref<1x1x368xf32, #tpu.memory_space<vmem>>
    %dma_wait3A_248 = tpu.memref_squeeze %dma_wait3A_247 : memref<1x1x368xf32, #tpu.memory_space<vmem>> -> memref<368xf32, #tpu.memory_space<vmem>>
    %dma_wait3A_249 = tpu.memref_slice %arg8[%arg0, %dma_wait3A_245, %add3A_229] : memref<2x16x100096xf32, #tpu.memory_space<hbm>> -> memref<1x1x368xf32, #tpu.memory_space<hbm>>
    %dma_wait3A_250 = tpu.memref_squeeze %dma_wait3A_249 : memref<1x1x368xf32, #tpu.memory_space<hbm>> -> memref<368xf32, #tpu.memory_space<hbm>>
    %dma_wait3A_251 = tpu.memref_slice %arg8[%arg0, %dma_wait3A_245, %add3A_229] : memref<2x16x100096xf32, #tpu.memory_space<hbm>> -> memref<1x1x368xf32, #tpu.memory_space<hbm>>
    %dma_wait3A_252 = tpu.memref_squeeze %dma_wait3A_251 : memref<1x1x368xf32, #tpu.memory_space<hbm>> -> memref<368xf32, #tpu.memory_space<hbm>>
    %dma_wait3A_253 = arith.constant 0 : i32
    %dma_wait3A_254 = tpu.memref_slice %arg14[%dma_wait3A_243, %dma_wait3A_244, %dma_wait3A_253] : memref<2x16x368xf32, #tpu.memory_space<vmem>> -> memref<1x1x368xf32, #tpu.memory_space<vmem>>
    %dma_wait3A_255 = tpu.memref_squeeze %dma_wait3A_254 : memref<1x1x368xf32, #tpu.memory_space<vmem>> -> memref<368xf32, #tpu.memory_space<vmem>>
    tpu.wait_dma2 semaphore(%arg17 : memref<!tpu.dma_semaphore, #tpu.memory_space<semaphore_mem>>) src(%dma_wait3A_255 : memref<368xf32, #tpu.memory_space<vmem>>) dst(%dma_wait3A_252 : memref<368xf32, #tpu.memory_space<hbm>>)
    %dma_wait3A_256 = arith.constant 0 : i32
    %dma_wait3A_257 = arith.constant 2 : i32
    %dma_wait3A_258 = arith.constant 2 : i32
    %dma_wait3A_259 = arith.constant 0 : i32
    %dma_wait3A_260 = tpu.memref_slice %arg14[%dma_wait3A_256, %dma_wait3A_257, %dma_wait3A_259] : memref<2x16x368xf32, #tpu.memory_space<vmem>> -> memref<1x1x368xf32, #tpu.memory_space<vmem>>
    %dma_wait3A_261 = tpu.memref_squeeze %dma_wait3A_260 : memref<1x1x368xf32, #tpu.memory_space<vmem>> -> memref<368xf32, #tpu.memory_space<vmem>>
    %dma_wait3A_262 = tpu.memref_slice %arg8[%arg0, %dma_wait3A_258, %add3A_229] : memref<2x16x100096xf32, #tpu.memory_space<hbm>> -> memref<1x1x368xf32, #tpu.memory_space<hbm>>
    %dma_wait3A_263 = tpu.memref_squeeze %dma_wait3A_262 : memref<1x1x368xf32, #tpu.memory_space<hbm>> -> memref<368xf32, #tpu.memory_space<hbm>>
    %dma_wait3A_264 = tpu.memref_slice %arg8[%arg0, %dma_wait3A_258, %add3A_229] : memref<2x16x100096xf32, #tpu.memory_space<hbm>> -> memref<1x1x368xf32, #tpu.memory_space<hbm>>
    %dma_wait3A_265 = tpu.memref_squeeze %dma_wait3A_264 : memref<1x1x368xf32, #tpu.memory_space<hbm>> -> memref<368xf32, #tpu.memory_space<hbm>>
    %dma_wait3A_266 = arith.constant 0 : i32
    %dma_wait3A_267 = tpu.memref_slice %arg14[%dma_wait3A_256, %dma_wait3A_257, %dma_wait3A_266] : memref<2x16x368xf32, #tpu.memory_space<vmem>> -> memref<1x1x368xf32, #tpu.memory_space<vmem>>
    %dma_wait3A_268 = tpu.memref_squeeze %dma_wait3A_267 : memref<1x1x368xf32, #tpu.memory_space<vmem>> -> memref<368xf32, #tpu.memory_space<vmem>>
    tpu.wait_dma2 semaphore(%arg17 : memref<!tpu.dma_semaphore, #tpu.memory_space<semaphore_mem>>) src(%dma_wait3A_268 : memref<368xf32, #tpu.memory_space<vmem>>) dst(%dma_wait3A_265 : memref<368xf32, #tpu.memory_space<hbm>>)
    %dma_wait3A_269 = arith.constant 0 : i32
    %dma_wait3A_270 = arith.constant 3 : i32
    %dma_wait3A_271 = arith.constant 3 : i32
    %dma_wait3A_272 = arith.constant 0 : i32
    %dma_wait3A_273 = tpu.memref_slice %arg14[%dma_wait3A_269, %dma_wait3A_270, %dma_wait3A_272] : memref<2x16x368xf32, #tpu.memory_space<vmem>> -> memref<1x1x368xf32, #tpu.memory_space<vmem>>
    %dma_wait3A_274 = tpu.memref_squeeze %dma_wait3A_273 : memref<1x1x368xf32, #tpu.memory_space<vmem>> -> memref<368xf32, #tpu.memory_space<vmem>>
    %dma_wait3A_275 = tpu.memref_slice %arg8[%arg0, %dma_wait3A_271, %add3A_229] : memref<2x16x100096xf32, #tpu.memory_space<hbm>> -> memref<1x1x368xf32, #tpu.memory_space<hbm>>
    %dma_wait3A_276 = tpu.memref_squeeze %dma_wait3A_275 : memref<1x1x368xf32, #tpu.memory_space<hbm>> -> memref<368xf32, #tpu.memory_space<hbm>>
    %dma_wait3A_277 = tpu.memref_slice %arg8[%arg0, %dma_wait3A_271, %add3A_229] : memref<2x16x100096xf32, #tpu.memory_space<hbm>> -> memref<1x1x368xf32, #tpu.memory_space<hbm>>
    %dma_wait3A_278 = tpu.memref_squeeze %dma_wait3A_277 : memref<1x1x368xf32, #tpu.memory_space<hbm>> -> memref<368xf32, #tpu.memory_space<hbm>>
    %dma_wait3A_279 = arith.constant 0 : i32
    %dma_wait3A_280 = tpu.memref_slice %arg14[%dma_wait3A_269, %dma_wait3A_270, %dma_wait3A_279] : memref<2x16x368xf32, #tpu.memory_space<vmem>> -> memref<1x1x368xf32, #tpu.memory_space<vmem>>
    %dma_wait3A_281 = tpu.memref_squeeze %dma_wait3A_280 : memref<1x1x368xf32, #tpu.memory_space<vmem>> -> memref<368xf32, #tpu.memory_space<vmem>>
    tpu.wait_dma2 semaphore(%arg17 : memref<!tpu.dma_semaphore, #tpu.memory_space<semaphore_mem>>) src(%dma_wait3A_281 : memref<368xf32, #tpu.memory_space<vmem>>) dst(%dma_wait3A_278 : memref<368xf32, #tpu.memory_space<hbm>>)
    %dma_wait3A_282 = arith.constant 0 : i32
    %dma_wait3A_283 = arith.constant 4 : i32
    %dma_wait3A_284 = arith.constant 4 : i32
    %dma_wait3A_285 = arith.constant 0 : i32
    %dma_wait3A_286 = tpu.memref_slice %arg14[%dma_wait3A_282, %dma_wait3A_283, %dma_wait3A_285] : memref<2x16x368xf32, #tpu.memory_space<vmem>> -> memref<1x1x368xf32, #tpu.memory_space<vmem>>
    %dma_wait3A_287 = tpu.memref_squeeze %dma_wait3A_286 : memref<1x1x368xf32, #tpu.memory_space<vmem>> -> memref<368xf32, #tpu.memory_space<vmem>>
    %dma_wait3A_288 = tpu.memref_slice %arg8[%arg0, %dma_wait3A_284, %add3A_229] : memref<2x16x100096xf32, #tpu.memory_space<hbm>> -> memref<1x1x368xf32, #tpu.memory_space<hbm>>
    %dma_wait3A_289 = tpu.memref_squeeze %dma_wait3A_288 : memref<1x1x368xf32, #tpu.memory_space<hbm>> -> memref<368xf32, #tpu.memory_space<hbm>>
    %dma_wait3A_290 = tpu.memref_slice %arg8[%arg0, %dma_wait3A_284, %add3A_229] : memref<2x16x100096xf32, #tpu.memory_space<hbm>> -> memref<1x1x368xf32, #tpu.memory_space<hbm>>
    %dma_wait3A_291 = tpu.memref_squeeze %dma_wait3A_290 : memref<1x1x368xf32, #tpu.memory_space<hbm>> -> memref<368xf32, #tpu.memory_space<hbm>>
    %dma_wait3A_292 = arith.constant 0 : i32
    %dma_wait3A_293 = tpu.memref_slice %arg14[%dma_wait3A_282, %dma_wait3A_283, %dma_wait3A_292] : memref<2x16x368xf32, #tpu.memory_space<vmem>> -> memref<1x1x368xf32, #tpu.memory_space<vmem>>
    %dma_wait3A_294 = tpu.memref_squeeze %dma_wait3A_293 : memref<1x1x368xf32, #tpu.memory_space<vmem>> -> memref<368xf32, #tpu.memory_space<vmem>>
    tpu.wait_dma2 semaphore(%arg17 : memref<!tpu.dma_semaphore, #tpu.memory_space<semaphore_mem>>) src(%dma_wait3A_294 : memref<368xf32, #tpu.memory_space<vmem>>) dst(%dma_wait3A_291 : memref<368xf32, #tpu.memory_space<hbm>>)
    %dma_wait3A_295 = arith.constant 0 : i32
    %dma_wait3A_296 = arith.constant 5 : i32
    %dma_wait3A_297 = arith.constant 5 : i32
    %dma_wait3A_298 = arith.constant 0 : i32
    %dma_wait3A_299 = tpu.memref_slice %arg14[%dma_wait3A_295, %dma_wait3A_296, %dma_wait3A_298] : memref<2x16x368xf32, #tpu.memory_space<vmem>> -> memref<1x1x368xf32, #tpu.memory_space<vmem>>
    %dma_wait3A_300 = tpu.memref_squeeze %dma_wait3A_299 : memref<1x1x368xf32, #tpu.memory_space<vmem>> -> memref<368xf32, #tpu.memory_space<vmem>>
    %dma_wait3A_301 = tpu.memref_slice %arg8[%arg0, %dma_wait3A_297, %add3A_229] : memref<2x16x100096xf32, #tpu.memory_space<hbm>> -> memref<1x1x368xf32, #tpu.memory_space<hbm>>
    %dma_wait3A_302 = tpu.memref_squeeze %dma_wait3A_301 : memref<1x1x368xf32, #tpu.memory_space<hbm>> -> memref<368xf32, #tpu.memory_space<hbm>>
    %dma_wait3A_303 = tpu.memref_slice %arg8[%arg0, %dma_wait3A_297, %add3A_229] : memref<2x16x100096xf32, #tpu.memory_space<hbm>> -> memref<1x1x368xf32, #tpu.memory_space<hbm>>
    %dma_wait3A_304 = tpu.memref_squeeze %dma_wait3A_303 : memref<1x1x368xf32, #tpu.memory_space<hbm>> -> memref<368xf32, #tpu.memory_space<hbm>>
    %dma_wait3A_305 = arith.constant 0 : i32
    %dma_wait3A_306 = tpu.memref_slice %arg14[%dma_wait3A_295, %dma_wait3A_296, %dma_wait3A_305] : memref<2x16x368xf32, #tpu.memory_space<vmem>> -> memref<1x1x368xf32, #tpu.memory_space<vmem>>
    %dma_wait3A_307 = tpu.memref_squeeze %dma_wait3A_306 : memref<1x1x368xf32, #tpu.memory_space<vmem>> -> memref<368xf32, #tpu.memory_space<vmem>>
    tpu.wait_dma2 semaphore(%arg17 : memref<!tpu.dma_semaphore, #tpu.memory_space<semaphore_mem>>) src(%dma_wait3A_307 : memref<368xf32, #tpu.memory_space<vmem>>) dst(%dma_wait3A_304 : memref<368xf32, #tpu.memory_space<hbm>>)
    %dma_wait3A_308 = arith.constant 0 : i32
    %dma_wait3A_309 = arith.constant 6 : i32
    %dma_wait3A_310 = arith.constant 6 : i32
    %dma_wait3A_311 = arith.constant 0 : i32
    %dma_wait3A_312 = tpu.memref_slice %arg14[%dma_wait3A_308, %dma_wait3A_309, %dma_wait3A_311] : memref<2x16x368xf32, #tpu.memory_space<vmem>> -> memref<1x1x368xf32, #tpu.memory_space<vmem>>
    %dma_wait3A_313 = tpu.memref_squeeze %dma_wait3A_312 : memref<1x1x368xf32, #tpu.memory_space<vmem>> -> memref<368xf32, #tpu.memory_space<vmem>>
    %dma_wait3A_314 = tpu.memref_slice %arg8[%arg0, %dma_wait3A_310, %add3A_229] : memref<2x16x100096xf32, #tpu.memory_space<hbm>> -> memref<1x1x368xf32, #tpu.memory_space<hbm>>
    %dma_wait3A_315 = tpu.memref_squeeze %dma_wait3A_314 : memref<1x1x368xf32, #tpu.memory_space<hbm>> -> memref<368xf32, #tpu.memory_space<hbm>>
    %dma_wait3A_316 = tpu.memref_slice %arg8[%arg0, %dma_wait3A_310, %add3A_229] : memref<2x16x100096xf32, #tpu.memory_space<hbm>> -> memref<1x1x368xf32, #tpu.memory_space<hbm>>
    %dma_wait3A_317 = tpu.memref_squeeze %dma_wait3A_316 : memref<1x1x368xf32, #tpu.memory_space<hbm>> -> memref<368xf32, #tpu.memory_space<hbm>>
    %dma_wait3A_318 = arith.constant 0 : i32
    %dma_wait3A_319 = tpu.memref_slice %arg14[%dma_wait3A_308, %dma_wait3A_309, %dma_wait3A_318] : memref<2x16x368xf32, #tpu.memory_space<vmem>> -> memref<1x1x368xf32, #tpu.memory_space<vmem>>
    %dma_wait3A_320 = tpu.memref_squeeze %dma_wait3A_319 : memref<1x1x368xf32, #tpu.memory_space<vmem>> -> memref<368xf32, #tpu.memory_space<vmem>>
    tpu.wait_dma2 semaphore(%arg17 : memref<!tpu.dma_semaphore, #tpu.memory_space<semaphore_mem>>) src(%dma_wait3A_320 : memref<368xf32, #tpu.memory_space<vmem>>) dst(%dma_wait3A_317 : memref<368xf32, #tpu.memory_space<hbm>>)
    %dma_wait3A_321 = arith.constant 0 : i32
    %dma_wait3A_322 = arith.constant 7 : i32
    %dma_wait3A_323 = arith.constant 7 : i32
    %dma_wait3A_324 = arith.constant 0 : i32
    %dma_wait3A_325 = tpu.memref_slice %arg14[%dma_wait3A_321, %dma_wait3A_322, %dma_wait3A_324] : memref<2x16x368xf32, #tpu.memory_space<vmem>> -> memref<1x1x368xf32, #tpu.memory_space<vmem>>
    %dma_wait3A_326 = tpu.memref_squeeze %dma_wait3A_325 : memref<1x1x368xf32, #tpu.memory_space<vmem>> -> memref<368xf32, #tpu.memory_space<vmem>>
    %dma_wait3A_327 = tpu.memref_slice %arg8[%arg0, %dma_wait3A_323, %add3A_229] : memref<2x16x100096xf32, #tpu.memory_space<hbm>> -> memref<1x1x368xf32, #tpu.memory_space<hbm>>
    %dma_wait3A_328 = tpu.memref_squeeze %dma_wait3A_327 : memref<1x1x368xf32, #tpu.memory_space<hbm>> -> memref<368xf32, #tpu.memory_space<hbm>>
    %dma_wait3A_329 = tpu.memref_slice %arg8[%arg0, %dma_wait3A_323, %add3A_229] : memref<2x16x100096xf32, #tpu.memory_space<hbm>> -> memref<1x1x368xf32, #tpu.memory_space<hbm>>
    %dma_wait3A_330 = tpu.memref_squeeze %dma_wait3A_329 : memref<1x1x368xf32, #tpu.memory_space<hbm>> -> memref<368xf32, #tpu.memory_space<hbm>>
    %dma_wait3A_331 = arith.constant 0 : i32
    %dma_wait3A_332 = tpu.memref_slice %arg14[%dma_wait3A_321, %dma_wait3A_322, %dma_wait3A_331] : memref<2x16x368xf32, #tpu.memory_space<vmem>> -> memref<1x1x368xf32, #tpu.memory_space<vmem>>
    %dma_wait3A_333 = tpu.memref_squeeze %dma_wait3A_332 : memref<1x1x368xf32, #tpu.memory_space<vmem>> -> memref<368xf32, #tpu.memory_space<vmem>>
    tpu.wait_dma2 semaphore(%arg17 : memref<!tpu.dma_semaphore, #tpu.memory_space<semaphore_mem>>) src(%dma_wait3A_333 : memref<368xf32, #tpu.memory_space<vmem>>) dst(%dma_wait3A_330 : memref<368xf32, #tpu.memory_space<hbm>>)
    %dma_wait3A_334 = arith.constant 0 : i32
    %dma_wait3A_335 = arith.constant 8 : i32
    %dma_wait3A_336 = arith.constant 8 : i32
    %dma_wait3A_337 = arith.constant 0 : i32
    %dma_wait3A_338 = tpu.memref_slice %arg14[%dma_wait3A_334, %dma_wait3A_335, %dma_wait3A_337] : memref<2x16x368xf32, #tpu.memory_space<vmem>> -> memref<1x1x368xf32, #tpu.memory_space<vmem>>
    %dma_wait3A_339 = tpu.memref_squeeze %dma_wait3A_338 : memref<1x1x368xf32, #tpu.memory_space<vmem>> -> memref<368xf32, #tpu.memory_space<vmem>>
    %dma_wait3A_340 = tpu.memref_slice %arg8[%arg0, %dma_wait3A_336, %add3A_229] : memref<2x16x100096xf32, #tpu.memory_space<hbm>> -> memref<1x1x368xf32, #tpu.memory_space<hbm>>
    %dma_wait3A_341 = tpu.memref_squeeze %dma_wait3A_340 : memref<1x1x368xf32, #tpu.memory_space<hbm>> -> memref<368xf32, #tpu.memory_space<hbm>>
    %dma_wait3A_342 = tpu.memref_slice %arg8[%arg0, %dma_wait3A_336, %add3A_229] : memref<2x16x100096xf32, #tpu.memory_space<hbm>> -> memref<1x1x368xf32, #tpu.memory_space<hbm>>
    %dma_wait3A_343 = tpu.memref_squeeze %dma_wait3A_342 : memref<1x1x368xf32, #tpu.memory_space<hbm>> -> memref<368xf32, #tpu.memory_space<hbm>>
    %dma_wait3A_344 = arith.constant 0 : i32
    %dma_wait3A_345 = tpu.memref_slice %arg14[%dma_wait3A_334, %dma_wait3A_335, %dma_wait3A_344] : memref<2x16x368xf32, #tpu.memory_space<vmem>> -> memref<1x1x368xf32, #tpu.memory_space<vmem>>
    %dma_wait3A_346 = tpu.memref_squeeze %dma_wait3A_345 : memref<1x1x368xf32, #tpu.memory_space<vmem>> -> memref<368xf32, #tpu.memory_space<vmem>>
    tpu.wait_dma2 semaphore(%arg17 : memref<!tpu.dma_semaphore, #tpu.memory_space<semaphore_mem>>) src(%dma_wait3A_346 : memref<368xf32, #tpu.memory_space<vmem>>) dst(%dma_wait3A_343 : memref<368xf32, #tpu.memory_space<hbm>>)
    %dma_wait3A_347 = arith.constant 0 : i32
    %dma_wait3A_348 = arith.constant 9 : i32
    %dma_wait3A_349 = arith.constant 9 : i32
    %dma_wait3A_350 = arith.constant 0 : i32
    %dma_wait3A_351 = tpu.memref_slice %arg14[%dma_wait3A_347, %dma_wait3A_348, %dma_wait3A_350] : memref<2x16x368xf32, #tpu.memory_space<vmem>> -> memref<1x1x368xf32, #tpu.memory_space<vmem>>
    %dma_wait3A_352 = tpu.memref_squeeze %dma_wait3A_351 : memref<1x1x368xf32, #tpu.memory_space<vmem>> -> memref<368xf32, #tpu.memory_space<vmem>>
    %dma_wait3A_353 = tpu.memref_slice %arg8[%arg0, %dma_wait3A_349, %add3A_229] : memref<2x16x100096xf32, #tpu.memory_space<hbm>> -> memref<1x1x368xf32, #tpu.memory_space<hbm>>
    %dma_wait3A_354 = tpu.memref_squeeze %dma_wait3A_353 : memref<1x1x368xf32, #tpu.memory_space<hbm>> -> memref<368xf32, #tpu.memory_space<hbm>>
    %dma_wait3A_355 = tpu.memref_slice %arg8[%arg0, %dma_wait3A_349, %add3A_229] : memref<2x16x100096xf32, #tpu.memory_space<hbm>> -> memref<1x1x368xf32, #tpu.memory_space<hbm>>
    %dma_wait3A_356 = tpu.memref_squeeze %dma_wait3A_355 : memref<1x1x368xf32, #tpu.memory_space<hbm>> -> memref<368xf32, #tpu.memory_space<hbm>>
    %dma_wait3A_357 = arith.constant 0 : i32
    %dma_wait3A_358 = tpu.memref_slice %arg14[%dma_wait3A_347, %dma_wait3A_348, %dma_wait3A_357] : memref<2x16x368xf32, #tpu.memory_space<vmem>> -> memref<1x1x368xf32, #tpu.memory_space<vmem>>
    %dma_wait3A_359 = tpu.memref_squeeze %dma_wait3A_358 : memref<1x1x368xf32, #tpu.memory_space<vmem>> -> memref<368xf32, #tpu.memory_space<vmem>>
    tpu.wait_dma2 semaphore(%arg17 : memref<!tpu.dma_semaphore, #tpu.memory_space<semaphore_mem>>) src(%dma_wait3A_359 : memref<368xf32, #tpu.memory_space<vmem>>) dst(%dma_wait3A_356 : memref<368xf32, #tpu.memory_space<hbm>>)
    %dma_wait3A_360 = arith.constant 0 : i32
    %dma_wait3A_361 = arith.constant 10 : i32
    %dma_wait3A_362 = arith.constant 10 : i32
    %dma_wait3A_363 = arith.constant 0 : i32
    %dma_wait3A_364 = tpu.memref_slice %arg14[%dma_wait3A_360, %dma_wait3A_361, %dma_wait3A_363] : memref<2x16x368xf32, #tpu.memory_space<vmem>> -> memref<1x1x368xf32, #tpu.memory_space<vmem>>
    %dma_wait3A_365 = tpu.memref_squeeze %dma_wait3A_364 : memref<1x1x368xf32, #tpu.memory_space<vmem>> -> memref<368xf32, #tpu.memory_space<vmem>>
    %dma_wait3A_366 = tpu.memref_slice %arg8[%arg0, %dma_wait3A_362, %add3A_229] : memref<2x16x100096xf32, #tpu.memory_space<hbm>> -> memref<1x1x368xf32, #tpu.memory_space<hbm>>
    %dma_wait3A_367 = tpu.memref_squeeze %dma_wait3A_366 : memref<1x1x368xf32, #tpu.memory_space<hbm>> -> memref<368xf32, #tpu.memory_space<hbm>>
    %dma_wait3A_368 = tpu.memref_slice %arg8[%arg0, %dma_wait3A_362, %add3A_229] : memref<2x16x100096xf32, #tpu.memory_space<hbm>> -> memref<1x1x368xf32, #tpu.memory_space<hbm>>
    %dma_wait3A_369 = tpu.memref_squeeze %dma_wait3A_368 : memref<1x1x368xf32, #tpu.memory_space<hbm>> -> memref<368xf32, #tpu.memory_space<hbm>>
    %dma_wait3A_370 = arith.constant 0 : i32
    %dma_wait3A_371 = tpu.memref_slice %arg14[%dma_wait3A_360, %dma_wait3A_361, %dma_wait3A_370] : memref<2x16x368xf32, #tpu.memory_space<vmem>> -> memref<1x1x368xf32, #tpu.memory_space<vmem>>
    %dma_wait3A_372 = tpu.memref_squeeze %dma_wait3A_371 : memref<1x1x368xf32, #tpu.memory_space<vmem>> -> memref<368xf32, #tpu.memory_space<vmem>>
    tpu.wait_dma2 semaphore(%arg17 : memref<!tpu.dma_semaphore, #tpu.memory_space<semaphore_mem>>) src(%dma_wait3A_372 : memref<368xf32, #tpu.memory_space<vmem>>) dst(%dma_wait3A_369 : memref<368xf32, #tpu.memory_space<hbm>>)
    %dma_wait3A_373 = arith.constant 0 : i32
    %dma_wait3A_374 = arith.constant 11 : i32
    %dma_wait3A_375 = arith.constant 11 : i32
    %dma_wait3A_376 = arith.constant 0 : i32
    %dma_wait3A_377 = tpu.memref_slice %arg14[%dma_wait3A_373, %dma_wait3A_374, %dma_wait3A_376] : memref<2x16x368xf32, #tpu.memory_space<vmem>> -> memref<1x1x368xf32, #tpu.memory_space<vmem>>
    %dma_wait3A_378 = tpu.memref_squeeze %dma_wait3A_377 : memref<1x1x368xf32, #tpu.memory_space<vmem>> -> memref<368xf32, #tpu.memory_space<vmem>>
    %dma_wait3A_379 = tpu.memref_slice %arg8[%arg0, %dma_wait3A_375, %add3A_229] : memref<2x16x100096xf32, #tpu.memory_space<hbm>> -> memref<1x1x368xf32, #tpu.memory_space<hbm>>
    %dma_wait3A_380 = tpu.memref_squeeze %dma_wait3A_379 : memref<1x1x368xf32, #tpu.memory_space<hbm>> -> memref<368xf32, #tpu.memory_space<hbm>>
    %dma_wait3A_381 = tpu.memref_slice %arg8[%arg0, %dma_wait3A_375, %add3A_229] : memref<2x16x100096xf32, #tpu.memory_space<hbm>> -> memref<1x1x368xf32, #tpu.memory_space<hbm>>
    %dma_wait3A_382 = tpu.memref_squeeze %dma_wait3A_381 : memref<1x1x368xf32, #tpu.memory_space<hbm>> -> memref<368xf32, #tpu.memory_space<hbm>>
    %dma_wait3A_383 = arith.constant 0 : i32
    %dma_wait3A_384 = tpu.memref_slice %arg14[%dma_wait3A_373, %dma_wait3A_374, %dma_wait3A_383] : memref<2x16x368xf32, #tpu.memory_space<vmem>> -> memref<1x1x368xf32, #tpu.memory_space<vmem>>
    %dma_wait3A_385 = tpu.memref_squeeze %dma_wait3A_384 : memref<1x1x368xf32, #tpu.memory_space<vmem>> -> memref<368xf32, #tpu.memory_space<vmem>>
    tpu.wait_dma2 semaphore(%arg17 : memref<!tpu.dma_semaphore, #tpu.memory_space<semaphore_mem>>) src(%dma_wait3A_385 : memref<368xf32, #tpu.memory_space<vmem>>) dst(%dma_wait3A_382 : memref<368xf32, #tpu.memory_space<hbm>>)
    %dma_wait3A_386 = arith.constant 0 : i32
    %dma_wait3A_387 = arith.constant 12 : i32
    %dma_wait3A_388 = arith.constant 12 : i32
    %dma_wait3A_389 = arith.constant 0 : i32
    %dma_wait3A_390 = tpu.memref_slice %arg14[%dma_wait3A_386, %dma_wait3A_387, %dma_wait3A_389] : memref<2x16x368xf32, #tpu.memory_space<vmem>> -> memref<1x1x368xf32, #tpu.memory_space<vmem>>
    %dma_wait3A_391 = tpu.memref_squeeze %dma_wait3A_390 : memref<1x1x368xf32, #tpu.memory_space<vmem>> -> memref<368xf32, #tpu.memory_space<vmem>>
    %dma_wait3A_392 = tpu.memref_slice %arg8[%arg0, %dma_wait3A_388, %add3A_229] : memref<2x16x100096xf32, #tpu.memory_space<hbm>> -> memref<1x1x368xf32, #tpu.memory_space<hbm>>
    %dma_wait3A_393 = tpu.memref_squeeze %dma_wait3A_392 : memref<1x1x368xf32, #tpu.memory_space<hbm>> -> memref<368xf32, #tpu.memory_space<hbm>>
    %dma_wait3A_394 = tpu.memref_slice %arg8[%arg0, %dma_wait3A_388, %add3A_229] : memref<2x16x100096xf32, #tpu.memory_space<hbm>> -> memref<1x1x368xf32, #tpu.memory_space<hbm>>
    %dma_wait3A_395 = tpu.memref_squeeze %dma_wait3A_394 : memref<1x1x368xf32, #tpu.memory_space<hbm>> -> memref<368xf32, #tpu.memory_space<hbm>>
    %dma_wait3A_396 = arith.constant 0 : i32
    %dma_wait3A_397 = tpu.memref_slice %arg14[%dma_wait3A_386, %dma_wait3A_387, %dma_wait3A_396] : memref<2x16x368xf32, #tpu.memory_space<vmem>> -> memref<1x1x368xf32, #tpu.memory_space<vmem>>
    %dma_wait3A_398 = tpu.memref_squeeze %dma_wait3A_397 : memref<1x1x368xf32, #tpu.memory_space<vmem>> -> memref<368xf32, #tpu.memory_space<vmem>>
    tpu.wait_dma2 semaphore(%arg17 : memref<!tpu.dma_semaphore, #tpu.memory_space<semaphore_mem>>) src(%dma_wait3A_398 : memref<368xf32, #tpu.memory_space<vmem>>) dst(%dma_wait3A_395 : memref<368xf32, #tpu.memory_space<hbm>>)
    %dma_wait3A_399 = arith.constant 0 : i32
    %dma_wait3A_400 = arith.constant 13 : i32
    %dma_wait3A_401 = arith.constant 13 : i32
    %dma_wait3A_402 = arith.constant 0 : i32
    %dma_wait3A_403 = tpu.memref_slice %arg14[%dma_wait3A_399, %dma_wait3A_400, %dma_wait3A_402] : memref<2x16x368xf32, #tpu.memory_space<vmem>> -> memref<1x1x368xf32, #tpu.memory_space<vmem>>
    %dma_wait3A_404 = tpu.memref_squeeze %dma_wait3A_403 : memref<1x1x368xf32, #tpu.memory_space<vmem>> -> memref<368xf32, #tpu.memory_space<vmem>>
    %dma_wait3A_405 = tpu.memref_slice %arg8[%arg0, %dma_wait3A_401, %add3A_229] : memref<2x16x100096xf32, #tpu.memory_space<hbm>> -> memref<1x1x368xf32, #tpu.memory_space<hbm>>
    %dma_wait3A_406 = tpu.memref_squeeze %dma_wait3A_405 : memref<1x1x368xf32, #tpu.memory_space<hbm>> -> memref<368xf32, #tpu.memory_space<hbm>>
    %dma_wait3A_407 = tpu.memref_slice %arg8[%arg0, %dma_wait3A_401, %add3A_229] : memref<2x16x100096xf32, #tpu.memory_space<hbm>> -> memref<1x1x368xf32, #tpu.memory_space<hbm>>
    %dma_wait3A_408 = tpu.memref_squeeze %dma_wait3A_407 : memref<1x1x368xf32, #tpu.memory_space<hbm>> -> memref<368xf32, #tpu.memory_space<hbm>>
    %dma_wait3A_409 = arith.constant 0 : i32
    %dma_wait3A_410 = tpu.memref_slice %arg14[%dma_wait3A_399, %dma_wait3A_400, %dma_wait3A_409] : memref<2x16x368xf32, #tpu.memory_space<vmem>> -> memref<1x1x368xf32, #tpu.memory_space<vmem>>
    %dma_wait3A_411 = tpu.memref_squeeze %dma_wait3A_410 : memref<1x1x368xf32, #tpu.memory_space<vmem>> -> memref<368xf32, #tpu.memory_space<vmem>>
    tpu.wait_dma2 semaphore(%arg17 : memref<!tpu.dma_semaphore, #tpu.memory_space<semaphore_mem>>) src(%dma_wait3A_411 : memref<368xf32, #tpu.memory_space<vmem>>) dst(%dma_wait3A_408 : memref<368xf32, #tpu.memory_space<hbm>>)
    %dma_wait3A_412 = arith.constant 0 : i32
    %dma_wait3A_413 = arith.constant 14 : i32
    %dma_wait3A_414 = arith.constant 14 : i32
    %dma_wait3A_415 = arith.constant 0 : i32
    %dma_wait3A_416 = tpu.memref_slice %arg14[%dma_wait3A_412, %dma_wait3A_413, %dma_wait3A_415] : memref<2x16x368xf32, #tpu.memory_space<vmem>> -> memref<1x1x368xf32, #tpu.memory_space<vmem>>
    %dma_wait3A_417 = tpu.memref_squeeze %dma_wait3A_416 : memref<1x1x368xf32, #tpu.memory_space<vmem>> -> memref<368xf32, #tpu.memory_space<vmem>>
    %dma_wait3A_418 = tpu.memref_slice %arg8[%arg0, %dma_wait3A_414, %add3A_229] : memref<2x16x100096xf32, #tpu.memory_space<hbm>> -> memref<1x1x368xf32, #tpu.memory_space<hbm>>
    %dma_wait3A_419 = tpu.memref_squeeze %dma_wait3A_418 : memref<1x1x368xf32, #tpu.memory_space<hbm>> -> memref<368xf32, #tpu.memory_space<hbm>>
    %dma_wait3A_420 = tpu.memref_slice %arg8[%arg0, %dma_wait3A_414, %add3A_229] : memref<2x16x100096xf32, #tpu.memory_space<hbm>> -> memref<1x1x368xf32, #tpu.memory_space<hbm>>
    %dma_wait3A_421 = tpu.memref_squeeze %dma_wait3A_420 : memref<1x1x368xf32, #tpu.memory_space<hbm>> -> memref<368xf32, #tpu.memory_space<hbm>>
    %dma_wait3A_422 = arith.constant 0 : i32
    %dma_wait3A_423 = tpu.memref_slice %arg14[%dma_wait3A_412, %dma_wait3A_413, %dma_wait3A_422] : memref<2x16x368xf32, #tpu.memory_space<vmem>> -> memref<1x1x368xf32, #tpu.memory_space<vmem>>
    %dma_wait3A_424 = tpu.memref_squeeze %dma_wait3A_423 : memref<1x1x368xf32, #tpu.memory_space<vmem>> -> memref<368xf32, #tpu.memory_space<vmem>>
    tpu.wait_dma2 semaphore(%arg17 : memref<!tpu.dma_semaphore, #tpu.memory_space<semaphore_mem>>) src(%dma_wait3A_424 : memref<368xf32, #tpu.memory_space<vmem>>) dst(%dma_wait3A_421 : memref<368xf32, #tpu.memory_space<hbm>>)
    %dma_wait3A_425 = arith.constant 0 : i32
    %dma_wait3A_426 = arith.constant 15 : i32
    %dma_wait3A_427 = arith.constant 15 : i32
    %dma_wait3A_428 = arith.constant 0 : i32
    %dma_wait3A_429 = tpu.memref_slice %arg14[%dma_wait3A_425, %dma_wait3A_426, %dma_wait3A_428] : memref<2x16x368xf32, #tpu.memory_space<vmem>> -> memref<1x1x368xf32, #tpu.memory_space<vmem>>
    %dma_wait3A_430 = tpu.memref_squeeze %dma_wait3A_429 : memref<1x1x368xf32, #tpu.memory_space<vmem>> -> memref<368xf32, #tpu.memory_space<vmem>>
    %dma_wait3A_431 = tpu.memref_slice %arg8[%arg0, %dma_wait3A_427, %add3A_229] : memref<2x16x100096xf32, #tpu.memory_space<hbm>> -> memref<1x1x368xf32, #tpu.memory_space<hbm>>
    %dma_wait3A_432 = tpu.memref_squeeze %dma_wait3A_431 : memref<1x1x368xf32, #tpu.memory_space<hbm>> -> memref<368xf32, #tpu.memory_space<hbm>>
    %dma_wait3A_433 = tpu.memref_slice %arg8[%arg0, %dma_wait3A_427, %add3A_229] : memref<2x16x100096xf32, #tpu.memory_space<hbm>> -> memref<1x1x368xf32, #tpu.memory_space<hbm>>
    %dma_wait3A_434 = tpu.memref_squeeze %dma_wait3A_433 : memref<1x1x368xf32, #tpu.memory_space<hbm>> -> memref<368xf32, #tpu.memory_space<hbm>>
    %dma_wait3A_435 = arith.constant 0 : i32
    %dma_wait3A_436 = tpu.memref_slice %arg14[%dma_wait3A_425, %dma_wait3A_426, %dma_wait3A_435] : memref<2x16x368xf32, #tpu.memory_space<vmem>> -> memref<1x1x368xf32, #tpu.memory_space<vmem>>
    %dma_wait3A_437 = tpu.memref_squeeze %dma_wait3A_436 : memref<1x1x368xf32, #tpu.memory_space<vmem>> -> memref<368xf32, #tpu.memory_space<vmem>>
    tpu.wait_dma2 semaphore(%arg17 : memref<!tpu.dma_semaphore, #tpu.memory_space<semaphore_mem>>) src(%dma_wait3A_437 : memref<368xf32, #tpu.memory_space<vmem>>) dst(%dma_wait3A_434 : memref<368xf32, #tpu.memory_space<hbm>>)
    %mul3A_438 = arith.constant 6272 : i32
    %mul3A_439 = arith.muli %arg1, %mul3A_438 : i32
    "tpu.region"() ({
      %run_scoped3A = tpu.sem_alloc : memref<!tpu.dma_semaphore, #tpu.memory_space<semaphore_mem>>
      %dma_start3A = arith.constant 0 : i32
      %dma_start3A_440 = tpu.memref_slice %arg9[%arg0, %arg1, %dma_start3A] : memref<2x16x6272xf32, #tpu.memory_space<hbm>> -> memref<1x1x6272xf32, #tpu.memory_space<hbm>>
      %dma_start3A_441 = tpu.memref_squeeze %dma_start3A_440 : memref<1x1x6272xf32, #tpu.memory_space<hbm>> -> memref<6272xf32, #tpu.memory_space<hbm>>
      %dma_start3A_442 = tpu.memref_slice %arg16[%mul3A_439] : memref<100352xf32, #tpu.memory_space<vmem_shared>> -> memref<6272xf32, #tpu.memory_space<vmem_shared>>
      tpu.enqueue_dma source(%dma_start3A_442 : memref<6272xf32, #tpu.memory_space<vmem_shared>>) target(%dma_start3A_441 : memref<6272xf32, #tpu.memory_space<hbm>>) target_semaphore(%run_scoped3A : memref<!tpu.dma_semaphore, #tpu.memory_space<semaphore_mem>>)
      %dma_wait3A_443 = arith.constant 0 : i32
      %dma_wait3A_444 = tpu.memref_slice %arg9[%arg0, %arg1, %dma_wait3A_443] : memref<2x16x6272xf32, #tpu.memory_space<hbm>> -> memref<1x1x6272xf32, #tpu.memory_space<hbm>>
      %dma_wait3A_445 = tpu.memref_squeeze %dma_wait3A_444 : memref<1x1x6272xf32, #tpu.memory_space<hbm>> -> memref<6272xf32, #tpu.memory_space<hbm>>
      %dma_wait3A_446 = tpu.memref_slice %arg16[%mul3A_439] : memref<100352xf32, #tpu.memory_space<vmem_shared>> -> memref<6272xf32, #tpu.memory_space<vmem_shared>>
      tpu.wait_dma2 semaphore(%run_scoped3A : memref<!tpu.dma_semaphore, #tpu.memory_space<semaphore_mem>>) src(%dma_wait3A_446 : memref<6272xf32, #tpu.memory_space<vmem_shared>>) dst(%dma_wait3A_445 : memref<6272xf32, #tpu.memory_space<hbm>>)
      tpu.yield
    }) : () -> ()
    return
  }
}

module attributes {stable_mosaic.version = 14 : i64} {
  func.func @body(%arg0: i32, %arg1: memref<2048x64xf32, #tpu.memory_space<vmem>>, %arg2: memref<1x2048xi32, #tpu.memory_space<vmem>>, %arg3: memref<2048x16xf32, #tpu.memory_space<vmem>>, %arg4: memref<2x16x2048xf32, #tpu.memory_space<vmem>>, %arg5: memref<2x1x2048xf32, #tpu.memory_space<vmem>>, %arg6: memref<128x64xf32, #tpu.memory_space<vmem>>, %arg7: memref<64x64xf32, #tpu.memory_space<vmem>>, %arg8: memref<1x64xf32, #tpu.memory_space<vmem>>, %arg9: memref<64x64xf32, #tpu.memory_space<vmem>>, %arg10: memref<1x64xf32, #tpu.memory_space<vmem>>, %arg11: memref<16x32xf32, #tpu.memory_space<vmem>>, %arg12: memref<1x32xf32, #tpu.memory_space<vmem>>, %arg13: memref<17x32xf32, #tpu.memory_space<vmem>>, %arg14: memref<2048x64xf32, #tpu.memory_space<vmem>>) attributes {dimension_semantics = [#tpu.dimension_semantics<arbitrary>], iteration_bounds = array<i64: 49>, scalar_prefetch = 0 : i64, scratch_operands = 0 : i64, tpu.core_type = #tpu.core_type<tc>, window_params = [{transform_indices = @transform_0, window_bounds = array<i64: 2048, 64>}, {transform_indices = @transform_1, window_bounds = array<i64: 1, 2048>}, {transform_indices = @transform_2, window_bounds = array<i64: 2048, 16>}, {transform_indices = @transform_3, window_bounds = array<i64: 2, 16, 2048>}, {transform_indices = @transform_4, window_bounds = array<i64: 2, 1, 2048>}, {pipeline_mode = #tpu.pipeline_mode<synchronous>, transform_indices = @transform_5, window_bounds = array<i64: 128, 64>}, {pipeline_mode = #tpu.pipeline_mode<synchronous>, transform_indices = @transform_6, window_bounds = array<i64: 64, 64>}, {pipeline_mode = #tpu.pipeline_mode<synchronous>, transform_indices = @transform_7, window_bounds = array<i64: 1, 64>}, {pipeline_mode = #tpu.pipeline_mode<synchronous>, transform_indices = @transform_8, window_bounds = array<i64: 64, 64>}, {pipeline_mode = #tpu.pipeline_mode<synchronous>, transform_indices = @transform_9, window_bounds = array<i64: 1, 64>}, {pipeline_mode = #tpu.pipeline_mode<synchronous>, transform_indices = @transform_10, window_bounds = array<i64: 16, 32>}, {pipeline_mode = #tpu.pipeline_mode<synchronous>, transform_indices = @transform_11, window_bounds = array<i64: 1, 32>}, {pipeline_mode = #tpu.pipeline_mode<synchronous>, transform_indices = @transform_12, window_bounds = array<i64: 17, 32>}, {transform_indices = @transform_13, window_bounds = array<i64: 2048, 64>}]} {
    %get3A = arith.constant 0 : index
    %get3A_0 = arith.constant 0 : index
    %get3A_1 = vector.load %arg6[%get3A, %get3A_0] : memref<128x64xf32, #tpu.memory_space<vmem>>, vector<128x64xf32>
    %get3A_2 = arith.constant 0 : index
    %get3A_3 = arith.constant 0 : index
    %get3A_4 = vector.load %arg7[%get3A_2, %get3A_3] : memref<64x64xf32, #tpu.memory_space<vmem>>, vector<64x64xf32>
    %dot_general3A = arith.constant dense<0.000000e+00> : vector<128x64xf32>
    %dot_general3A_5 = tpu.matmul %get3A_1, %get3A_4, %dot_general3A {dimension_numbers = #tpu.dot_dimension_numbers<[1], [0], [0], [1], [0, 0, 1, 1], [], []>, transpose_lhs_hint = false} : vector<128x64xf32>, vector<64x64xf32>, vector<128x64xf32> -> vector<128x64xf32>
    %get3A_6 = arith.constant 0 : index
    %get3A_7 = arith.constant 0 : index
    %get3A_8 = vector.load %arg8[%get3A_6, %get3A_7] : memref<1x64xf32, #tpu.memory_space<vmem>>, vector<1x64xf32>
    %add3A = vector.broadcast %get3A_8 : vector<1x64xf32> to vector<128x64xf32>
    %add3A_9 = arith.addf %dot_general3A_5, %add3A : vector<128x64xf32>
    %max3A = arith.constant 0.000000e+00 : f32
    %max3A_10 = vector.broadcast %max3A : f32 to vector<128x64xf32>
    %max3A_11 = arith.maximumf %add3A_9, %max3A_10 : vector<128x64xf32>
    %get3A_12 = arith.constant 0 : index
    %get3A_13 = arith.constant 0 : index
    %get3A_14 = vector.load %arg9[%get3A_12, %get3A_13] : memref<64x64xf32, #tpu.memory_space<vmem>>, vector<64x64xf32>
    %dot_general3A_15 = arith.constant dense<0.000000e+00> : vector<128x64xf32>
    %dot_general3A_16 = tpu.matmul %max3A_11, %get3A_14, %dot_general3A_15 {dimension_numbers = #tpu.dot_dimension_numbers<[1], [0], [0], [1], [0, 0, 1, 1], [], []>, transpose_lhs_hint = false} : vector<128x64xf32>, vector<64x64xf32>, vector<128x64xf32> -> vector<128x64xf32>
    %iota3A = tpu.iota {dimensions = array<i32: 0>} : vector<128x2048xi32>
    %get3A_17 = arith.constant 0 : index
    %get3A_18 = arith.constant 0 : index
    %get3A_19 = vector.load %arg2[%get3A_17, %get3A_18] : memref<1x2048xi32, #tpu.memory_space<vmem>>, vector<1x2048xi32>
    %eq3A = vector.broadcast %get3A_19 : vector<1x2048xi32> to vector<128x2048xi32>
    %eq3A_20 = arith.cmpi eq, %eq3A, %iota3A : vector<128x2048xi32>
    %convert_element_type3A = arith.extui %eq3A_20 : vector<128x2048xi1> to vector<128x2048xi32>
    %convert_element_type3A_21 = arith.sitofp %convert_element_type3A : vector<128x2048xi32> to vector<128x2048xf32>
    %dot_general3A_22 = arith.constant dense<0.000000e+00> : vector<2048x64xf32>
    %dot_general3A_23 = tpu.matmul %convert_element_type3A_21, %dot_general3A_16, %dot_general3A_22 {dimension_numbers = #tpu.dot_dimension_numbers<[0], [0], [1], [1], [0, 1, 1, 1], [], []>, transpose_lhs_hint = false} : vector<128x2048xf32>, vector<128x64xf32>, vector<2048x64xf32> -> vector<2048x64xf32>
    %get3A_24 = arith.constant 0 : index
    %get3A_25 = arith.constant 0 : index
    %get3A_26 = vector.load %arg1[%get3A_24, %get3A_25] : memref<2048x64xf32, #tpu.memory_space<vmem>>, vector<2048x64xf32>
    %get3A_27 = arith.constant 0 : index
    %get3A_28 = arith.constant 0 : index
    %get3A_29 = vector.load %arg9[%get3A_27, %get3A_28] : memref<64x64xf32, #tpu.memory_space<vmem>>, vector<64x64xf32>
    %dot_general3A_30 = arith.constant dense<0.000000e+00> : vector<2048x64xf32>
    %dot_general3A_31 = tpu.matmul %get3A_26, %get3A_29, %dot_general3A_30 {dimension_numbers = #tpu.dot_dimension_numbers<[1], [0], [0], [1], [0, 0, 1, 1], [], []>, transpose_lhs_hint = false} : vector<2048x64xf32>, vector<64x64xf32>, vector<2048x64xf32> -> vector<2048x64xf32>
    %add3A_32 = arith.addf %dot_general3A_31, %dot_general3A_23 : vector<2048x64xf32>
    %get3A_33 = arith.constant 0 : index
    %get3A_34 = arith.constant 0 : index
    %get3A_35 = vector.load %arg10[%get3A_33, %get3A_34] : memref<1x64xf32, #tpu.memory_space<vmem>>, vector<1x64xf32>
    %add3A_36 = vector.broadcast %get3A_35 : vector<1x64xf32> to vector<2048x64xf32>
    %add3A_37 = arith.addf %add3A_32, %add3A_36 : vector<2048x64xf32>
    %get3A_38 = arith.constant 0 : index
    %get3A_39 = arith.constant 0 : index
    %get3A_40 = vector.load %arg3[%get3A_38, %get3A_39] : memref<2048x16xf32, #tpu.memory_space<vmem>>, vector<2048x16xf32>
    %eq3A_41 = arith.cmpf oeq, %get3A_40, %get3A_40 : vector<2048x16xf32>
    %jit3A = arith.constant 0.000000e+00 : f32
    %broadcast_in_dim3A = vector.broadcast %jit3A : f32 to vector<2048x16xf32>
    %select_n3A = arith.select %eq3A_41, %get3A_40, %broadcast_in_dim3A : vector<2048x16xi1>, vector<2048x16xf32>
    %get3A_42 = arith.constant 0 : index
    %get3A_43 = arith.constant 0 : index
    %get3A_44 = vector.load %arg11[%get3A_42, %get3A_43] : memref<16x32xf32, #tpu.memory_space<vmem>>, vector<16x32xf32>
    %dot_general3A_45 = arith.constant dense<0.000000e+00> : vector<2048x32xf32>
    %dot_general3A_46 = tpu.matmul %select_n3A, %get3A_44, %dot_general3A_45 {dimension_numbers = #tpu.dot_dimension_numbers<[1], [0], [0], [1], [0, 0, 1, 1], [], []>, transpose_lhs_hint = false} : vector<2048x16xf32>, vector<16x32xf32>, vector<2048x32xf32> -> vector<2048x32xf32>
    %get3A_47 = arith.constant 0 : index
    %get3A_48 = arith.constant 0 : index
    %get3A_49 = vector.load %arg12[%get3A_47, %get3A_48] : memref<1x32xf32, #tpu.memory_space<vmem>>, vector<1x32xf32>
    %add3A_50 = vector.broadcast %get3A_49 : vector<1x32xf32> to vector<2048x32xf32>
    %add3A_51 = arith.addf %dot_general3A_46, %add3A_50 : vector<2048x32xf32>
    %get3A_52 = arith.constant 0 : index
    %get3A_53 = arith.constant 0 : index
    %get3A_54 = arith.constant 0 : index
    %get3A_55 = vector.load %arg5[%get3A_52, %get3A_53, %get3A_54] : memref<2x1x2048xf32, #tpu.memory_space<vmem>>, vector<1x1x2048xf32>
    %get3A_56 = vector.shape_cast %get3A_55 : vector<1x1x2048xf32> to vector<1x2048xf32>
    %get3A_57 = arith.constant 1 : index
    %get3A_58 = arith.constant 0 : index
    %get3A_59 = arith.constant 0 : index
    %get3A_60 = vector.load %arg5[%get3A_57, %get3A_58, %get3A_59] : memref<2x1x2048xf32, #tpu.memory_space<vmem>>, vector<1x1x2048xf32>
    %get3A_61 = vector.shape_cast %get3A_60 : vector<1x1x2048xf32> to vector<1x2048xf32>
    %add3A_62 = arith.addf %get3A_56, %get3A_61 : vector<1x2048xf32>
    %max3A_63 = arith.constant 1.000000e+00 : f32
    %max3A_64 = vector.broadcast %max3A_63 : f32 to vector<1x2048xf32>
    %max3A_65 = arith.maximumf %add3A_62, %max3A_64 : vector<1x2048xf32>
    %div3A = arith.constant 1.000000e+00 : f32
    %div3A_66 = vector.broadcast %div3A : f32 to vector<1x2048xf32>
    %div3A_67 = arith.divf %div3A_66, %max3A_65 : vector<1x2048xf32>
    %min3A = arith.constant 1.000000e+00 : f32
    %min3A_68 = vector.broadcast %min3A : f32 to vector<1x2048xf32>
    %min3A_69 = arith.minimumf %add3A_62, %min3A_68 : vector<1x2048xf32>
    %get3A_70 = arith.constant 0 : index
    %get3A_71 = arith.constant 0 : index
    %get3A_72 = arith.constant 0 : index
    %get3A_73 = vector.load %arg4[%get3A_70, %get3A_71, %get3A_72] : memref<2x16x2048xf32, #tpu.memory_space<vmem>>, vector<1x16x2048xf32>
    %get3A_74 = vector.shape_cast %get3A_73 : vector<1x16x2048xf32> to vector<16x2048xf32>
    %get3A_75 = arith.constant 1 : index
    %get3A_76 = arith.constant 0 : index
    %get3A_77 = arith.constant 0 : index
    %get3A_78 = vector.load %arg4[%get3A_75, %get3A_76, %get3A_77] : memref<2x16x2048xf32, #tpu.memory_space<vmem>>, vector<1x16x2048xf32>
    %get3A_79 = vector.shape_cast %get3A_78 : vector<1x16x2048xf32> to vector<16x2048xf32>
    %add3A_80 = arith.addf %get3A_74, %get3A_79 : vector<16x2048xf32>
    %mul3A = vector.broadcast %div3A_67 : vector<1x2048xf32> to vector<16x2048xf32>
    %mul3A_81 = arith.mulf %add3A_80, %mul3A : vector<16x2048xf32>
    %concatenate3A = tpu.concatenate %mul3A_81, %min3A_69 in 0 : vector<16x2048xf32>, vector<1x2048xf32> -> vector<17x2048xf32>
    %get3A_82 = arith.constant 0 : index
    %get3A_83 = arith.constant 0 : index
    %get3A_84 = vector.load %arg13[%get3A_82, %get3A_83] : memref<17x32xf32, #tpu.memory_space<vmem>>, vector<17x32xf32>
    %dot_general3A_85 = arith.constant dense<0.000000e+00> : vector<2048x32xf32>
    %dot_general3A_86 = tpu.matmul %concatenate3A, %get3A_84, %dot_general3A_85 {dimension_numbers = #tpu.dot_dimension_numbers<[0], [0], [1], [1], [0, 1, 1, 1], [], []>, transpose_lhs_hint = false} : vector<17x2048xf32>, vector<17x32xf32>, vector<2048x32xf32> -> vector<2048x32xf32>
    %concatenate3A_87 = tpu.concatenate %dot_general3A_86, %add3A_51 in 1 : vector<2048x32xf32>, vector<2048x32xf32> -> vector<2048x64xf32>
    %add3A_88 = arith.addf %add3A_37, %concatenate3A_87 : vector<2048x64xf32>
    %swap3A = arith.constant 0 : index
    %swap3A_89 = arith.constant 0 : index
    %swap3A_90 = vector.load %arg14[%swap3A, %swap3A_89] : memref<2048x64xf32, #tpu.memory_space<vmem>>, vector<2048x64xf32>
    tpu.vector_store %arg14[%swap3A, %swap3A_89], %add3A_88 {strides = array<i32>} : memref<2048x64xf32, #tpu.memory_space<vmem>>, vector<2048x64xf32>,
    return
  }
  func.func @transform_0(%arg0: i32) -> (i32, i32) {
    %c0_i32 = arith.constant 0 : i32
    %c0_i32_0 = arith.constant 0 : i32
    return %arg0, %c0_i32 : i32, i32
  }
  func.func @transform_1(%arg0: i32) -> (i32, i32) {
    %c0_i32 = arith.constant 0 : i32
    %c0_i32_0 = arith.constant 0 : i32
    return %c0_i32, %arg0 : i32, i32
  }
  func.func @transform_2(%arg0: i32) -> (i32, i32) {
    %c0_i32 = arith.constant 0 : i32
    %c0_i32_0 = arith.constant 0 : i32
    return %arg0, %c0_i32 : i32, i32
  }
  func.func @transform_3(%arg0: i32) -> (i32, i32, i32) {
    %c0_i32 = arith.constant 0 : i32
    %c0_i32_0 = arith.constant 0 : i32
    %c0_i32_1 = arith.constant 0 : i32
    return %c0_i32, %c0_i32_0, %arg0 : i32, i32, i32
  }
  func.func @transform_4(%arg0: i32) -> (i32, i32, i32) {
    %c0_i32 = arith.constant 0 : i32
    %c0_i32_0 = arith.constant 0 : i32
    %c0_i32_1 = arith.constant 0 : i32
    return %c0_i32, %c0_i32_0, %arg0 : i32, i32, i32
  }
  func.func @transform_5(%arg0: i32) -> (i32, i32) {
    %c0_i32 = arith.constant 0 : i32
    %c0_i32_0 = arith.constant 0 : i32
    %c0_i32_1 = arith.constant 0 : i32
    return %c0_i32, %c0_i32_0 : i32, i32
  }
  func.func @transform_6(%arg0: i32) -> (i32, i32) {
    %c0_i32 = arith.constant 0 : i32
    %c0_i32_0 = arith.constant 0 : i32
    %c0_i32_1 = arith.constant 0 : i32
    return %c0_i32, %c0_i32_0 : i32, i32
  }
  func.func @transform_7(%arg0: i32) -> (i32, i32) {
    %c0_i32 = arith.constant 0 : i32
    %c0_i32_0 = arith.constant 0 : i32
    %c0_i32_1 = arith.constant 0 : i32
    return %c0_i32, %c0_i32_0 : i32, i32
  }
  func.func @transform_8(%arg0: i32) -> (i32, i32) {
    %c0_i32 = arith.constant 0 : i32
    %c0_i32_0 = arith.constant 0 : i32
    %c0_i32_1 = arith.constant 0 : i32
    return %c0_i32, %c0_i32_0 : i32, i32
  }
  func.func @transform_9(%arg0: i32) -> (i32, i32) {
    %c0_i32 = arith.constant 0 : i32
    %c0_i32_0 = arith.constant 0 : i32
    %c0_i32_1 = arith.constant 0 : i32
    return %c0_i32, %c0_i32_0 : i32, i32
  }
  func.func @transform_10(%arg0: i32) -> (i32, i32) {
    %c0_i32 = arith.constant 0 : i32
    %c0_i32_0 = arith.constant 0 : i32
    %c0_i32_1 = arith.constant 0 : i32
    return %c0_i32, %c0_i32_0 : i32, i32
  }
  func.func @transform_11(%arg0: i32) -> (i32, i32) {
    %c0_i32 = arith.constant 0 : i32
    %c0_i32_0 = arith.constant 0 : i32
    %c0_i32_1 = arith.constant 0 : i32
    return %c0_i32, %c0_i32_0 : i32, i32
  }
  func.func @transform_12(%arg0: i32) -> (i32, i32) {
    %c0_i32 = arith.constant 0 : i32
    %c0_i32_0 = arith.constant 0 : i32
    %c0_i32_1 = arith.constant 0 : i32
    return %c0_i32, %c0_i32_0 : i32, i32
  }
  func.func @transform_13(%arg0: i32) -> (i32, i32) {
    %c0_i32 = arith.constant 0 : i32
    %c0_i32_0 = arith.constant 0 : i32
    return %arg0, %c0_i32 : i32, i32
  }
}

</mosaic_0001>

<sc_bundles>
// kernel: kernel.4.cloned.1.call-start
scs
__scs_entry_jumppad:
0x0: {  	(pc) =	sbr.rel $0x88, $3  }
0x1: {  	(tag) =	ssettag $0x0;
	lr =	simm.s32 $0x1  }
0x2: {  	[smem:$0x3F93] =	sst lr;
	_ =	strace $0xD0000000  }
0x3: {  	_ = 	snop  }
0x4: {  	_ = 	snop  }
0x5: {  	_ = 	snop  }
0x6: {  	_ = 	snop  }
0x7: {  	_ = 	snop  }
__scs_overlays_trampoline_lowered:
0x8: {  	[smem:$0x3FA2] =	sst s0  }
0x9: {  	[smem:$0x3FA3] =	sst s1  }
0xa: {  	[smem:$0x3FA4] =	sst s2  }
0xb: {  	[smem:$0x3FA5] =	sst s3  }
0xc: {  	[smem:$0x3FA6] =	sst s4  }
0xd: {  	[smem:$0x3FA7] =	sst s5  }
0xe: {  	[smem:$0x3FA8] =	sst s6  }
0xf: {  	[smem:$0x3FA9] =	sst s7  }
0x10: {  	[smem:$0x3FAA] =	sst s8  }
0x11: {  	[smem:$0x3FAB] =	sst s9;
	s0 =	simm.s32 @!p0 $0x0  }
0x12: {  	s1 =	sld [smem:$0x3F91];
	s0 =	simm.s32 @p0 $0x1  }
0x13: {  	[smem:$0x3FAC] =	sst s0;
	s0 =	simm.s32 @!p1 $0x0  }
0x14: {  	s2 =	sld [smem:$0x3F90];
	s0 =	simm.s32 @p1 $0x1  }
0x15: {  	[smem:$0x3FAD] =	sst s0;
	s0 =	simm.s32 @!p2 $0x0  }
0x16: {  	s3 =	sld [smem:$0x3FDB];
	s0 =	simm.s32 @p2 $0x1  }
0x17: {  	s4 =	simm.s32 $0x1BF5;
	[smem:$0x3FAF] =	sst s0  }
0x18: {  	s0 =	sld [smem:$0x3F92];
	_ =	swait.ge [sflag:s4], $0x0  }
0x19: {  	s7 =	sld [smem:$0x3F93]  }
0x1a: {  	s8 =	sadd.s32 $0xFFFFE003, lr  }
0x1b: {  	s9 =	sadd.s32 $0xFFFFFEF7, lr;
	s5 =	simm.s32 $0xFFFFFFFF;
	p2 =	slt.u32 s8, $0xFFFFF086  }
0x1c: {  	p1 =	slt.u32 s9, $0xF7A;
	s5 =	simm.s32 @!p2 $0x0  }
0x1d: {  	s5 =	simm.s32 @p1 $0x1;
	p0 =	seq.s32 s7, s2  }
0x1e: {  	s7 =	smul.u32 @!p0 $0xF7A, s2;
	p2 =	seq.s32 @!p0 s5, $0x0  }
0x1f: {  	s9 =	smul.u32 $0xF7A, s1;
	s8 =	simm.s32 @!p0 $0x1BF5;
	p2 =	por !p2, p0  }
0x20: {  	[sflag:s8] =	ssyncset.s32 @!p0 $0xFFFFF086;
	s6 =	sadd.s32 @!p0 s3, s7;
	s7 =	simm.s32 @!p0 $0x108  }
0x21: {  	s3 =	sadd.s32 s3, s9;
	s6 =	sadd.s32 @!p0 $0x88, s6;
	s7 =	simm.s32 @p2 $0x1082  }
0x22: {  	[simem:s7], [sflag:s8] =	dma.local @!p0 [hbm:s6], $0xF7A  }
0x23: {  	s9 =	sor.u32 $0xD0000000, s2;
	s6 =	simm.s32 $0x108;
	_ =	swait.ge @!p0 [sflag:s8], $0x0  }
0x24: {  	s3 =	sadd.s32 $0x88, s3;
	s6 =	simm.s32 @!p1 $0x1082;
	[sflag:s4] =	ssyncset.s32 $0xFFFFF086  }
0x25: {  	[simem:s6], [sflag:s4] =	dma.local [hbm:s3], $0xF7A  }
0x26: {  	[smem:$0x3F93] =	sst s1;
	(tag) =	ssettag s2;
	_ =	strace s9  }
0x27: {  	s1 =	sld [smem:$0x3FA3]  }
0x28: {  	s2 =	sld [smem:$0x3FA4]  }
0x29: {  	s4 =	sld [smem:$0x3FA6]  }
0x2a: {  	p0 =	seq.s32 s5, $0x0;
	s5 =	sld [smem:$0x3FA7]  }
0x2b: {  	s6 =	sld [smem:$0x3FA8]  }
0x2c: {  	s7 =	sld [smem:$0x3FA9]  }
0x2d: {  	s3 =	simm.s32 $0x108;
	s8 =	sld [smem:$0x3FAA]  }
0x2e: {  	s3 =	simm.s32 @!p0 $0x1082;
	s9 =	sld [smem:$0x3FAB]  }
0x2f: {  	lr =	sadd.s32 s0, s3;
	s0 =	sld [smem:$0x3FA2]  }
0x30: {  	s3 =	sld [smem:$0x3FA5]  }
0x31: {  	[smem:$0x3FAE] =	sst s10  }
0x32: {  	s10 =	sld [smem:$0x3FAC];
	_ =	sdelay $0x3  }
0x33: {  	p0 =	seq.s32 s10, $0x1;
	s10 =	sld [smem:$0x3FAE];
	_ =	sdelay $0x3  }
0x34: {  	[smem:$0x3FAE] =	sst s10  }
0x35: {  	s10 =	sld [smem:$0x3FAD];
	_ =	sdelay $0x3  }
0x36: {  	p1 =	seq.s32 s10, $0x1;
	s10 =	sld [smem:$0x3FAE];
	_ =	sdelay $0x3  }
0x37: {  	[smem:$0x3FAE] =	sst s10  }
0x38: {  	s10 =	sld [smem:$0x3FAF]  }
0x39: {  	_ = 	snop;
	(pc) =	sbr.ind lr, $3  }
0x3a: {  	_ = 	snop  }
0x3b: {  	_ = 	snop  }
0x3c: {  	p2 =	seq.s32 s10, $0x1;
	s10 =	sld [smem:$0x3FAE]  }
0x3d: {  	_ =	shalt  }
0x3e: {  	_ =	shalt  }
0x3f: {  	_ =	shalt  }
0x40: {  	_ =	shalt  }
0x41: {  	_ =	shalt  }
0x42: {  	_ =	shalt  }
0x43: {  	_ =	shalt  }
0x44: {  	_ =	shalt  }
0x45: {  	_ =	shalt  }
0x46: {  	_ =	shalt  }
0x47: {  	_ =	shalt  }
0x48: {  	_ =	shalt  }
0x49: {  	_ =	shalt  }
0x4a: {  	_ =	shalt  }
0x4b: {  	_ =	shalt  }
0x4c: {  	_ =	shalt  }
0x4d: {  	_ =	shalt  }
0x4e: {  	_ =	shalt  }
0x4f: {  	_ =	shalt  }
0x50: {  	_ =	shalt  }
0x51: {  	_ =	shalt  }
0x52: {  	_ =	shalt  }
0x53: {  	_ =	shalt  }
0x54: {  	_ =	shalt  }
0x55: {  	_ =	shalt  }
0x56: {  	_ =	shalt  }
0x57: {  	_ =	shalt  }
0x58: {  	_ =	shalt  }
0x59: {  	_ =	shalt  }
0x5a: {  	_ =	shalt  }
0x5b: {  	_ =	shalt  }
0x5c: {  	_ =	shalt  }
0x5d: {  	_ =	shalt  }
0x5e: {  	_ =	shalt  }
0x5f: {  	_ =	shalt  }
0x60: {  	_ =	shalt  }
0x61: {  	_ =	shalt  }
0x62: {  	_ =	shalt  }
0x63: {  	_ =	shalt  }
0x64: {  	_ =	shalt  }
0x65: {  	_ =	shalt  }
0x66: {  	_ =	shalt  }
0x67: {  	_ =	shalt  }
0x68: {  	_ =	shalt  }
0x69: {  	_ =	shalt  }
0x6a: {  	_ =	shalt  }
0x6b: {  	_ =	shalt  }
0x6c: {  	_ =	shalt  }
0x6d: {  	_ =	shalt  }
0x6e: {  	_ =	shalt  }
0x6f: {  	_ =	shalt  }
0x70: {  	_ =	shalt  }
0x71: {  	_ =	shalt  }
0x72: {  	_ =	shalt  }
0x73: {  	_ =	shalt  }
0x74: {  	_ =	shalt  }
0x75: {  	_ =	shalt  }
0x76: {  	_ =	shalt  }
0x77: {  	_ =	shalt  }
0x78: {  	_ =	shalt  }
0x79: {  	_ =	shalt  }
0x7a: {  	_ =	shalt  }
0x7b: {  	_ =	shalt  }
0x7c: {  	_ =	shalt  }
0x7d: {  	_ =	shalt  }
0x7e: {  	_ =	shalt  }
0x7f: {  	_ =	shalt  }
0x80: {  	_ =	shalt  }
0x81: {  	_ =	shalt  }
0x82: {  	_ =	shalt  }
0x83: {  	_ =	shalt  }
0x84: {  	_ =	shalt  }
0x85: {  	_ =	shalt  }
0x86: {  	_ =	shalt  }
0x87: {  	_ =	shalt  }
.Lfunc_end0:
.L_simem_size_0:
called_computation_lowered:
.L_overlay_start_0:
0x88: {  	s2 =	sld [smem:$0x3FD9]  }
0x89: {  	s3 =	sld [smem:$0x3FFE];
	_ =	sdelay $0x1  }
0x8a: {  	s1 =	srdreg.scid  }
0x8b: {  	s0 =	sand.u32 $0x1, s1  }
0x8c: {  	s17 =	sshll.u32 s0, $0xA;
	s2 =	sadd.s32 s3, s2  }
0x8d: {  	s2 =	sadd.s32 s2, s17  }
0x8e: {  	[smem:$0x3FBA] =	sst s2  }
0x8f: {  	_ = 	snop  }
0x90: {  	s2 =	sld [smem:$0x3FD0];
	(tm) =	ssettm $0x1  }
0x91: {  	s18 =	sld [smem:$0x3FFB];
	_ =	sdelay $0x3  }
0x92: {  	_ =	strace s18  }
0x93: {  	s3 =	sld [smem:$0x3FFC];
	_ =	sdelay $0x3  }
0x94: {  	_ =	strace s3  }
0x95: {  	s3 =	sld [smem:$0x3FFD];
	_ =	sdelay $0x3  }
0x96: {  	_ =	strace s3  }
0x97: {  	_ =	strace $0x8FFFFFFF  }
0x98: {  	s19 =	sld [smem:$0x3FDB];
	_ =	sdelay $0x1  }
0x99: {  	s4 =	simm.s32 $_scs_section_size  }
0x9a: {  	s5 =	simm.s32 $_size__tile_overlayer_lowered;
	s6 =	simm.s32 $_tile_overlayer_lowered  }
0x9b: {  	s22 =	simm.s32 $0x1BFF;
	s21 =	sshll.u32 s6, $0x1;
	s3 =	sadd.s32 s4, s19  }
0x9c: {  	s7 =	simm.s32 $0x0;
	s20 =	sshll.u32 s5, $0x1;
	s5 =	sadd.s32 s21, s3  }
0x9d: {  	[timem:s7], [sflag:s22] =	dma.local [hbm:s5], s20  }
0x9e: {  	_ =	swait.ge [sflag:s22], s20  }
0x9f: {  	s4 =	ssub.s32 $0x0, s20;
	[sflag:s22] =	ssyncset.done $0x0  }
0xa0: {  	[sflag:s22] =	ssyncadd.s32 s4;
	_ =	sdelay $0x1  }
0xa1: {  	s23 =	simm.s32 $0x1B8B  }
0xa2: {  	_ =	swait.ge [sflag:s23], $0x1  }
0xa3: {  	[sflag:s23] =	ssyncset.done $0x0  }
0xa4: {  	s25 =	simm.s32 $0x1B8E;
	s24 =	sld [smem:$0x3FFE];
	[sflag:s23] =	ssyncadd.s32 $0xFFFFFFFF  }
0xa5: {  	s26 =	simm.s32 $execute0_lowered;
	[smem:$0x3FD2] =	sst s25  }
0xa6: {  	s5 =	sshll.u32 s26, $0x1;
	_ =	strace $0x80000046;
	[dreg:$0x1] =	wrdreg $0xFFFFFFFF  }
0xa7: {  	s28 =	simm.s32 $_size_execute0_lowered;
	s3 =	sadd.s32 s3, s5;
	[dreg:$0x0] =	wrdreg $0x0  }
0xa8: {  	s5 =	sshll.u32 s28, $0x1;
	[dreg:$0x2] =	wrdreg s3  }
0xa9: {  	[dreg:$0x3] =	wrdreg s5  }
0xaa: {  	[dreg:$0x4] =	wrdreg $0xC0  }
0xab: {  	_ =	task [dreg:s7], $0x5FFFF  }
0xac: {  	[dreg:$0x1] =	wrdreg $0xFFFFFFFF  }
0xad: {  	[dreg:$0x0] =	wrdreg $0x60  }
0xae: {  	[dreg:$0x2] =	wrdreg s24  }
0xaf: {  	[dreg:$0x3] =	wrdreg s2  }
0xb0: {  	[dreg:$0x4] =	wrdreg $0x5B800  }
0xb1: {  	[dreg:$0x5] =	wrdreg $0x1E2800  }
0xb2: {  	[dreg:$0x6] =	wrdreg $0x9  }
0xb3: {  	_ =	task.clear_ibuf [dreg:s7], $0x7FFFF;
	_ =	strace $0x90000046  }
0xb4: {  	s29 =	simm.s32 $0x9;
	_ =	strace $0x80000048  }
0xb5: {  	_ =	swait.ge [sflag:s29], $0x1  }
0xb6: {  	[sflag:s29] =	ssyncadd.s32 $0xFFFFFFFF  }
0xb7: {  	_ =	strace $0x90000048  }
0xb8: {  	_ =	sfence  }
0xb9: {  	s30 =	sld [smem:$0x0];
	_ =	sdelay $0x2  }
0xba: {  	s31 =	sshll.u32 s1, $0xD;
	s1 =	sshrl.u32 s1, $0x2  }
0xbb: {  	s3 =	sand.u32 $0x4000, s31;
	s1 =	sadd.s32 s1, s30  }
0xbc: {  	s0 =	sor.u32 s3, s0;
	s1 =	sshll.u32 s1, $0x11  }
0xbd: {  	s0 =	sor.u32 s1, s0  }
0xbe: {  	s0 =	sadd.s32 $0x8F2B, s0  }
0xbf: {  	[sflag:s0] =	ssyncadd.remote.s32 $0x1  }
0xc0: {  	_ =	sfence.sel $0xFFFF  }
0xc1: {  	[dreg:$0x0] =	wrdreg $0xFFFFFFFF;
	(pc) =	sbr.abs _section_cstart, $3  }
0xc2: {  	[dreg:$0x1] =	wrdreg $0xFFFFFFFF  }
0xc3: {  	_ =	task.clear_ibuf [dreg:s7], $0x2FFFF;
	_ =	strace $0x9FFFFFFF  }
0xc4: {  	(tm) =	ssettm $0x7FFFFFFF  }
0xc5: {  	_ =	shalt  }
tec
execute0_lowered:
.L_overlay_start_1:
0x0: {  	(tag) =	ssettag $0x1  }
0x1: {  	s0 =	rddreg [dreg:$0x0]  }
0x2: {  	s2 =	rddreg [dreg:$0x2];
	s1 =	srdreg.scid  }
0x3: {  	s4 =	rddreg [dreg:$0x3];
	s11 =	stileid.u32;
	s5 =	simm.s32 $0x0  }
0x4: {  	s28 =	simm.s32 $0x180;
	s29 =	simm.s32 $0x1D00;
	s30 =	simm.s32 $0x200  }
0x5: {  	s31 =	simm.s32 $0x2500;
	s13 =	simm.s32 $0x2;
	s14 =	simm.s32 $0x3  }
0x6: {  	s1 =	sand.u32 $0x1, s1;
	s7 =	smul.u32 $0x1880, s11;
	[smem:$0x7FF] =	sst s5  }
0x7: {  	s6 =	sadd.s32 $0x1EF800, s0;
	s9 =	sadd.s32 $0x68E00, s0;
	s10 =	smul.u32 $0x61C00, s11  }
0x8: {  	s18 =	sadd.s32 $0x6C000, s0;
	s21 =	smul.u32 $0x1870, s11;
	s23 =	sshll.u32 s11, $0x6  }
0x9: {  	s11 =	smul.u32 $0x1900, s11;
	_ =	strace $0x80000047;
	[dreg:$0x5] =	wrdreg s9  }
0xa: {  	s12 =	sadd.s32 $0x6C400, s0;
	s3 =	smul.u32 $0x19000, s1;
	[dreg:$0x6] =	wrdreg s18  }
0xb: {  	s8 =	smul.u32 $0x18800, s1;
	s19 =	ssub.s32 $0x2, s1;
	[dreg:$0x7] =	wrdreg s12  }
0xc: {  	s1 =	smul.u32 $0x187000, s1;
	s18 =	simm.s32 $0x4;
	s20 =	sshrl.u32 s19, $0x1  }
0xd: {  	[dreg:$0x8] =	wrdreg s21;
	s22 =	sshrl.u32 s10, $0x2;
	s10 =	sor.u32 $0x1C04, s23  }
0xe: {  	s21 =	simm.s32 $0x280;
	s23 =	simm.s32 $0x500;
	s3 =	sadd.s32 s3, s0  }
0xf: {  	s8 =	sadd.s32 s7, s8;
	s9 =	sadd.s32 s22, s2;
	s7 =	sadd.s32 s7, s4  }
0x10: {  	[dreg:$0xa] =	wrdreg s1;
	s22 =	simm.s32 $0x80;
	s1 =	simm.s32 $0x1  }
0x11: {  	[dreg:$0x9] =	wrdreg s10;
	s8 =	sshrl.u32 s8, $0x3;
	s25 =	sadd.s32 s11, s3  }
0x12: {  	s26 =	sshrl.u32 s9, $0x3;
	s12 =	sshrl.u32 s7, $0x3;
	s3 =	simm.s32 $0x300  }
0x13: {  	s7 =	simm.s32 $0x380;
	s9 =	simm.s32 $0x480;
	s11 =	simm.s32 $0x0  }
0x14: {  	s0 =	sadd.s32 s8, s0;
	s8 =	ssub.s32 s19, s20;
	s15 =	sadd.s32 $0x36E00, s25  }
0x15: {  	s16 =	sadd.s32 $0x4E00, s25;
	[dreg:$0xd] =	wrdreg s26;
	s20 =	simm.s32 $0x2D00  }
0x16: {  	s25 =	simm.s32 $0x100;
	[dreg:$0xe] =	wrdreg s12;
	s0 =	sadd.s32 $0x6C600, s0  }
0x17: {  	v0 =	vlaneseq.u32;
	s26 =	simm.s32 $0x1500;
	s24 =	smax.u32 s8, $0x1;
	[dreg:$0xb] =	wrdreg s0  }
0x18: {  	v0 =	vmul.u32 $0x170, v0;
	s8 =	simm.s32 $0x400;
	[dreg:$0xc] =	wrdreg s24;
	s24 =	simm.s32 $0xD00  }
.LBB2_1:
0x19: {  	[dreg:$0xf] =	wrdreg s11  }
0x1a: {  	s0 =	rddreg [dreg:$0x5]  }
0x1b: {  	s19 =	rddreg [dreg:$0xd]  }
0x1c: {  	[spmem:s19], [sflag:s10] =	dma.local [hbm:s0], $0x30E0  }
0x1d: {  	_ =	swait.ge [sflag:s18], $0x30E0  }
0x1e: {  	[sflag:s18] =	ssyncset.done $0x0  }
0x1f: {  	s11 =	rddreg [dreg:$0x6];
	[sflag:s18] =	ssyncadd.s32 $0xFFFFCF20  }
0x20: {  	[spmem:s12], [sflag:s10] =	dma.local [hbm:s11], $0x310  }
0x21: {  	_ =	swait.ge [sflag:s18], $0x310  }
0x22: {  	[sflag:s18] =	ssyncset.done $0x0  }
0x23: {  	s12 =	rddreg [dreg:$0x7];
	[sflag:s18] =	ssyncadd.s32 $0xFFFFFCF0  }
0x24: {  	[tilespmem:s20], [sflag:$0x4] =	stream.linear.gather [hbm4b:s12+s5], $0x80, $0x38;
	[tilespmem:$0x1FB00] =	vst v63  }
0x25: {  	_ =	swait.ge [sflag:s18], $0x80  }
0x26: {  	[sflag:s18] =	ssyncset.done $0x0  }
0x27: {  	[sflag:s18] =	ssyncadd.s32 $0xFFFFFF80  }
0x28: {  	s17 =	sadd.s32 $0x0, s15;
	[bflag:$0x0] =	sbarrier.arrive $0xFFFF  }
0x29: {  	[tilespmem:s5], [sflag:$0x4] =	stream.linear.gather [hbm4b:s17+s5], $0x280, $0x38;
	[tilespmem:$0x1FB00] =	vst v63  }
0x2a: {  	_ =	swait.ge [sflag:s18], $0x280  }
0x2b: {  	[sflag:s18] =	ssyncset.done $0x0  }
0x2c: {  	s19 =	sadd.s32 $0x0, s16;
	[sflag:s18] =	ssyncadd.s32 $0xFFFFFD80  }
0x2d: {  	[tilespmem:s21], [sflag:$0x4] =	stream.linear.gather [hbm4b:s19+s5], $0x280, $0x38;
	[tilespmem:$0x1FB00] =	vst v63  }
0x2e: {  	_ =	swait.ge [sflag:s18], $0x280  }
0x2f: {  	[sflag:s18] =	ssyncset.done $0x0  }
0x30: {  	[sflag:s18] =	ssyncadd.s32 $0xFFFFFD80  }
0x31: {  	[tilespmem:s23], [sflag:$0x1] =	stream.indirect.gather [hbm4b:s6+s22], $0x10, s5, s22, $0xb8;
	[tilespmem:$0x1FB00] =	vst v63  }
0x32: {  	_ = 	snop  }
0x33: {  	[tilespmem:s24], [sflag:$0x1] =	stream.indirect.gather [hbm4b:s6+s22], $0x10, s22, s22, $0xb8;
	[tilespmem:$0x1FB00] =	vst v63  }
0x34: {  	_ = 	snop  }
0x35: {  	[tilespmem:s26], [sflag:$0x1] =	stream.indirect.gather [hbm4b:s6+s22], $0x10, s25, s22, $0xb8;
	[tilespmem:$0x1FB00] =	vst v63  }
0x36: {  	_ = 	snop  }
0x37: {  	[tilespmem:s29], [sflag:$0x1] =	stream.indirect.gather [hbm4b:s6+s22], $0x10, s28, s22, $0xb8;
	[tilespmem:$0x1FB00] =	vst v63  }
0x38: {  	_ = 	snop  }
0x39: {  	[tilespmem:s31], [sflag:$0x1] =	stream.indirect.gather [hbm4b:s6+s22], $0x10, s30, s22, $0xb8;
	[tilespmem:$0x1FB00] =	vst v63  }
0x3a: {  	_ =	swait.ge [sflag:s1], $0x2800  }
0x3b: {  	[sflag:s1] =	ssyncset.done $0x0  }
0x3c: {  	[sflag:s1] =	ssyncadd.s32 $0xFFFFD800  }
0x3d: {  	[spmem:s2] =	stream.indirect.scatter.add.f32 [tilespmem:s23], [sflag:$0x2], $0x10, s21, s22, $0xb8;
	[tilespmem:$0x1FB00] =	vst v63  }
0x3e: {  	_ = 	snop  }
0x3f: {  	[spmem:s4] =	stream.indirect.scatter.add.f32 [tilespmem:s20], [sflag:$0x3], $0x1, s21, s22, $0xb8;
	[tilespmem:$0x1FB00] =	vst v63  }
0x40: {  	_ = 	snop  }
0x41: {  	[spmem:s2] =	stream.indirect.scatter.add.f32 [tilespmem:s24], [sflag:$0x2], $0x10, s3, s22, $0xb8;
	[tilespmem:$0x1FB00] =	vst v63  }
0x42: {  	_ = 	snop  }
0x43: {  	[spmem:s4] =	stream.indirect.scatter.add.f32 [tilespmem:s20], [sflag:$0x3], $0x1, s3, s22, $0xb8;
	[tilespmem:$0x1FB00] =	vst v63  }
0x44: {  	_ = 	snop  }
0x45: {  	[spmem:s2] =	stream.indirect.scatter.add.f32 [tilespmem:s26], [sflag:$0x2], $0x10, s7, s22, $0xb8;
	[tilespmem:$0x1FB00] =	vst v63  }
0x46: {  	_ = 	snop  }
0x47: {  	[spmem:s4] =	stream.indirect.scatter.add.f32 [tilespmem:s20], [sflag:$0x3], $0x1, s7, s22, $0xb8;
	[tilespmem:$0x1FB00] =	vst v63  }
0x48: {  	_ = 	snop  }
0x49: {  	[spmem:s2] =	stream.indirect.scatter.add.f32 [tilespmem:s29], [sflag:$0x2], $0x10, s8, s22, $0xb8;
	[tilespmem:$0x1FB00] =	vst v63  }
0x4a: {  	_ = 	snop  }
0x4b: {  	[spmem:s4] =	stream.indirect.scatter.add.f32 [tilespmem:s20], [sflag:$0x3], $0x1, s8, s22, $0xb8;
	[tilespmem:$0x1FB00] =	vst v63  }
0x4c: {  	_ = 	snop  }
0x4d: {  	[spmem:s2] =	stream.indirect.scatter.add.f32 [tilespmem:s31], [sflag:$0x2], $0x10, s9, s22, $0xb8;
	[tilespmem:$0x1FB00] =	vst v63  }
0x4e: {  	_ = 	snop  }
0x4f: {  	[spmem:s4] =	stream.indirect.scatter.add.f32 [tilespmem:s20], [sflag:$0x3], $0x1, s9, s22, $0xb8;
	[tilespmem:$0x1FB00] =	vst v63  }
0x50: {  	_ =	swait.ge [sflag:s13], $0x2800  }
0x51: {  	[sflag:s13] =	ssyncset.done $0x0  }
0x52: {  	[sflag:s13] =	ssyncadd.s32 $0xFFFFD800  }
0x53: {  	_ =	swait.ge [sflag:s14], $0x50  }
0x54: {  	s0 =	simm.s32 $0xA0;
	s11 =	simm.s32 $0x50;
	[sflag:s14] =	ssyncset.done $0x0  }
.LBB2_2:
0x55: {  	s10 =	sadd.s32 s11, s15  }
0x56: {  	[sflag:s14] =	ssyncadd.s32 $0xFFFFFFB0;
	s12 =	smov.u32 s0;
	s19 =	sadd.s32 $0x50, s0  }
0x57: {  	[tilespmem:s5], [sflag:$0x4] =	stream.linear.gather [hbm4b:s10+s5], $0x280, $0x38;
	[tilespmem:$0x1FB00] =	vst v63  }
0x58: {  	p0 =	sne.s32 s0, $0x18B0;
	_ =	swait.ge [sflag:s18], $0x280  }
0x59: {  	[sflag:s18] =	ssyncset.done $0x0  }
0x5a: {  	s0 =	sadd.s32 s11, s16;
	s11 =	smov.u32 s12;
	[sflag:s18] =	ssyncadd.s32 $0xFFFFFD80  }
0x5b: {  	[tilespmem:s21], [sflag:$0x4] =	stream.linear.gather [hbm4b:s0+s5], $0x280, $0x38;
	[tilespmem:$0x1FB00] =	vst v63  }
0x5c: {  	_ =	swait.ge [sflag:s18], $0x280  }
0x5d: {  	[sflag:s18] =	ssyncset.done $0x0  }
0x5e: {  	[sflag:s18] =	ssyncadd.s32 $0xFFFFFD80  }
0x5f: {  	[tilespmem:s23], [sflag:$0x1] =	stream.indirect.gather [hbm4b:s6+s22], $0x10, s5, s22, $0xb8;
	[tilespmem:$0x1FB00] =	vst v63  }
0x60: {  	_ = 	snop  }
0x61: {  	[tilespmem:s24], [sflag:$0x1] =	stream.indirect.gather [hbm4b:s6+s22], $0x10, s22, s22, $0xb8;
	[tilespmem:$0x1FB00] =	vst v63  }
0x62: {  	_ = 	snop  }
0x63: {  	[tilespmem:s26], [sflag:$0x1] =	stream.indirect.gather [hbm4b:s6+s22], $0x10, s25, s22, $0xb8;
	[tilespmem:$0x1FB00] =	vst v63  }
0x64: {  	_ = 	snop  }
0x65: {  	[tilespmem:s29], [sflag:$0x1] =	stream.indirect.gather [hbm4b:s6+s22], $0x10, s28, s22, $0xb8;
	[tilespmem:$0x1FB00] =	vst v63  }
0x66: {  	_ = 	snop  }
0x67: {  	[tilespmem:s31], [sflag:$0x1] =	stream.indirect.gather [hbm4b:s6+s22], $0x10, s30, s22, $0xb8;
	[tilespmem:$0x1FB00] =	vst v63  }
0x68: {  	_ =	swait.ge [sflag:s1], $0x2800  }
0x69: {  	[sflag:s1] =	ssyncset.done $0x0  }
0x6a: {  	[sflag:s1] =	ssyncadd.s32 $0xFFFFD800  }
0x6b: {  	[spmem:s2] =	stream.indirect.scatter.add.f32 [tilespmem:s23], [sflag:$0x2], $0x10, s21, s22, $0xb8;
	[tilespmem:$0x1FB00] =	vst v63  }
0x6c: {  	_ = 	snop  }
0x6d: {  	[spmem:s4] =	stream.indirect.scatter.add.f32 [tilespmem:s20], [sflag:$0x3], $0x1, s21, s22, $0xb8;
	[tilespmem:$0x1FB00] =	vst v63  }
0x6e: {  	_ = 	snop  }
0x6f: {  	[spmem:s2] =	stream.indirect.scatter.add.f32 [tilespmem:s24], [sflag:$0x2], $0x10, s3, s22, $0xb8;
	[tilespmem:$0x1FB00] =	vst v63  }
0x70: {  	_ = 	snop  }
0x71: {  	[spmem:s4] =	stream.indirect.scatter.add.f32 [tilespmem:s20], [sflag:$0x3], $0x1, s3, s22, $0xb8;
	[tilespmem:$0x1FB00] =	vst v63  }
0x72: {  	_ = 	snop  }
0x73: {  	[spmem:s2] =	stream.indirect.scatter.add.f32 [tilespmem:s26], [sflag:$0x2], $0x10, s7, s22, $0xb8;
	[tilespmem:$0x1FB00] =	vst v63  }
0x74: {  	_ = 	snop  }
0x75: {  	[spmem:s4] =	stream.indirect.scatter.add.f32 [tilespmem:s20], [sflag:$0x3], $0x1, s7, s22, $0xb8;
	[tilespmem:$0x1FB00] =	vst v63  }
0x76: {  	_ = 	snop  }
0x77: {  	[spmem:s2] =	stream.indirect.scatter.add.f32 [tilespmem:s29], [sflag:$0x2], $0x10, s8, s22, $0xb8;
	[tilespmem:$0x1FB00] =	vst v63  }
0x78: {  	_ = 	snop  }
0x79: {  	[spmem:s4] =	stream.indirect.scatter.add.f32 [tilespmem:s20], [sflag:$0x3], $0x1, s8, s22, $0xb8;
	[tilespmem:$0x1FB00] =	vst v63  }
0x7a: {  	_ = 	snop  }
0x7b: {  	[spmem:s2] =	stream.indirect.scatter.add.f32 [tilespmem:s31], [sflag:$0x2], $0x10, s9, s22, $0xb8;
	[tilespmem:$0x1FB00] =	vst v63  }
0x7c: {  	_ = 	snop  }
0x7d: {  	[spmem:s4] =	stream.indirect.scatter.add.f32 [tilespmem:s20], [sflag:$0x3], $0x1, s9, s22, $0xb8;
	[tilespmem:$0x1FB00] =	vst v63  }
.Ltmp0:
0x7e: {  	_ =	swait.ge [sflag:s13], $0x2800;
	(pc) =	sbr.rel @p0 .LBB2_2-.Ltmp0, $4  }
0x7f: {  	[sflag:s13] =	ssyncset.done $0x0  }
0x80: {  	[sflag:s13] =	ssyncadd.s32 $0xFFFFD800  }
0x81: {  	_ =	swait.ge [sflag:s14], $0x50  }
0x82: {  	s0 =	smov.u32 s19;
	[sflag:s14] =	ssyncset.done $0x0  }
0x83: {  	s0 =	sadd.s32 s11, s15;
	[sflag:s14] =	ssyncadd.s32 $0xFFFFFFB0  }
0x84: {  	[tilespmem:s5], [sflag:$0x4] =	stream.linear.gather [hbm4b:s0+s5], $0x280, $0x38;
	[tilespmem:$0x1FB00] =	vst v63  }
0x85: {  	_ =	swait.ge [sflag:s18], $0x280  }
0x86: {  	[sflag:s18] =	ssyncset.done $0x0  }
0x87: {  	s19 =	sadd.s32 s11, s16;
	[sflag:s18] =	ssyncadd.s32 $0xFFFFFD80  }
0x88: {  	[tilespmem:s21], [sflag:$0x4] =	stream.linear.gather [hbm4b:s19+s5], $0x280, $0x38;
	[tilespmem:$0x1FB00] =	vst v63  }
0x89: {  	_ =	swait.ge [sflag:s18], $0x280  }
0x8a: {  	[sflag:s18] =	ssyncset.done $0x0  }
0x8b: {  	[sflag:s18] =	ssyncadd.s32 $0xFFFFFD80  }
0x8c: {  	[tilespmem:s23], [sflag:$0x1] =	stream.indirect.gather [hbm4b:s6+s22], $0x10, s5, s22, $0xb8;
	[tilespmem:$0x1FB00] =	vst v63  }
0x8d: {  	_ = 	snop  }
0x8e: {  	[tilespmem:s24], [sflag:$0x1] =	stream.indirect.gather [hbm4b:s6+s22], $0x10, s22, s22, $0xb8;
	[tilespmem:$0x1FB00] =	vst v63  }
0x8f: {  	_ = 	snop  }
0x90: {  	[tilespmem:s26], [sflag:$0x1] =	stream.indirect.gather [hbm4b:s6+s22], $0x10, s25, s22, $0xb8;
	[tilespmem:$0x1FB00] =	vst v63  }
0x91: {  	_ = 	snop  }
0x92: {  	[tilespmem:s29], [sflag:$0x1] =	stream.indirect.gather [hbm4b:s6+s22], $0x10, s28, s22, $0xb8;
	[tilespmem:$0x1FB00] =	vst v63  }
0x93: {  	_ = 	snop  }
0x94: {  	[tilespmem:s31], [sflag:$0x1] =	stream.indirect.gather [hbm4b:s6+s22], $0x10, s30, s22, $0xb8;
	[tilespmem:$0x1FB00] =	vst v63  }
0x95: {  	_ =	swait.ge [sflag:s1], $0x2800  }
0x96: {  	[sflag:s1] =	ssyncset.done $0x0  }
0x97: {  	[sflag:s1] =	ssyncadd.s32 $0xFFFFD800  }
0x98: {  	[spmem:s2] =	stream.indirect.scatter.add.f32 [tilespmem:s23], [sflag:$0x2], $0x10, s21, s22, $0xb8;
	[tilespmem:$0x1FB00] =	vst v63  }
0x99: {  	_ = 	snop  }
0x9a: {  	[spmem:s4] =	stream.indirect.scatter.add.f32 [tilespmem:s20], [sflag:$0x3], $0x1, s21, s22, $0xb8;
	[tilespmem:$0x1FB00] =	vst v63  }
0x9b: {  	_ = 	snop  }
0x9c: {  	[spmem:s2] =	stream.indirect.scatter.add.f32 [tilespmem:s24], [sflag:$0x2], $0x10, s3, s22, $0xb8;
	[tilespmem:$0x1FB00] =	vst v63  }
0x9d: {  	_ = 	snop  }
0x9e: {  	[spmem:s4] =	stream.indirect.scatter.add.f32 [tilespmem:s20], [sflag:$0x3], $0x1, s3, s22, $0xb8;
	[tilespmem:$0x1FB00] =	vst v63  }
0x9f: {  	_ = 	snop  }
0xa0: {  	[spmem:s2] =	stream.indirect.scatter.add.f32 [tilespmem:s26], [sflag:$0x2], $0x10, s7, s22, $0xb8;
	[tilespmem:$0x1FB00] =	vst v63  }
0xa1: {  	_ = 	snop  }
0xa2: {  	[spmem:s4] =	stream.indirect.scatter.add.f32 [tilespmem:s20], [sflag:$0x3], $0x1, s7, s22, $0xb8;
	[tilespmem:$0x1FB00] =	vst v63  }
0xa3: {  	_ = 	snop  }
0xa4: {  	[spmem:s2] =	stream.indirect.scatter.add.f32 [tilespmem:s29], [sflag:$0x2], $0x10, s8, s22, $0xb8;
	[tilespmem:$0x1FB00] =	vst v63  }
0xa5: {  	_ = 	snop  }
0xa6: {  	[spmem:s4] =	stream.indirect.scatter.add.f32 [tilespmem:s20], [sflag:$0x3], $0x1, s8, s22, $0xb8;
	[tilespmem:$0x1FB00] =	vst v63  }
0xa7: {  	_ = 	snop  }
0xa8: {  	[spmem:s2] =	stream.indirect.scatter.add.f32 [tilespmem:s31], [sflag:$0x2], $0x10, s9, s22, $0xb8;
	[tilespmem:$0x1FB00] =	vst v63  }
0xa9: {  	_ = 	snop  }
0xaa: {  	[spmem:s4] =	stream.indirect.scatter.add.f32 [tilespmem:s20], [sflag:$0x3], $0x1, s9, s22, $0xb8;
	[tilespmem:$0x1FB00] =	vst v63  }
0xab: {  	_ =	swait.ge [sflag:s13], $0x2800  }
0xac: {  	[sflag:s13] =	ssyncset.done $0x0  }
0xad: {  	[sflag:s13] =	ssyncadd.s32 $0xFFFFD800  }
0xae: {  	_ =	swait.ge [sflag:s14], $0x50  }
0xaf: {  	[sflag:s14] =	ssyncset.done $0x0  }
0xb0: {  	[sflag:s14] =	ssyncadd.s32 $0xFFFFFFB0  }
0xb1: {  	s11 =	simm.s32 $0x0;
	[bflag:$0x0] =	sbarrier.arrive $0xFFFF  }
.LBB2_4:
0xb2: {  	p0 =	slt.u32 s11, $0x2  }
0xb3: {  	s10 =	simm.s32 @!p0 $0x1  }
0xb4: {  	_ =	swait.ge @!p0 [sflag:s10], $0x170  }
0xb5: {  	[sflag:s10] =	ssyncset.done @!p0 $0x0  }
0xb6: {  	[sflag:s10] =	ssyncadd.s32 @!p0 $0xFFFFFE90  }
0xb7: {  	_ =	swait.ge @!p0 [sflag:s10], $0x170  }
0xb8: {  	[sflag:s10] =	ssyncset.done @!p0 $0x0  }
0xb9: {  	[sflag:s10] =	ssyncadd.s32 @!p0 $0xFFFFFE90  }
0xba: {  	_ =	swait.ge @!p0 [sflag:s10], $0x170  }
0xbb: {  	[sflag:s10] =	ssyncset.done @!p0 $0x0  }
0xbc: {  	[sflag:s10] =	ssyncadd.s32 @!p0 $0xFFFFFE90  }
0xbd: {  	_ =	swait.ge @!p0 [sflag:s10], $0x170  }
0xbe: {  	[sflag:s10] =	ssyncset.done @!p0 $0x0  }
0xbf: {  	[sflag:s10] =	ssyncadd.s32 @!p0 $0xFFFFFE90  }
0xc0: {  	_ =	swait.ge @!p0 [sflag:s10], $0x170  }
0xc1: {  	[sflag:s10] =	ssyncset.done @!p0 $0x0  }
0xc2: {  	[sflag:s10] =	ssyncadd.s32 @!p0 $0xFFFFFE90  }
0xc3: {  	_ =	swait.ge @!p0 [sflag:s10], $0x170  }
0xc4: {  	[sflag:s10] =	ssyncset.done @!p0 $0x0  }
0xc5: {  	[sflag:s10] =	ssyncadd.s32 @!p0 $0xFFFFFE90  }
0xc6: {  	_ =	swait.ge @!p0 [sflag:s10], $0x170  }
0xc7: {  	[sflag:s10] =	ssyncset.done @!p0 $0x0  }
0xc8: {  	[sflag:s10] =	ssyncadd.s32 @!p0 $0xFFFFFE90  }
0xc9: {  	_ =	swait.ge @!p0 [sflag:s10], $0x170  }
0xca: {  	[sflag:s10] =	ssyncset.done @!p0 $0x0  }
0xcb: {  	[sflag:s10] =	ssyncadd.s32 @!p0 $0xFFFFFE90  }
0xcc: {  	_ =	swait.ge @!p0 [sflag:s10], $0x170  }
0xcd: {  	[sflag:s10] =	ssyncset.done @!p0 $0x0  }
0xce: {  	[sflag:s10] =	ssyncadd.s32 @!p0 $0xFFFFFE90  }
0xcf: {  	_ =	swait.ge @!p0 [sflag:s10], $0x170  }
0xd0: {  	[sflag:s10] =	ssyncset.done @!p0 $0x0  }
0xd1: {  	[sflag:s10] =	ssyncadd.s32 @!p0 $0xFFFFFE90  }
0xd2: {  	_ =	swait.ge @!p0 [sflag:s10], $0x170  }
0xd3: {  	[sflag:s10] =	ssyncset.done @!p0 $0x0  }
0xd4: {  	[sflag:s10] =	ssyncadd.s32 @!p0 $0xFFFFFE90  }
0xd5: {  	_ =	swait.ge @!p0 [sflag:s10], $0x170  }
0xd6: {  	[sflag:s10] =	ssyncset.done @!p0 $0x0  }
0xd7: {  	[sflag:s10] =	ssyncadd.s32 @!p0 $0xFFFFFE90  }
0xd8: {  	_ =	swait.ge @!p0 [sflag:s10], $0x170  }
0xd9: {  	[sflag:s10] =	ssyncset.done @!p0 $0x0  }
0xda: {  	[sflag:s10] =	ssyncadd.s32 @!p0 $0xFFFFFE90  }
0xdb: {  	_ =	swait.ge @!p0 [sflag:s10], $0x170  }
0xdc: {  	[sflag:s10] =	ssyncset.done @!p0 $0x0  }
0xdd: {  	[sflag:s10] =	ssyncadd.s32 @!p0 $0xFFFFFE90  }
0xde: {  	s0 =	smul.u32 $0x170, s11;
	_ =	swait.ge @!p0 [sflag:s10], $0x170  }
0xdf: {  	[sflag:s10] =	ssyncset.done @!p0 $0x0;
	s12 =	rddreg [dreg:$0x8]  }
0xe0: {  	[sflag:s10] =	ssyncadd.s32 @!p0 $0xFFFFFE90;
	s0 =	sadd.s32 s12, s0  }
0xe1: {  	_ =	swait.ge @!p0 [sflag:s10], $0x170;
	s12 =	sshll.u32 s0, $0x4  }
0xe2: {  	[sflag:s10] =	ssyncset.done @!p0 $0x0;
	s12 =	sand.u32 $0x3FFFFFF0, s12  }
0xe3: {  	[sflag:s10] =	ssyncadd.s32 @!p0 $0xFFFFFE90;
	s12 =	sadd.s32 s12, s2;
	s10 =	simm.s32 $0x500  }
0xe4: {  	[tilespmem:s10], [sflag:$0x4] =	stream.linear.gather [spmem:s12], $0x1700, $0x38;
	[tilespmem:$0x1FB00] =	vst v63  }
0xe5: {  	s17 =	sand.u32 $0x1, s11;
	s19 =	simm.s32 $0x0;
	_ =	swait.ge [sflag:s18], $0x1700  }
0xe6: {  	v1 =	vmov s19;
	p0 =	seq.s32 s17, $0x1;
	s17 =	simm.s32 $0x1700;
	[sflag:s18] =	ssyncset.done $0x0  }
0xe7: {  	v2 =	vand.u32 $0x1FF, v1;
	s17 =	simm.s32 @!p0 $0x0;
	[sflag:s18] =	ssyncadd.s32 $0xFFFFE900  }
0xe8: {  	s19 =	simm.s32 $0x1;
	v2 =	vadd.s32 v0, v2;
	s12 =	sadd.s32 $0x2D80, s17;
	v1 =	vld [tilespmem:s10+$0x0]  }
.LBB2_5:
0xe9: {  	p0 =	sne.s32 s19, $0x16F  }
.Ltmp1:
0xea: {  	_ = 	snop;
	(pc) =	sbr.rel @p0 .LBB2_5-.Ltmp1, $4  }
0xeb: {  	_ = 	snop  }
0xec: {  	v3 =	vmov s19;
	s19 =	sadd.s32 $0x1, s19  }
0xed: {  	s10 =	sadd.s32 $0x10, s10;
	v3 =	vand.u32 $0x1FF, v3;
	[tilespmem:v2+s12+$0x0] =	vst.idx.msk $0xffff, v1  }
0xee: {  	v2 =	vadd.s32 v0, v3;
	v1 =	vld [tilespmem:s10+$0x0]  }
0xef: {  	_ = 	snop  }
0xf0: {  	s10 =	rddreg [dreg:$0xa]  }
0xf1: {  	s0 =	sadd.s32 s10, s0  }
0xf2: {  	s19 =	rddreg [dreg:$0x1];
	s0 =	sshrl.u32 s0, $0x3  }
0xf3: {  	s0 =	sadd.s32 s19, s0;
	[tilespmem:v2+s12+$0x0] =	vst.idx.msk $0xffff, v1  }
0xf4: {  	[hbm4b:s0+s5] =	stream.linear.scatter [tilespmem:s12], [sflag:$0x1], $0x170, $0x38;
	[tilespmem:$0x1FB00] =	vst v63  }
0xf5: {  	s19 =	sadd.s32 $0x2EF0, s17;
	s10 =	sadd.s32 $0x30E0, s0  }
0xf6: {  	[hbm4b:s10+s5] =	stream.linear.scatter [tilespmem:s19], [sflag:$0x1], $0x170, $0x38;
	[tilespmem:$0x1FB00] =	vst v63  }
0xf7: {  	s12 =	sadd.s32 $0x61C0, s0;
	s19 =	sadd.s32 $0x3060, s17  }
0xf8: {  	[hbm4b:s12+s5] =	stream.linear.scatter [tilespmem:s19], [sflag:$0x1], $0x170, $0x38;
	[tilespmem:$0x1FB00] =	vst v63  }
0xf9: {  	s12 =	sadd.s32 $0x92A0, s0;
	s19 =	sadd.s32 $0x31D0, s17  }
0xfa: {  	[hbm4b:s12+s5] =	stream.linear.scatter [tilespmem:s19], [sflag:$0x1], $0x170, $0x38;
	[tilespmem:$0x1FB00] =	vst v63  }
0xfb: {  	s12 =	sadd.s32 $0xC380, s0;
	s19 =	sadd.s32 $0x3340, s17  }
0xfc: {  	[hbm4b:s12+s5] =	stream.linear.scatter [tilespmem:s19], [sflag:$0x1], $0x170, $0x38;
	[tilespmem:$0x1FB00] =	vst v63  }
0xfd: {  	s12 =	sadd.s32 $0xF460, s0;
	s19 =	sadd.s32 $0x34B0, s17  }
0xfe: {  	[hbm4b:s12+s5] =	stream.linear.scatter [tilespmem:s19], [sflag:$0x1], $0x170, $0x38;
	[tilespmem:$0x1FB00] =	vst v63  }
0xff: {  	s12 =	sadd.s32 $0x12540, s0;
	s19 =	sadd.s32 $0x3620, s17  }
0x100: {  	[hbm4b:s12+s5] =	stream.linear.scatter [tilespmem:s19], [sflag:$0x1], $0x170, $0x38;
	[tilespmem:$0x1FB00] =	vst v63  }
0x101: {  	s12 =	sadd.s32 $0x15620, s0;
	s19 =	sadd.s32 $0x3790, s17  }
0x102: {  	[hbm4b:s12+s5] =	stream.linear.scatter [tilespmem:s19], [sflag:$0x1], $0x170, $0x38;
	[tilespmem:$0x1FB00] =	vst v63  }
0x103: {  	s12 =	sadd.s32 $0x18700, s0;
	s19 =	sadd.s32 $0x3900, s17  }
0x104: {  	[hbm4b:s12+s5] =	stream.linear.scatter [tilespmem:s19], [sflag:$0x1], $0x170, $0x38;
	[tilespmem:$0x1FB00] =	vst v63  }
0x105: {  	s12 =	sadd.s32 $0x1B7E0, s0;
	s19 =	sadd.s32 $0x3A70, s17  }
0x106: {  	[hbm4b:s12+s5] =	stream.linear.scatter [tilespmem:s19], [sflag:$0x1], $0x170, $0x38;
	[tilespmem:$0x1FB00] =	vst v63  }
0x107: {  	s12 =	sadd.s32 $0x1E8C0, s0;
	s19 =	sadd.s32 $0x3BE0, s17  }
0x108: {  	[hbm4b:s12+s5] =	stream.linear.scatter [tilespmem:s19], [sflag:$0x1], $0x170, $0x38;
	[tilespmem:$0x1FB00] =	vst v63  }
0x109: {  	s12 =	sadd.s32 $0x219A0, s0;
	s19 =	sadd.s32 $0x3D50, s17  }
0x10a: {  	[hbm4b:s12+s5] =	stream.linear.scatter [tilespmem:s19], [sflag:$0x1], $0x170, $0x38;
	[tilespmem:$0x1FB00] =	vst v63  }
0x10b: {  	s11 =	sadd.s32 $0x1, s11;
	s12 =	sadd.s32 $0x24A80, s0;
	s19 =	sadd.s32 $0x3EC0, s17  }
0x10c: {  	[hbm4b:s12+s5] =	stream.linear.scatter [tilespmem:s19], [sflag:$0x1], $0x170, $0x38;
	[tilespmem:$0x1FB00] =	vst v63  }
0x10d: {  	p0 =	sne.s32 s11, $0x11;
	s12 =	sadd.s32 $0x27B60, s0;
	s19 =	sadd.s32 $0x4030, s17  }
0x10e: {  	[hbm4b:s12+s5] =	stream.linear.scatter [tilespmem:s19], [sflag:$0x1], $0x170, $0x38;
	[tilespmem:$0x1FB00] =	vst v63  }
.Ltmp2:
0x10f: {  	_ = 	snop;
	(pc) =	sbr.rel @p0 .LBB2_4-.Ltmp2, $4  }
0x110: {  	s12 =	sadd.s32 $0x2AC40, s0;
	s19 =	sadd.s32 $0x41A0, s17  }
0x111: {  	[hbm4b:s12+s5] =	stream.linear.scatter [tilespmem:s19], [sflag:$0x1], $0x170, $0x38;
	[tilespmem:$0x1FB00] =	vst v63  }
0x112: {  	s0 =	sadd.s32 $0x2DD20, s0;
	s19 =	sadd.s32 $0x4310, s17  }
0x113: {  	[hbm4b:s0+s5] =	stream.linear.scatter [tilespmem:s19], [sflag:$0x1], $0x170, $0x38;
	[tilespmem:$0x1FB00] =	vst v63  }
0x114: {  	_ =	swait.ge [sflag:s1], $0x170  }
0x115: {  	[sflag:s1] =	ssyncset.done $0x0  }
0x116: {  	[sflag:s1] =	ssyncadd.s32 $0xFFFFFE90  }
0x117: {  	_ =	swait.ge [sflag:s1], $0x170  }
0x118: {  	[sflag:s1] =	ssyncset.done $0x0  }
0x119: {  	[sflag:s1] =	ssyncadd.s32 $0xFFFFFE90  }
0x11a: {  	_ =	swait.ge [sflag:s1], $0x170  }
0x11b: {  	[sflag:s1] =	ssyncset.done $0x0  }
0x11c: {  	[sflag:s1] =	ssyncadd.s32 $0xFFFFFE90  }
0x11d: {  	_ =	swait.ge [sflag:s1], $0x170  }
0x11e: {  	[sflag:s1] =	ssyncset.done $0x0  }
0x11f: {  	[sflag:s1] =	ssyncadd.s32 $0xFFFFFE90  }
0x120: {  	_ =	swait.ge [sflag:s1], $0x170  }
0x121: {  	[sflag:s1] =	ssyncset.done $0x0  }
0x122: {  	[sflag:s1] =	ssyncadd.s32 $0xFFFFFE90  }
0x123: {  	_ =	swait.ge [sflag:s1], $0x170  }
0x124: {  	[sflag:s1] =	ssyncset.done $0x0  }
0x125: {  	[sflag:s1] =	ssyncadd.s32 $0xFFFFFE90  }
0x126: {  	_ =	swait.ge [sflag:s1], $0x170  }
0x127: {  	[sflag:s1] =	ssyncset.done $0x0  }
0x128: {  	[sflag:s1] =	ssyncadd.s32 $0xFFFFFE90  }
0x129: {  	_ =	swait.ge [sflag:s1], $0x170  }
0x12a: {  	[sflag:s1] =	ssyncset.done $0x0  }
0x12b: {  	[sflag:s1] =	ssyncadd.s32 $0xFFFFFE90  }
0x12c: {  	_ =	swait.ge [sflag:s1], $0x170  }
0x12d: {  	[sflag:s1] =	ssyncset.done $0x0  }
0x12e: {  	[sflag:s1] =	ssyncadd.s32 $0xFFFFFE90  }
0x12f: {  	_ =	swait.ge [sflag:s1], $0x170  }
0x130: {  	[sflag:s1] =	ssyncset.done $0x0  }
0x131: {  	[sflag:s1] =	ssyncadd.s32 $0xFFFFFE90  }
0x132: {  	_ =	swait.ge [sflag:s1], $0x170  }
0x133: {  	[sflag:s1] =	ssyncset.done $0x0  }
0x134: {  	[sflag:s1] =	ssyncadd.s32 $0xFFFFFE90  }
0x135: {  	_ =	swait.ge [sflag:s1], $0x170  }
0x136: {  	[sflag:s1] =	ssyncset.done $0x0  }
0x137: {  	[sflag:s1] =	ssyncadd.s32 $0xFFFFFE90  }
0x138: {  	_ =	swait.ge [sflag:s1], $0x170  }
0x139: {  	[sflag:s1] =	ssyncset.done $0x0  }
0x13a: {  	[sflag:s1] =	ssyncadd.s32 $0xFFFFFE90  }
0x13b: {  	_ =	swait.ge [sflag:s1], $0x170  }
0x13c: {  	[sflag:s1] =	ssyncset.done $0x0  }
0x13d: {  	[sflag:s1] =	ssyncadd.s32 $0xFFFFFE90  }
0x13e: {  	_ =	swait.ge [sflag:s1], $0x170  }
0x13f: {  	[sflag:s1] =	ssyncset.done $0x0  }
0x140: {  	[sflag:s1] =	ssyncadd.s32 $0xFFFFFE90  }
0x141: {  	_ =	swait.ge [sflag:s1], $0x170  }
0x142: {  	[sflag:s1] =	ssyncset.done $0x0  }
0x143: {  	[sflag:s1] =	ssyncadd.s32 $0xFFFFFE90  }
0x144: {  	_ =	swait.ge [sflag:s1], $0x170  }
0x145: {  	[sflag:s1] =	ssyncset.done $0x0  }
0x146: {  	[sflag:s1] =	ssyncadd.s32 $0xFFFFFE90  }
0x147: {  	_ =	swait.ge [sflag:s1], $0x170  }
0x148: {  	[sflag:s1] =	ssyncset.done $0x0  }
0x149: {  	[sflag:s1] =	ssyncadd.s32 $0xFFFFFE90  }
0x14a: {  	_ =	swait.ge [sflag:s1], $0x170  }
0x14b: {  	[sflag:s1] =	ssyncset.done $0x0  }
0x14c: {  	[sflag:s1] =	ssyncadd.s32 $0xFFFFFE90  }
0x14d: {  	_ =	swait.ge [sflag:s1], $0x170  }
0x14e: {  	[sflag:s1] =	ssyncset.done $0x0  }
0x14f: {  	[sflag:s1] =	ssyncadd.s32 $0xFFFFFE90  }
0x150: {  	_ =	swait.ge [sflag:s1], $0x170  }
0x151: {  	[sflag:s1] =	ssyncset.done $0x0  }
0x152: {  	[sflag:s1] =	ssyncadd.s32 $0xFFFFFE90  }
0x153: {  	_ =	swait.ge [sflag:s1], $0x170  }
0x154: {  	[sflag:s1] =	ssyncset.done $0x0  }
0x155: {  	[sflag:s1] =	ssyncadd.s32 $0xFFFFFE90  }
0x156: {  	_ =	swait.ge [sflag:s1], $0x170  }
0x157: {  	[sflag:s1] =	ssyncset.done $0x0  }
0x158: {  	[sflag:s1] =	ssyncadd.s32 $0xFFFFFE90  }
0x159: {  	_ =	swait.ge [sflag:s1], $0x170  }
0x15a: {  	[sflag:s1] =	ssyncset.done $0x0  }
0x15b: {  	[sflag:s1] =	ssyncadd.s32 $0xFFFFFE90  }
0x15c: {  	_ =	swait.ge [sflag:s1], $0x170  }
0x15d: {  	[sflag:s1] =	ssyncset.done $0x0  }
0x15e: {  	[sflag:s1] =	ssyncadd.s32 $0xFFFFFE90  }
0x15f: {  	_ =	swait.ge [sflag:s1], $0x170  }
0x160: {  	[sflag:s1] =	ssyncset.done $0x0  }
0x161: {  	[sflag:s1] =	ssyncadd.s32 $0xFFFFFE90  }
0x162: {  	_ =	swait.ge [sflag:s1], $0x170  }
0x163: {  	[sflag:s1] =	ssyncset.done $0x0  }
0x164: {  	[sflag:s1] =	ssyncadd.s32 $0xFFFFFE90  }
0x165: {  	_ =	swait.ge [sflag:s1], $0x170  }
0x166: {  	[sflag:s1] =	ssyncset.done $0x0  }
0x167: {  	[sflag:s1] =	ssyncadd.s32 $0xFFFFFE90  }
0x168: {  	_ =	swait.ge [sflag:s1], $0x170  }
0x169: {  	[sflag:s1] =	ssyncset.done $0x0  }
0x16a: {  	[sflag:s1] =	ssyncadd.s32 $0xFFFFFE90  }
0x16b: {  	_ =	swait.ge [sflag:s1], $0x170  }
0x16c: {  	[sflag:s1] =	ssyncset.done $0x0  }
0x16d: {  	[sflag:s1] =	ssyncadd.s32 $0xFFFFFE90  }
0x16e: {  	_ =	swait.ge [sflag:s1], $0x170  }
0x16f: {  	[sflag:s1] =	ssyncset.done $0x0  }
0x170: {  	[sflag:s1] =	ssyncadd.s32 $0xFFFFFE90  }
0x171: {  	_ =	swait.ge [sflag:s1], $0x170  }
0x172: {  	s10 =	rddreg [dreg:$0x9]  }
0x173: {  	[sflag:s1] =	ssyncset.done $0x0;
	s0 =	rddreg [dreg:$0xb]  }
0x174: {  	s12 =	rddreg [dreg:$0xe];
	[sflag:s1] =	ssyncadd.s32 $0xFFFFFE90  }
0x175: {  	[hbm:s0], [sflag:s10] =	dma.local [spmem:s12], $0x310  }
0x176: {  	_ =	swait.ge [sflag:s18], $0x310  }
0x177: {  	s11 =	rddreg [dreg:$0xf]  }
0x178: {  	s19 =	rddreg [dreg:$0xc];
	s11 =	sadd.s32 $0x1, s11  }
0x179: {  	p0 =	sne.s32 s11, s19  }
.Ltmp3:
0x17a: {  	_ = 	snop;
	(pc) =	sbr.rel @p0 .LBB2_1-.Ltmp3, $3  }
0x17b: {  	_ =	sdelay $0x1  }
0x17c: {  	[sflag:s18] =	ssyncset.done $0x0  }
0x17d: {  	[sflag:s18] =	ssyncadd.s32 $0xFFFFFCF0  }
0x17e: {  	_ =	sfence.sel $0x180000  }
0x17f: {  	[bflag:$0x0] =	sbarrier.arrive $0xFFFF  }
0x180: {  	_ =	strace $0x90000047  }
0x181: {  	s0 =	stileid.u32;
	[bflag:$0x2] =	sbarrier.arrive $0xFFFF  }
0x182: {  	p0 =	sne.s32 s0, $0x0;
	s0 =	rddreg [dreg:$0x4]  }
0x183: {  	s0 =	sadd.s32 @!p0 $0x100000, s0  }
0x184: {  	[sflag:s0] =	ssyncadd.tile.s32 @!p0 $0x1;
	_ =	shalt  }
.Lfunc_end2:
_tile_overlayer_lowered:
.L_overlay_start_2:
0x185: {  	(tag) =	ssettag $0x2  }
0x186: {  	s0 =	rddreg [dreg:$0x0];
	s2 =	stileid.u32  }
0x187: {  	s1 =	rddreg [dreg:$0x1];
	p0 =	sne.s32 s2, $0x0  }
0x188: {  	s3 =	rddreg [dreg:$0x2];
	[bflag:$0x3] =	sbarrier.arrive $0xFFFF;
	s2 =	simm.s32 @!p0 $0x1C04  }
0x189: {  	[timem:s3], [sflag:s2] =	dma.local @!p0 [hbm:s0], s1  }
0x18a: {  	s0 =	simm.s32 @!p0 $0x4  }
0x18b: {  	_ =	swait.ge @!p0 [sflag:s0], s1  }
0x18c: {  	s1 =	ssub.s32 @!p0 $0x0, s1;
	[sflag:s0] =	ssyncset.done @!p0 $0x0  }
0x18d: {  	[sflag:s0] =	ssyncadd.s32 @!p0 s1  }
0x18e: {  	[bflag:$0x3] =	sbarrier.arrive $0xFFFF  }
0x18f: {  	_ =	shalt  }

</sc_bundles>
